<compile_context>
chip_gen: v7x
topology: tpu7x:2x2x1
jax: 0.10.2.dev20260603
libtpu: 0.0.44.dev20260713+nightly
codegen_flags: <defaults>
</compile_context>

<pallas_src>
import functools

import jax
import jax.numpy as jnp
from jax import lax
from jax.experimental import pallas as pl
from jax.experimental.pallas import tpu as pltpu
from jax.experimental.pallas import tpu_sc as plsc

_LR = 0.01
_W_MIN = 0.0
_W_MAX = 1.0

_N_POST = 16384
_N_PRE = 4096
_NW = 32
_ROWS_W = _N_POST // _NW
_CR = 4
_NCHUNK = _ROWS_W // _CR
_NBUF = 2
_L = 16


def _sc_body(w_hbm, pre_hbm, spost_hbm, out_hbm,
             pre_v, spost_v, in_buf, out_buf, in_sem, out_sem):
    cid = lax.axis_index("c")
    sid = lax.axis_index("s")
    wid = sid * 2 + cid
    base = wid * _ROWS_W

    pltpu.sync_copy(pre_hbm, pre_v)
    pltpu.sync_copy(spost_hbm.at[pl.ds(base, _ROWS_W)],
                    spost_v.at[pl.ds(0, _ROWS_W)])

    def start_in(chunk, b):
        pltpu.async_copy(
            w_hbm.at[pl.ds(base + chunk * _CR, _CR)], in_buf.at[b], in_sem.at[b])

    def wait_in(b):
        pltpu.make_async_copy(
            w_hbm.at[pl.ds(base, _CR)], in_buf.at[b], in_sem.at[b]).wait()

    def start_out(chunk, b):
        pltpu.async_copy(
            out_buf.at[b], out_hbm.at[pl.ds(base + chunk * _CR, _CR)],
            out_sem.at[b])

    def wait_out(b):
        pltpu.make_async_copy(
            out_buf.at[b], out_hbm.at[pl.ds(base, _CR)], out_sem.at[b]).wait()

    def compute(chunk, b):
        iref = in_buf.at[b]
        oref = out_buf.at[b]
        sv = spost_v[pl.ds(chunk * _CR, _L)]
        svecs = [jnp.full((_L,), sv[r], jnp.float32) for r in range(_CR)]

        @plsc.parallel_loop(0, _N_PRE, _L, unroll=8)
        def _(j):
            sl = pl.ds(j, _L)
            p = pre_v[sl]
            for r in range(_CR):
                w = iref[r, sl]
                oref[r, sl] = jnp.clip(w + svecs[r] * p, _W_MIN, _W_MAX)

    for b in range(_NBUF):
        start_in(b, b)
    for b in range(_NBUF):
        wait_in(b)
        compute(b, b)
        start_out(b, b)
        start_in(b + _NBUF, b)

    def gbody(g2, _):
        for b in range(_NBUF):
            g = g2 * _NBUF + b
            wait_in(b)
            wait_out(b)
            compute(g, b)
            start_out(g, b)
            nxt = lax.rem(g + _NBUF, _NCHUNK)
            start_in(nxt, b)
        return 0

    lax.fori_loop(1, _NCHUNK // _NBUF, gbody, 0)

    for b in range(_NBUF):
        wait_in(b)
        wait_out(b)


def _kernel_sc(weights, pre, post):
    spost = _LR * post
    mesh = plsc.VectorSubcoreMesh(core_axis_name="c", subcore_axis_name="s")
    f = functools.partial(
        pl.kernel,
        mesh=mesh,
        out_type=jax.ShapeDtypeStruct((_N_POST, _N_PRE), jnp.float32),
        scratch_types=[
            pltpu.VMEM((_N_PRE,), jnp.float32),
            pltpu.VMEM((_ROWS_W + _L,), jnp.float32),
            pltpu.VMEM((_NBUF, _CR, _N_PRE), jnp.float32),
            pltpu.VMEM((_NBUF, _CR, _N_PRE), jnp.float32),
            pltpu.SemaphoreType.DMA((_NBUF,)),
            pltpu.SemaphoreType.DMA((_NBUF,)),
        ],
    )(_sc_body)
    return f(weights, pre, spost)



_BR = 512
_RB = 8


def _update_block(w_ref, pre_ref, post_ref, out_ref):
    pre_row = pre_ref[...]
    for i in range(_BR // _RB):
        sl = pl.ds(i * _RB, _RB)
        dw = post_ref[sl, :] * pre_row
        out_ref[sl, :] = jnp.clip(w_ref[sl, :] + dw, _W_MIN, _W_MAX)


def _kernel_tc(weights, pre, post):
    n_post, n_pre = weights.shape
    pre2 = pre.reshape(1, n_pre)
    post2 = (_LR * post).reshape(n_post, 1)
    grid = (n_post // _BR,)
    return pl.pallas_call(
        _update_block,
        grid=grid,
        in_specs=[
            pl.BlockSpec((_BR, n_pre), lambda i: (i, 0)),
            pl.BlockSpec((1, n_pre), lambda i: (0, 0)),
            pl.BlockSpec((_BR, 1), lambda i: (i, 0)),
        ],
        out_specs=pl.BlockSpec((_BR, n_pre), lambda i: (i, 0)),
        out_shape=jax.ShapeDtypeStruct((n_post, n_pre), weights.dtype),
    )(weights, pre2, post2)


def kernel(weights, pre, post):
    return _kernel_sc(weights, pre, post)

# --- scband reference (transcript-rebuilt; emitter-appended) ---
"""Pipeline reference for scband-base-strategy-18760417149251 (READ-ONLY COPY).

The authoritative reference and input builder live on the scoring server;
editing this copy changes nothing except your own understanding.
"""

import jax, jax.numpy as jnp
import numpy as np

LEARNING_RATE = 0.01
W_MIN = 0.0
W_MAX = 1.0


def setup_inputs(seed: int = 0) -> dict:
    key = jax.random.key(seed)
    k1, k2, k3 = jax.random.split(key, 3)
    weights = jax.random.uniform(k1, (16384, 4096), dtype=jnp.float32)
    pre = jax.random.uniform(k2, (4096,), dtype=jnp.float32)
    post = jax.random.uniform(k3, (16384,), dtype=jnp.float32)
    return {"weights": weights, "pre": pre, "post": post}


def reference(weights, pre, post):
    # BaseStrategy concrete Hebbian-style update path:
    # dense outer product (use_sparse_updates=False branch of _compute_sparse_outer)
    dw = LEARNING_RATE * jnp.outer(post, pre)
    # _apply_bounds: hard clamp of weights + dw into [w_min, w_max]
    new_weights = jnp.clip(weights + dw, W_MIN, W_MAX)
    return new_weights

if __name__ == "__main__":
    import jax
    _d = setup_inputs()
    print(jax.jit(kernel)(*tuple(_d.values())))

</pallas_src>

<mosaic_0001>
#map = affine_map<(d0, d1) -> (0, 0)>
#map1 = affine_map<(d0, d1) -> (0)>
module attributes {stable_mosaic.version = 14 : i64} {
  func.func @_sc_body(%arg0: i32, %arg1: i32, %arg2: memref<16384x4096xf32, #tpu.memory_space<hbm>>, %arg3: memref<4096xf32, #tpu.memory_space<hbm>>, %arg4: memref<16384xf32, #tpu.memory_space<hbm>>, %arg5: memref<16384x4096xf32, #tpu.memory_space<hbm>>, %arg6: memref<4096xf32, #tpu.memory_space<vmem>>, %arg7: memref<528xf32, #tpu.memory_space<vmem>>, %arg8: memref<2x4x4096xf32, #tpu.memory_space<vmem>>, %arg9: memref<2x4x4096xf32, #tpu.memory_space<vmem>>, %arg10: memref<2x!tpu.dma_semaphore, #tpu.memory_space<semaphore_mem>>, %arg11: memref<2x!tpu.dma_semaphore, #tpu.memory_space<semaphore_mem>>) attributes {dimension_semantics = [#tpu.dimension_semantics<core_parallel>, #tpu.dimension_semantics<subcore_parallel>], iteration_bounds = array<i64: 2, 16>, scalar_prefetch = 0 : i64, scratch_operands = 6 : i64, tpu.core_type = #tpu.core_type<sc_vector_subcore>, window_params = [{transform_indices = #map}, {transform_indices = #map1}, {transform_indices = #map1}, {transform_indices = #map}]} {
    %mul3A = arith.constant 2 : i32
    %mul3A_0 = arith.muli %arg1, %mul3A : i32
    %add3A = arith.addi %mul3A_0, %arg0 : i32
    %mul3A_1 = arith.constant 512 : i32
    %mul3A_2 = arith.muli %add3A, %mul3A_1 : i32
    "tpu.region"() ({
      %run_scoped3A = tpu.sem_alloc : memref<!tpu.dma_semaphore, #tpu.memory_space<semaphore_mem>>
      tpu.enqueue_dma source(%arg3 : memref<4096xf32, #tpu.memory_space<hbm>>) target(%arg6 : memref<4096xf32, #tpu.memory_space<vmem>>) target_semaphore(%run_scoped3A : memref<!tpu.dma_semaphore, #tpu.memory_space<semaphore_mem>>)
      tpu.wait_dma2 semaphore(%run_scoped3A : memref<!tpu.dma_semaphore, #tpu.memory_space<semaphore_mem>>) src(%arg3 : memref<4096xf32, #tpu.memory_space<hbm>>) dst(%arg6 : memref<4096xf32, #tpu.memory_space<vmem>>)
      tpu.yield
    }) : () -> ()
    "tpu.region"() ({
      %run_scoped3A = tpu.sem_alloc : memref<!tpu.dma_semaphore, #tpu.memory_space<semaphore_mem>>
      %dma_start3A_246 = arith.constant 0 : i32
      %dma_start3A_247 = tpu.memref_slice %arg7[%dma_start3A_246] : memref<528xf32, #tpu.memory_space<vmem>> -> memref<512xf32, #tpu.memory_space<vmem>>
      %dma_start3A_248 = tpu.memref_slice %arg4[%mul3A_2] : memref<16384xf32, #tpu.memory_space<hbm>> -> memref<512xf32, #tpu.memory_space<hbm>>
      %dma_start3A_249 = arith.constant 0 : i32
      %dma_start3A_250 = tpu.memref_slice %arg7[%dma_start3A_249] : memref<528xf32, #tpu.memory_space<vmem>> -> memref<512xf32, #tpu.memory_space<vmem>>
      %dma_start3A_251 = tpu.memref_slice %arg4[%mul3A_2] : memref<16384xf32, #tpu.memory_space<hbm>> -> memref<512xf32, #tpu.memory_space<hbm>>
      tpu.enqueue_dma source(%dma_start3A_251 : memref<512xf32, #tpu.memory_space<hbm>>) target(%dma_start3A_250 : memref<512xf32, #tpu.memory_space<vmem>>) target_semaphore(%run_scoped3A : memref<!tpu.dma_semaphore, #tpu.memory_space<semaphore_mem>>)
      %dma_wait3A_252 = arith.constant 0 : i32
      %dma_wait3A_253 = tpu.memref_slice %arg7[%dma_wait3A_252] : memref<528xf32, #tpu.memory_space<vmem>> -> memref<512xf32, #tpu.memory_space<vmem>>
      %dma_wait3A_254 = tpu.memref_slice %arg4[%mul3A_2] : memref<16384xf32, #tpu.memory_space<hbm>> -> memref<512xf32, #tpu.memory_space<hbm>>
      %dma_wait3A_255 = arith.constant 0 : i32
      %dma_wait3A_256 = tpu.memref_slice %arg7[%dma_wait3A_255] : memref<528xf32, #tpu.memory_space<vmem>> -> memref<512xf32, #tpu.memory_space<vmem>>
      %dma_wait3A_257 = tpu.memref_slice %arg4[%mul3A_2] : memref<16384xf32, #tpu.memory_space<hbm>> -> memref<512xf32, #tpu.memory_space<hbm>>
      tpu.wait_dma2 semaphore(%run_scoped3A : memref<!tpu.dma_semaphore, #tpu.memory_space<semaphore_mem>>) src(%dma_wait3A_257 : memref<512xf32, #tpu.memory_space<hbm>>) dst(%dma_wait3A_256 : memref<512xf32, #tpu.memory_space<vmem>>)
      tpu.yield
    }) : () -> ()
    %add3A_3 = arith.constant 0 : i32
    %add3A_4 = arith.addi %mul3A_2, %add3A_3 : i32
    %dma_start3A = arith.constant 0 : i32
    %dma_start3A_5 = arith.constant 0 : i32
    %dma_start3A_6 = arith.constant 0 : i32
    %dma_start3A_7 = arith.constant 0 : i32
    %dma_start3A_8 = tpu.memref_slice %arg8[%dma_start3A, %dma_start3A_6, %dma_start3A_7] : memref<2x4x4096xf32, #tpu.memory_space<vmem>> -> memref<1x4x4096xf32, #tpu.memory_space<vmem>>
    %dma_start3A_9 = tpu.memref_squeeze %dma_start3A_8 : memref<1x4x4096xf32, #tpu.memory_space<vmem>> -> memref<4x4096xf32, #tpu.memory_space<vmem>>
    %dma_start3A_10 = arith.constant 0 : i32
    %dma_start3A_11 = tpu.memref_slice %arg2[%add3A_4, %dma_start3A_10] : memref<16384x4096xf32, #tpu.memory_space<hbm>> -> memref<4x4096xf32, #tpu.memory_space<hbm>>
    %dma_start3A_12 = tpu.memref_slice %arg10[%dma_start3A_5] : memref<2x!tpu.dma_semaphore, #tpu.memory_space<semaphore_mem>> -> memref<1x!tpu.dma_semaphore, #tpu.memory_space<semaphore_mem>>
    %dma_start3A_13 = tpu.memref_squeeze %dma_start3A_12 : memref<1x!tpu.dma_semaphore, #tpu.memory_space<semaphore_mem>> -> memref<!tpu.dma_semaphore, #tpu.memory_space<semaphore_mem>>
    %dma_start3A_14 = arith.constant 0 : i32
    %dma_start3A_15 = arith.constant 0 : i32
    %dma_start3A_16 = tpu.memref_slice %arg8[%dma_start3A, %dma_start3A_14, %dma_start3A_15] : memref<2x4x4096xf32, #tpu.memory_space<vmem>> -> memref<1x4x4096xf32, #tpu.memory_space<vmem>>
    %dma_start3A_17 = tpu.memref_squeeze %dma_start3A_16 : memref<1x4x4096xf32, #tpu.memory_space<vmem>> -> memref<4x4096xf32, #tpu.memory_space<vmem>>
    %dma_start3A_18 = arith.constant 0 : i32
    %dma_start3A_19 = tpu.memref_slice %arg2[%add3A_4, %dma_start3A_18] : memref<16384x4096xf32, #tpu.memory_space<hbm>> -> memref<4x4096xf32, #tpu.memory_space<hbm>>
    tpu.enqueue_dma source(%dma_start3A_19 : memref<4x4096xf32, #tpu.memory_space<hbm>>) target(%dma_start3A_17 : memref<4x4096xf32, #tpu.memory_space<vmem>>) target_semaphore(%dma_start3A_13 : memref<!tpu.dma_semaphore, #tpu.memory_space<semaphore_mem>>)
    %add3A_20 = arith.constant 4 : i32
    %add3A_21 = arith.addi %mul3A_2, %add3A_20 : i32
    %dma_start3A_22 = arith.constant 1 : i32
    %dma_start3A_23 = arith.constant 1 : i32
    %dma_start3A_24 = arith.constant 0 : i32
    %dma_start3A_25 = arith.constant 0 : i32
    %dma_start3A_26 = tpu.memref_slice %arg8[%dma_start3A_22, %dma_start3A_24, %dma_start3A_25] : memref<2x4x4096xf32, #tpu.memory_space<vmem>> -> memref<1x4x4096xf32, #tpu.memory_space<vmem>>
    %dma_start3A_27 = tpu.memref_squeeze %dma_start3A_26 : memref<1x4x4096xf32, #tpu.memory_space<vmem>> -> memref<4x4096xf32, #tpu.memory_space<vmem>>
    %dma_start3A_28 = arith.constant 0 : i32
    %dma_start3A_29 = tpu.memref_slice %arg2[%add3A_21, %dma_start3A_28] : memref<16384x4096xf32, #tpu.memory_space<hbm>> -> memref<4x4096xf32, #tpu.memory_space<hbm>>
    %dma_start3A_30 = tpu.memref_slice %arg10[%dma_start3A_23] : memref<2x!tpu.dma_semaphore, #tpu.memory_space<semaphore_mem>> -> memref<1x!tpu.dma_semaphore, #tpu.memory_space<semaphore_mem>>
    %dma_start3A_31 = tpu.memref_squeeze %dma_start3A_30 : memref<1x!tpu.dma_semaphore, #tpu.memory_space<semaphore_mem>> -> memref<!tpu.dma_semaphore, #tpu.memory_space<semaphore_mem>>
    %dma_start3A_32 = arith.constant 0 : i32
    %dma_start3A_33 = arith.constant 0 : i32
    %dma_start3A_34 = tpu.memref_slice %arg8[%dma_start3A_22, %dma_start3A_32, %dma_start3A_33] : memref<2x4x4096xf32, #tpu.memory_space<vmem>> -> memref<1x4x4096xf32, #tpu.memory_space<vmem>>
    %dma_start3A_35 = tpu.memref_squeeze %dma_start3A_34 : memref<1x4x4096xf32, #tpu.memory_space<vmem>> -> memref<4x4096xf32, #tpu.memory_space<vmem>>
    %dma_start3A_36 = arith.constant 0 : i32
    %dma_start3A_37 = tpu.memref_slice %arg2[%add3A_21, %dma_start3A_36] : memref<16384x4096xf32, #tpu.memory_space<hbm>> -> memref<4x4096xf32, #tpu.memory_space<hbm>>
    tpu.enqueue_dma source(%dma_start3A_37 : memref<4x4096xf32, #tpu.memory_space<hbm>>) target(%dma_start3A_35 : memref<4x4096xf32, #tpu.memory_space<vmem>>) target_semaphore(%dma_start3A_31 : memref<!tpu.dma_semaphore, #tpu.memory_space<semaphore_mem>>)
    %dma_wait3A = arith.constant 0 : i32
    %dma_wait3A_38 = arith.constant 0 : i32
    %dma_wait3A_39 = arith.constant 0 : i32
    %dma_wait3A_40 = arith.constant 0 : i32
    %dma_wait3A_41 = tpu.memref_slice %arg8[%dma_wait3A, %dma_wait3A_39, %dma_wait3A_40] : memref<2x4x4096xf32, #tpu.memory_space<vmem>> -> memref<1x4x4096xf32, #tpu.memory_space<vmem>>
    %dma_wait3A_42 = tpu.memref_squeeze %dma_wait3A_41 : memref<1x4x4096xf32, #tpu.memory_space<vmem>> -> memref<4x4096xf32, #tpu.memory_space<vmem>>
    %dma_wait3A_43 = arith.constant 0 : i32
    %dma_wait3A_44 = tpu.memref_slice %arg2[%mul3A_2, %dma_wait3A_43] : memref<16384x4096xf32, #tpu.memory_space<hbm>> -> memref<4x4096xf32, #tpu.memory_space<hbm>>
    %dma_wait3A_45 = tpu.memref_slice %arg10[%dma_wait3A_38] : memref<2x!tpu.dma_semaphore, #tpu.memory_space<semaphore_mem>> -> memref<1x!tpu.dma_semaphore, #tpu.memory_space<semaphore_mem>>
    %dma_wait3A_46 = tpu.memref_squeeze %dma_wait3A_45 : memref<1x!tpu.dma_semaphore, #tpu.memory_space<semaphore_mem>> -> memref<!tpu.dma_semaphore, #tpu.memory_space<semaphore_mem>>
    %dma_wait3A_47 = arith.constant 0 : i32
    %dma_wait3A_48 = arith.constant 0 : i32
    %dma_wait3A_49 = tpu.memref_slice %arg8[%dma_wait3A, %dma_wait3A_47, %dma_wait3A_48] : memref<2x4x4096xf32, #tpu.memory_space<vmem>> -> memref<1x4x4096xf32, #tpu.memory_space<vmem>>
    %dma_wait3A_50 = tpu.memref_squeeze %dma_wait3A_49 : memref<1x4x4096xf32, #tpu.memory_space<vmem>> -> memref<4x4096xf32, #tpu.memory_space<vmem>>
    %dma_wait3A_51 = arith.constant 0 : i32
    %dma_wait3A_52 = tpu.memref_slice %arg2[%mul3A_2, %dma_wait3A_51] : memref<16384x4096xf32, #tpu.memory_space<hbm>> -> memref<4x4096xf32, #tpu.memory_space<hbm>>
    tpu.wait_dma2 semaphore(%dma_wait3A_46 : memref<!tpu.dma_semaphore, #tpu.memory_space<semaphore_mem>>) src(%dma_wait3A_52 : memref<4x4096xf32, #tpu.memory_space<hbm>>) dst(%dma_wait3A_50 : memref<4x4096xf32, #tpu.memory_space<vmem>>)
    %get3A = arith.constant 0 : index
    %get3A_53 = tpu.vector_load %arg7[%get3A] {strides = array<i32>} : memref<528xf32, #tpu.memory_space<vmem>>, vector<16xf32>,
    %get3A_54 = vector.shape_cast %get3A_53 : vector<16xf32> to vector<16xf32>
    %slice3A = vector.extract_strided_slice %get3A_54 {offsets = [0], sizes = [1], strides = [1]} : vector<16xf32> to vector<1xf32>
    %squeeze3A = vector.extract %slice3A[0] : f32 from vector<1xf32>
    %broadcast_in_dim3A = vector.broadcast %squeeze3A : f32 to vector<16xf32>
    %slice3A_55 = vector.extract_strided_slice %get3A_54 {offsets = [1], sizes = [1], strides = [1]} : vector<16xf32> to vector<1xf32>
    %squeeze3A_56 = vector.extract %slice3A_55[0] : f32 from vector<1xf32>
    %broadcast_in_dim3A_57 = vector.broadcast %squeeze3A_56 : f32 to vector<16xf32>
    %slice3A_58 = vector.extract_strided_slice %get3A_54 {offsets = [2], sizes = [1], strides = [1]} : vector<16xf32> to vector<1xf32>
    %squeeze3A_59 = vector.extract %slice3A_58[0] : f32 from vector<1xf32>
    %broadcast_in_dim3A_60 = vector.broadcast %squeeze3A_59 : f32 to vector<16xf32>
    %slice3A_61 = vector.extract_strided_slice %get3A_54 {offsets = [3], sizes = [1], strides = [1]} : vector<16xf32> to vector<1xf32>
    %squeeze3A_62 = vector.extract %slice3A_61[0] : f32 from vector<1xf32>
    %broadcast_in_dim3A_63 = vector.broadcast %squeeze3A_62 : f32 to vector<16xf32>
    %parallel_loop3A = arith.constant 0 : i32
    %parallel_loop3A_64 = arith.constant 4096 : i32
    %parallel_loop3A_65 = arith.constant 16 : i32
    %parallel_loop3A_66 = arith.constant 0 : i32
    %parallel_loop3A_67 = arith.constant 0 : i32
    scf.for %parallel_loop3A_246 = %parallel_loop3A to %parallel_loop3A_64 step %parallel_loop3A_65  : i32 {
      %parallel_loop3A_247 = arith.index_cast %parallel_loop3A_246 : i32 to index
      %parallel_loop3A_248 = tpu.vector_load %arg6[%parallel_loop3A_247] {strides = array<i32>} : memref<4096xf32, #tpu.memory_space<vmem>>, vector<16xf32>,
      %parallel_loop3A_249 = vector.shape_cast %parallel_loop3A_248 : vector<16xf32> to vector<16xf32>
      %parallel_loop3A_250 = arith.constant 0 : i32
      %parallel_loop3A_251 = arith.constant 0 : i32
      %parallel_loop3A_252 = arith.constant 0 : i32
      %parallel_loop3A_253 = tpu.memref_slice %arg8[%parallel_loop3A_66, %parallel_loop3A_251, %parallel_loop3A_252] : memref<2x4x4096xf32, #tpu.memory_space<vmem>> -> memref<1x4x4096xf32, #tpu.memory_space<vmem>>
      %parallel_loop3A_254 = tpu.memref_squeeze %parallel_loop3A_253 : memref<1x4x4096xf32, #tpu.memory_space<vmem>> -> memref<4x4096xf32, #tpu.memory_space<vmem>>
      %parallel_loop3A_255 = arith.index_cast %parallel_loop3A_250 : i32 to index
      %parallel_loop3A_256 = arith.index_cast %parallel_loop3A_246 : i32 to index
      %parallel_loop3A_257 = tpu.vector_load %parallel_loop3A_254[%parallel_loop3A_255, %parallel_loop3A_256] {strides = array<i32>} : memref<4x4096xf32, #tpu.memory_space<vmem>>, vector<1x16xf32>,
      %parallel_loop3A_258 = vector.shape_cast %parallel_loop3A_257 : vector<1x16xf32> to vector<16xf32>
      %parallel_loop3A_259 = arith.mulf %broadcast_in_dim3A, %parallel_loop3A_249 : vector<16xf32>
      %parallel_loop3A_260 = arith.addf %parallel_loop3A_258, %parallel_loop3A_259 : vector<16xf32>
      %parallel_loop3A_261 = arith.constant 0.000000e+00 : f32
      %parallel_loop3A_262 = arith.constant 1.000000e+00 : f32
      %parallel_loop3A_263 = vector.broadcast %parallel_loop3A_261 : f32 to vector<16xf32>
      %parallel_loop3A_264 = arith.maximumf %parallel_loop3A_263, %parallel_loop3A_260 : vector<16xf32>
      %parallel_loop3A_265 = vector.broadcast %parallel_loop3A_262 : f32 to vector<16xf32>
      %parallel_loop3A_266 = arith.minimumf %parallel_loop3A_265, %parallel_loop3A_264 : vector<16xf32>
      %parallel_loop3A_267 = arith.constant 0 : i32
      %parallel_loop3A_268 = arith.constant 0 : i32
      %parallel_loop3A_269 = arith.constant 0 : i32
      %parallel_loop3A_270 = tpu.memref_slice %arg9[%parallel_loop3A_67, %parallel_loop3A_268, %parallel_loop3A_269] : memref<2x4x4096xf32, #tpu.memory_space<vmem>> -> memref<1x4x4096xf32, #tpu.memory_space<vmem>>
      %parallel_loop3A_271 = tpu.memref_squeeze %parallel_loop3A_270 : memref<1x4x4096xf32, #tpu.memory_space<vmem>> -> memref<4x4096xf32, #tpu.memory_space<vmem>>
      %parallel_loop3A_272 = arith.index_cast %parallel_loop3A_267 : i32 to index
      %parallel_loop3A_273 = arith.index_cast %parallel_loop3A_246 : i32 to index
      %parallel_loop3A_274 = tpu.vector_load %parallel_loop3A_271[%parallel_loop3A_272, %parallel_loop3A_273] {strides = array<i32>} : memref<4x4096xf32, #tpu.memory_space<vmem>>, vector<1x16xf32>,
      %parallel_loop3A_275 = vector.shape_cast %parallel_loop3A_274 : vector<1x16xf32> to vector<16xf32>
      %parallel_loop3A_276 = vector.shape_cast %parallel_loop3A_266 : vector<16xf32> to vector<1x16xf32>
      tpu.vector_store %parallel_loop3A_271[%parallel_loop3A_272, %parallel_loop3A_273], %parallel_loop3A_276 {strides = array<i32>} : memref<4x4096xf32, #tpu.memory_space<vmem>>, vector<1x16xf32>,
      %parallel_loop3A_277 = arith.constant 1 : i32
      %parallel_loop3A_278 = arith.constant 0 : i32
      %parallel_loop3A_279 = arith.constant 0 : i32
      %parallel_loop3A_280 = tpu.memref_slice %arg8[%parallel_loop3A_66, %parallel_loop3A_278, %parallel_loop3A_279] : memref<2x4x4096xf32, #tpu.memory_space<vmem>> -> memref<1x4x4096xf32, #tpu.memory_space<vmem>>
      %parallel_loop3A_281 = tpu.memref_squeeze %parallel_loop3A_280 : memref<1x4x4096xf32, #tpu.memory_space<vmem>> -> memref<4x4096xf32, #tpu.memory_space<vmem>>
      %parallel_loop3A_282 = arith.index_cast %parallel_loop3A_277 : i32 to index
      %parallel_loop3A_283 = arith.index_cast %parallel_loop3A_246 : i32 to index
      %parallel_loop3A_284 = tpu.vector_load %parallel_loop3A_281[%parallel_loop3A_282, %parallel_loop3A_283] {strides = array<i32>} : memref<4x4096xf32, #tpu.memory_space<vmem>>, vector<1x16xf32>,
      %parallel_loop3A_285 = vector.shape_cast %parallel_loop3A_284 : vector<1x16xf32> to vector<16xf32>
      %parallel_loop3A_286 = arith.mulf %broadcast_in_dim3A_57, %parallel_loop3A_249 : vector<16xf32>
      %parallel_loop3A_287 = arith.addf %parallel_loop3A_285, %parallel_loop3A_286 : vector<16xf32>
      %parallel_loop3A_288 = arith.constant 0.000000e+00 : f32
      %parallel_loop3A_289 = arith.constant 1.000000e+00 : f32
      %parallel_loop3A_290 = vector.broadcast %parallel_loop3A_288 : f32 to vector<16xf32>
      %parallel_loop3A_291 = arith.maximumf %parallel_loop3A_290, %parallel_loop3A_287 : vector<16xf32>
      %parallel_loop3A_292 = vector.broadcast %parallel_loop3A_289 : f32 to vector<16xf32>
      %parallel_loop3A_293 = arith.minimumf %parallel_loop3A_292, %parallel_loop3A_291 : vector<16xf32>
      %parallel_loop3A_294 = arith.constant 1 : i32
      %parallel_loop3A_295 = arith.constant 0 : i32
      %parallel_loop3A_296 = arith.constant 0 : i32
      %parallel_loop3A_297 = tpu.memref_slice %arg9[%parallel_loop3A_67, %parallel_loop3A_295, %parallel_loop3A_296] : memref<2x4x4096xf32, #tpu.memory_space<vmem>> -> memref<1x4x4096xf32, #tpu.memory_space<vmem>>
      %parallel_loop3A_298 = tpu.memref_squeeze %parallel_loop3A_297 : memref<1x4x4096xf32, #tpu.memory_space<vmem>> -> memref<4x4096xf32, #tpu.memory_space<vmem>>
      %parallel_loop3A_299 = arith.index_cast %parallel_loop3A_294 : i32 to index
      %parallel_loop3A_300 = arith.index_cast %parallel_loop3A_246 : i32 to index
      %parallel_loop3A_301 = tpu.vector_load %parallel_loop3A_298[%parallel_loop3A_299, %parallel_loop3A_300] {strides = array<i32>} : memref<4x4096xf32, #tpu.memory_space<vmem>>, vector<1x16xf32>,
      %parallel_loop3A_302 = vector.shape_cast %parallel_loop3A_301 : vector<1x16xf32> to vector<16xf32>
      %parallel_loop3A_303 = vector.shape_cast %parallel_loop3A_293 : vector<16xf32> to vector<1x16xf32>
      tpu.vector_store %parallel_loop3A_298[%parallel_loop3A_299, %parallel_loop3A_300], %parallel_loop3A_303 {strides = array<i32>} : memref<4x4096xf32, #tpu.memory_space<vmem>>, vector<1x16xf32>,
      %parallel_loop3A_304 = arith.constant 2 : i32
      %parallel_loop3A_305 = arith.constant 0 : i32
      %parallel_loop3A_306 = arith.constant 0 : i32
      %parallel_loop3A_307 = tpu.memref_slice %arg8[%parallel_loop3A_66, %parallel_loop3A_305, %parallel_loop3A_306] : memref<2x4x4096xf32, #tpu.memory_space<vmem>> -> memref<1x4x4096xf32, #tpu.memory_space<vmem>>
      %parallel_loop3A_308 = tpu.memref_squeeze %parallel_loop3A_307 : memref<1x4x4096xf32, #tpu.memory_space<vmem>> -> memref<4x4096xf32, #tpu.memory_space<vmem>>
      %parallel_loop3A_309 = arith.index_cast %parallel_loop3A_304 : i32 to index
      %parallel_loop3A_310 = arith.index_cast %parallel_loop3A_246 : i32 to index
      %parallel_loop3A_311 = tpu.vector_load %parallel_loop3A_308[%parallel_loop3A_309, %parallel_loop3A_310] {strides = array<i32>} : memref<4x4096xf32, #tpu.memory_space<vmem>>, vector<1x16xf32>,
      %parallel_loop3A_312 = vector.shape_cast %parallel_loop3A_311 : vector<1x16xf32> to vector<16xf32>
      %parallel_loop3A_313 = arith.mulf %broadcast_in_dim3A_60, %parallel_loop3A_249 : vector<16xf32>
      %parallel_loop3A_314 = arith.addf %parallel_loop3A_312, %parallel_loop3A_313 : vector<16xf32>
      %parallel_loop3A_315 = arith.constant 0.000000e+00 : f32
      %parallel_loop3A_316 = arith.constant 1.000000e+00 : f32
      %parallel_loop3A_317 = vector.broadcast %parallel_loop3A_315 : f32 to vector<16xf32>
      %parallel_loop3A_318 = arith.maximumf %parallel_loop3A_317, %parallel_loop3A_314 : vector<16xf32>
      %parallel_loop3A_319 = vector.broadcast %parallel_loop3A_316 : f32 to vector<16xf32>
      %parallel_loop3A_320 = arith.minimumf %parallel_loop3A_319, %parallel_loop3A_318 : vector<16xf32>
      %parallel_loop3A_321 = arith.constant 2 : i32
      %parallel_loop3A_322 = arith.constant 0 : i32
      %parallel_loop3A_323 = arith.constant 0 : i32
      %parallel_loop3A_324 = tpu.memref_slice %arg9[%parallel_loop3A_67, %parallel_loop3A_322, %parallel_loop3A_323] : memref<2x4x4096xf32, #tpu.memory_space<vmem>> -> memref<1x4x4096xf32, #tpu.memory_space<vmem>>
      %parallel_loop3A_325 = tpu.memref_squeeze %parallel_loop3A_324 : memref<1x4x4096xf32, #tpu.memory_space<vmem>> -> memref<4x4096xf32, #tpu.memory_space<vmem>>
      %parallel_loop3A_326 = arith.index_cast %parallel_loop3A_321 : i32 to index
      %parallel_loop3A_327 = arith.index_cast %parallel_loop3A_246 : i32 to index
      %parallel_loop3A_328 = tpu.vector_load %parallel_loop3A_325[%parallel_loop3A_326, %parallel_loop3A_327] {strides = array<i32>} : memref<4x4096xf32, #tpu.memory_space<vmem>>, vector<1x16xf32>,
      %parallel_loop3A_329 = vector.shape_cast %parallel_loop3A_328 : vector<1x16xf32> to vector<16xf32>
      %parallel_loop3A_330 = vector.shape_cast %parallel_loop3A_320 : vector<16xf32> to vector<1x16xf32>
      tpu.vector_store %parallel_loop3A_325[%parallel_loop3A_326, %parallel_loop3A_327], %parallel_loop3A_330 {strides = array<i32>} : memref<4x4096xf32, #tpu.memory_space<vmem>>, vector<1x16xf32>,
      %parallel_loop3A_331 = arith.constant 3 : i32
      %parallel_loop3A_332 = arith.constant 0 : i32
      %parallel_loop3A_333 = arith.constant 0 : i32
      %parallel_loop3A_334 = tpu.memref_slice %arg8[%parallel_loop3A_66, %parallel_loop3A_332, %parallel_loop3A_333] : memref<2x4x4096xf32, #tpu.memory_space<vmem>> -> memref<1x4x4096xf32, #tpu.memory_space<vmem>>
      %parallel_loop3A_335 = tpu.memref_squeeze %parallel_loop3A_334 : memref<1x4x4096xf32, #tpu.memory_space<vmem>> -> memref<4x4096xf32, #tpu.memory_space<vmem>>
      %parallel_loop3A_336 = arith.index_cast %parallel_loop3A_331 : i32 to index
      %parallel_loop3A_337 = arith.index_cast %parallel_loop3A_246 : i32 to index
      %parallel_loop3A_338 = tpu.vector_load %parallel_loop3A_335[%parallel_loop3A_336, %parallel_loop3A_337] {strides = array<i32>} : memref<4x4096xf32, #tpu.memory_space<vmem>>, vector<1x16xf32>,
      %parallel_loop3A_339 = vector.shape_cast %parallel_loop3A_338 : vector<1x16xf32> to vector<16xf32>
      %parallel_loop3A_340 = arith.mulf %broadcast_in_dim3A_63, %parallel_loop3A_249 : vector<16xf32>
      %parallel_loop3A_341 = arith.addf %parallel_loop3A_339, %parallel_loop3A_340 : vector<16xf32>
      %parallel_loop3A_342 = arith.constant 0.000000e+00 : f32
      %parallel_loop3A_343 = arith.constant 1.000000e+00 : f32
      %parallel_loop3A_344 = vector.broadcast %parallel_loop3A_342 : f32 to vector<16xf32>
      %parallel_loop3A_345 = arith.maximumf %parallel_loop3A_344, %parallel_loop3A_341 : vector<16xf32>
      %parallel_loop3A_346 = vector.broadcast %parallel_loop3A_343 : f32 to vector<16xf32>
      %parallel_loop3A_347 = arith.minimumf %parallel_loop3A_346, %parallel_loop3A_345 : vector<16xf32>
      %parallel_loop3A_348 = arith.constant 3 : i32
      %parallel_loop3A_349 = arith.constant 0 : i32
      %parallel_loop3A_350 = arith.constant 0 : i32
      %parallel_loop3A_351 = tpu.memref_slice %arg9[%parallel_loop3A_67, %parallel_loop3A_349, %parallel_loop3A_350] : memref<2x4x4096xf32, #tpu.memory_space<vmem>> -> memref<1x4x4096xf32, #tpu.memory_space<vmem>>
      %parallel_loop3A_352 = tpu.memref_squeeze %parallel_loop3A_351 : memref<1x4x4096xf32, #tpu.memory_space<vmem>> -> memref<4x4096xf32, #tpu.memory_space<vmem>>
      %parallel_loop3A_353 = arith.index_cast %parallel_loop3A_348 : i32 to index
      %parallel_loop3A_354 = arith.index_cast %parallel_loop3A_246 : i32 to index
      %parallel_loop3A_355 = tpu.vector_load %parallel_loop3A_352[%parallel_loop3A_353, %parallel_loop3A_354] {strides = array<i32>} : memref<4x4096xf32, #tpu.memory_space<vmem>>, vector<1x16xf32>,
      %parallel_loop3A_356 = vector.shape_cast %parallel_loop3A_355 : vector<1x16xf32> to vector<16xf32>
      %parallel_loop3A_357 = vector.shape_cast %parallel_loop3A_347 : vector<16xf32> to vector<1x16xf32>
      tpu.vector_store %parallel_loop3A_352[%parallel_loop3A_353, %parallel_loop3A_354], %parallel_loop3A_357 {strides = array<i32>} : memref<4x4096xf32, #tpu.memory_space<vmem>>, vector<1x16xf32>,
    } {sc.loop_unroll_factor = 8 : i64, sc.parallel_access}
    %add3A_68 = arith.constant 0 : i32
    %add3A_69 = arith.addi %mul3A_2, %add3A_68 : i32
    %dma_start3A_70 = arith.constant 0 : i32
    %dma_start3A_71 = arith.constant 0 : i32
    %dma_start3A_72 = arith.constant 0 : i32
    %dma_start3A_73 = arith.constant 0 : i32
    %dma_start3A_74 = tpu.memref_slice %arg9[%dma_start3A_70, %dma_start3A_72, %dma_start3A_73] : memref<2x4x4096xf32, #tpu.memory_space<vmem>> -> memref<1x4x4096xf32, #tpu.memory_space<vmem>>
    %dma_start3A_75 = tpu.memref_squeeze %dma_start3A_74 : memref<1x4x4096xf32, #tpu.memory_space<vmem>> -> memref<4x4096xf32, #tpu.memory_space<vmem>>
    %dma_start3A_76 = arith.constant 0 : i32
    %dma_start3A_77 = tpu.memref_slice %arg5[%add3A_69, %dma_start3A_76] : memref<16384x4096xf32, #tpu.memory_space<hbm>> -> memref<4x4096xf32, #tpu.memory_space<hbm>>
    %dma_start3A_78 = tpu.memref_slice %arg11[%dma_start3A_71] : memref<2x!tpu.dma_semaphore, #tpu.memory_space<semaphore_mem>> -> memref<1x!tpu.dma_semaphore, #tpu.memory_space<semaphore_mem>>
    %dma_start3A_79 = tpu.memref_squeeze %dma_start3A_78 : memref<1x!tpu.dma_semaphore, #tpu.memory_space<semaphore_mem>> -> memref<!tpu.dma_semaphore, #tpu.memory_space<semaphore_mem>>
    %dma_start3A_80 = arith.constant 0 : i32
    %dma_start3A_81 = tpu.memref_slice %arg5[%add3A_69, %dma_start3A_80] : memref<16384x4096xf32, #tpu.memory_space<hbm>> -> memref<4x4096xf32, #tpu.memory_space<hbm>>
    %dma_start3A_82 = arith.constant 0 : i32
    %dma_start3A_83 = arith.constant 0 : i32
    %dma_start3A_84 = tpu.memref_slice %arg9[%dma_start3A_70, %dma_start3A_82, %dma_start3A_83] : memref<2x4x4096xf32, #tpu.memory_space<vmem>> -> memref<1x4x4096xf32, #tpu.memory_space<vmem>>
    %dma_start3A_85 = tpu.memref_squeeze %dma_start3A_84 : memref<1x4x4096xf32, #tpu.memory_space<vmem>> -> memref<4x4096xf32, #tpu.memory_space<vmem>>
    tpu.enqueue_dma source(%dma_start3A_85 : memref<4x4096xf32, #tpu.memory_space<vmem>>) target(%dma_start3A_81 : memref<4x4096xf32, #tpu.memory_space<hbm>>) target_semaphore(%dma_start3A_79 : memref<!tpu.dma_semaphore, #tpu.memory_space<semaphore_mem>>)
    %add3A_86 = arith.constant 8 : i32
    %add3A_87 = arith.addi %mul3A_2, %add3A_86 : i32
    %dma_start3A_88 = arith.constant 0 : i32
    %dma_start3A_89 = arith.constant 0 : i32
    %dma_start3A_90 = arith.constant 0 : i32
    %dma_start3A_91 = arith.constant 0 : i32
    %dma_start3A_92 = tpu.memref_slice %arg8[%dma_start3A_88, %dma_start3A_90, %dma_start3A_91] : memref<2x4x4096xf32, #tpu.memory_space<vmem>> -> memref<1x4x4096xf32, #tpu.memory_space<vmem>>
    %dma_start3A_93 = tpu.memref_squeeze %dma_start3A_92 : memref<1x4x4096xf32, #tpu.memory_space<vmem>> -> memref<4x4096xf32, #tpu.memory_space<vmem>>
    %dma_start3A_94 = arith.constant 0 : i32
    %dma_start3A_95 = tpu.memref_slice %arg2[%add3A_87, %dma_start3A_94] : memref<16384x4096xf32, #tpu.memory_space<hbm>> -> memref<4x4096xf32, #tpu.memory_space<hbm>>
    %dma_start3A_96 = tpu.memref_slice %arg10[%dma_start3A_89] : memref<2x!tpu.dma_semaphore, #tpu.memory_space<semaphore_mem>> -> memref<1x!tpu.dma_semaphore, #tpu.memory_space<semaphore_mem>>
    %dma_start3A_97 = tpu.memref_squeeze %dma_start3A_96 : memref<1x!tpu.dma_semaphore, #tpu.memory_space<semaphore_mem>> -> memref<!tpu.dma_semaphore, #tpu.memory_space<semaphore_mem>>
    %dma_start3A_98 = arith.constant 0 : i32
    %dma_start3A_99 = arith.constant 0 : i32
    %dma_start3A_100 = tpu.memref_slice %arg8[%dma_start3A_88, %dma_start3A_98, %dma_start3A_99] : memref<2x4x4096xf32, #tpu.memory_space<vmem>> -> memref<1x4x4096xf32, #tpu.memory_space<vmem>>
    %dma_start3A_101 = tpu.memref_squeeze %dma_start3A_100 : memref<1x4x4096xf32, #tpu.memory_space<vmem>> -> memref<4x4096xf32, #tpu.memory_space<vmem>>
    %dma_start3A_102 = arith.constant 0 : i32
    %dma_start3A_103 = tpu.memref_slice %arg2[%add3A_87, %dma_start3A_102] : memref<16384x4096xf32, #tpu.memory_space<hbm>> -> memref<4x4096xf32, #tpu.memory_space<hbm>>
    tpu.enqueue_dma source(%dma_start3A_103 : memref<4x4096xf32, #tpu.memory_space<hbm>>) target(%dma_start3A_101 : memref<4x4096xf32, #tpu.memory_space<vmem>>) target_semaphore(%dma_start3A_97 : memref<!tpu.dma_semaphore, #tpu.memory_space<semaphore_mem>>)
    %dma_wait3A_104 = arith.constant 1 : i32
    %dma_wait3A_105 = arith.constant 1 : i32
    %dma_wait3A_106 = arith.constant 0 : i32
    %dma_wait3A_107 = arith.constant 0 : i32
    %dma_wait3A_108 = tpu.memref_slice %arg8[%dma_wait3A_104, %dma_wait3A_106, %dma_wait3A_107] : memref<2x4x4096xf32, #tpu.memory_space<vmem>> -> memref<1x4x4096xf32, #tpu.memory_space<vmem>>
    %dma_wait3A_109 = tpu.memref_squeeze %dma_wait3A_108 : memref<1x4x4096xf32, #tpu.memory_space<vmem>> -> memref<4x4096xf32, #tpu.memory_space<vmem>>
    %dma_wait3A_110 = arith.constant 0 : i32
    %dma_wait3A_111 = tpu.memref_slice %arg2[%mul3A_2, %dma_wait3A_110] : memref<16384x4096xf32, #tpu.memory_space<hbm>> -> memref<4x4096xf32, #tpu.memory_space<hbm>>
    %dma_wait3A_112 = tpu.memref_slice %arg10[%dma_wait3A_105] : memref<2x!tpu.dma_semaphore, #tpu.memory_space<semaphore_mem>> -> memref<1x!tpu.dma_semaphore, #tpu.memory_space<semaphore_mem>>
    %dma_wait3A_113 = tpu.memref_squeeze %dma_wait3A_112 : memref<1x!tpu.dma_semaphore, #tpu.memory_space<semaphore_mem>> -> memref<!tpu.dma_semaphore, #tpu.memory_space<semaphore_mem>>
    %dma_wait3A_114 = arith.constant 0 : i32
    %dma_wait3A_115 = arith.constant 0 : i32
    %dma_wait3A_116 = tpu.memref_slice %arg8[%dma_wait3A_104, %dma_wait3A_114, %dma_wait3A_115] : memref<2x4x4096xf32, #tpu.memory_space<vmem>> -> memref<1x4x4096xf32, #tpu.memory_space<vmem>>
    %dma_wait3A_117 = tpu.memref_squeeze %dma_wait3A_116 : memref<1x4x4096xf32, #tpu.memory_space<vmem>> -> memref<4x4096xf32, #tpu.memory_space<vmem>>
    %dma_wait3A_118 = arith.constant 0 : i32
    %dma_wait3A_119 = tpu.memref_slice %arg2[%mul3A_2, %dma_wait3A_118] : memref<16384x4096xf32, #tpu.memory_space<hbm>> -> memref<4x4096xf32, #tpu.memory_space<hbm>>
    tpu.wait_dma2 semaphore(%dma_wait3A_113 : memref<!tpu.dma_semaphore, #tpu.memory_space<semaphore_mem>>) src(%dma_wait3A_119 : memref<4x4096xf32, #tpu.memory_space<hbm>>) dst(%dma_wait3A_117 : memref<4x4096xf32, #tpu.memory_space<vmem>>)
    %get3A_120 = arith.constant 4 : index
    %get3A_121 = tpu.vector_load %arg7[%get3A_120] {strides = array<i32>} : memref<528xf32, #tpu.memory_space<vmem>>, vector<16xf32>,
    %get3A_122 = vector.shape_cast %get3A_121 : vector<16xf32> to vector<16xf32>
    %slice3A_123 = vector.extract_strided_slice %get3A_122 {offsets = [0], sizes = [1], strides = [1]} : vector<16xf32> to vector<1xf32>
    %squeeze3A_124 = vector.extract %slice3A_123[0] : f32 from vector<1xf32>
    %broadcast_in_dim3A_125 = vector.broadcast %squeeze3A_124 : f32 to vector<16xf32>
    %slice3A_126 = vector.extract_strided_slice %get3A_122 {offsets = [1], sizes = [1], strides = [1]} : vector<16xf32> to vector<1xf32>
    %squeeze3A_127 = vector.extract %slice3A_126[0] : f32 from vector<1xf32>
    %broadcast_in_dim3A_128 = vector.broadcast %squeeze3A_127 : f32 to vector<16xf32>
    %slice3A_129 = vector.extract_strided_slice %get3A_122 {offsets = [2], sizes = [1], strides = [1]} : vector<16xf32> to vector<1xf32>
    %squeeze3A_130 = vector.extract %slice3A_129[0] : f32 from vector<1xf32>
    %broadcast_in_dim3A_131 = vector.broadcast %squeeze3A_130 : f32 to vector<16xf32>
    %slice3A_132 = vector.extract_strided_slice %get3A_122 {offsets = [3], sizes = [1], strides = [1]} : vector<16xf32> to vector<1xf32>
    %squeeze3A_133 = vector.extract %slice3A_132[0] : f32 from vector<1xf32>
    %broadcast_in_dim3A_134 = vector.broadcast %squeeze3A_133 : f32 to vector<16xf32>
    %parallel_loop3A_135 = arith.constant 0 : i32
    %parallel_loop3A_136 = arith.constant 4096 : i32
    %parallel_loop3A_137 = arith.constant 16 : i32
    %parallel_loop3A_138 = arith.constant 1 : i32
    %parallel_loop3A_139 = arith.constant 1 : i32
    scf.for %parallel_loop3A_246 = %parallel_loop3A_135 to %parallel_loop3A_136 step %parallel_loop3A_137  : i32 {
      %parallel_loop3A_247 = arith.index_cast %parallel_loop3A_246 : i32 to index
      %parallel_loop3A_248 = tpu.vector_load %arg6[%parallel_loop3A_247] {strides = array<i32>} : memref<4096xf32, #tpu.memory_space<vmem>>, vector<16xf32>,
      %parallel_loop3A_249 = vector.shape_cast %parallel_loop3A_248 : vector<16xf32> to vector<16xf32>
      %parallel_loop3A_250 = arith.constant 0 : i32
      %parallel_loop3A_251 = arith.constant 0 : i32
      %parallel_loop3A_252 = arith.constant 0 : i32
      %parallel_loop3A_253 = tpu.memref_slice %arg8[%parallel_loop3A_138, %parallel_loop3A_251, %parallel_loop3A_252] : memref<2x4x4096xf32, #tpu.memory_space<vmem>> -> memref<1x4x4096xf32, #tpu.memory_space<vmem>>
      %parallel_loop3A_254 = tpu.memref_squeeze %parallel_loop3A_253 : memref<1x4x4096xf32, #tpu.memory_space<vmem>> -> memref<4x4096xf32, #tpu.memory_space<vmem>>
      %parallel_loop3A_255 = arith.index_cast %parallel_loop3A_250 : i32 to index
      %parallel_loop3A_256 = arith.index_cast %parallel_loop3A_246 : i32 to index
      %parallel_loop3A_257 = tpu.vector_load %parallel_loop3A_254[%parallel_loop3A_255, %parallel_loop3A_256] {strides = array<i32>} : memref<4x4096xf32, #tpu.memory_space<vmem>>, vector<1x16xf32>,
      %parallel_loop3A_258 = vector.shape_cast %parallel_loop3A_257 : vector<1x16xf32> to vector<16xf32>
      %parallel_loop3A_259 = arith.mulf %broadcast_in_dim3A_125, %parallel_loop3A_249 : vector<16xf32>
      %parallel_loop3A_260 = arith.addf %parallel_loop3A_258, %parallel_loop3A_259 : vector<16xf32>
      %parallel_loop3A_261 = arith.constant 0.000000e+00 : f32
      %parallel_loop3A_262 = arith.constant 1.000000e+00 : f32
      %parallel_loop3A_263 = vector.broadcast %parallel_loop3A_261 : f32 to vector<16xf32>
      %parallel_loop3A_264 = arith.maximumf %parallel_loop3A_263, %parallel_loop3A_260 : vector<16xf32>
      %parallel_loop3A_265 = vector.broadcast %parallel_loop3A_262 : f32 to vector<16xf32>
      %parallel_loop3A_266 = arith.minimumf %parallel_loop3A_265, %parallel_loop3A_264 : vector<16xf32>
      %parallel_loop3A_267 = arith.constant 0 : i32
      %parallel_loop3A_268 = arith.constant 0 : i32
      %parallel_loop3A_269 = arith.constant 0 : i32
      %parallel_loop3A_270 = tpu.memref_slice %arg9[%parallel_loop3A_139, %parallel_loop3A_268, %parallel_loop3A_269] : memref<2x4x4096xf32, #tpu.memory_space<vmem>> -> memref<1x4x4096xf32, #tpu.memory_space<vmem>>
      %parallel_loop3A_271 = tpu.memref_squeeze %parallel_loop3A_270 : memref<1x4x4096xf32, #tpu.memory_space<vmem>> -> memref<4x4096xf32, #tpu.memory_space<vmem>>
      %parallel_loop3A_272 = arith.index_cast %parallel_loop3A_267 : i32 to index
      %parallel_loop3A_273 = arith.index_cast %parallel_loop3A_246 : i32 to index
      %parallel_loop3A_274 = tpu.vector_load %parallel_loop3A_271[%parallel_loop3A_272, %parallel_loop3A_273] {strides = array<i32>} : memref<4x4096xf32, #tpu.memory_space<vmem>>, vector<1x16xf32>,
      %parallel_loop3A_275 = vector.shape_cast %parallel_loop3A_274 : vector<1x16xf32> to vector<16xf32>
      %parallel_loop3A_276 = vector.shape_cast %parallel_loop3A_266 : vector<16xf32> to vector<1x16xf32>
      tpu.vector_store %parallel_loop3A_271[%parallel_loop3A_272, %parallel_loop3A_273], %parallel_loop3A_276 {strides = array<i32>} : memref<4x4096xf32, #tpu.memory_space<vmem>>, vector<1x16xf32>,
      %parallel_loop3A_277 = arith.constant 1 : i32
      %parallel_loop3A_278 = arith.constant 0 : i32
      %parallel_loop3A_279 = arith.constant 0 : i32
      %parallel_loop3A_280 = tpu.memref_slice %arg8[%parallel_loop3A_138, %parallel_loop3A_278, %parallel_loop3A_279] : memref<2x4x4096xf32, #tpu.memory_space<vmem>> -> memref<1x4x4096xf32, #tpu.memory_space<vmem>>
      %parallel_loop3A_281 = tpu.memref_squeeze %parallel_loop3A_280 : memref<1x4x4096xf32, #tpu.memory_space<vmem>> -> memref<4x4096xf32, #tpu.memory_space<vmem>>
      %parallel_loop3A_282 = arith.index_cast %parallel_loop3A_277 : i32 to index
      %parallel_loop3A_283 = arith.index_cast %parallel_loop3A_246 : i32 to index
      %parallel_loop3A_284 = tpu.vector_load %parallel_loop3A_281[%parallel_loop3A_282, %parallel_loop3A_283] {strides = array<i32>} : memref<4x4096xf32, #tpu.memory_space<vmem>>, vector<1x16xf32>,
      %parallel_loop3A_285 = vector.shape_cast %parallel_loop3A_284 : vector<1x16xf32> to vector<16xf32>
      %parallel_loop3A_286 = arith.mulf %broadcast_in_dim3A_128, %parallel_loop3A_249 : vector<16xf32>
      %parallel_loop3A_287 = arith.addf %parallel_loop3A_285, %parallel_loop3A_286 : vector<16xf32>
      %parallel_loop3A_288 = arith.constant 0.000000e+00 : f32
      %parallel_loop3A_289 = arith.constant 1.000000e+00 : f32
      %parallel_loop3A_290 = vector.broadcast %parallel_loop3A_288 : f32 to vector<16xf32>
      %parallel_loop3A_291 = arith.maximumf %parallel_loop3A_290, %parallel_loop3A_287 : vector<16xf32>
      %parallel_loop3A_292 = vector.broadcast %parallel_loop3A_289 : f32 to vector<16xf32>
      %parallel_loop3A_293 = arith.minimumf %parallel_loop3A_292, %parallel_loop3A_291 : vector<16xf32>
      %parallel_loop3A_294 = arith.constant 1 : i32
      %parallel_loop3A_295 = arith.constant 0 : i32
      %parallel_loop3A_296 = arith.constant 0 : i32
      %parallel_loop3A_297 = tpu.memref_slice %arg9[%parallel_loop3A_139, %parallel_loop3A_295, %parallel_loop3A_296] : memref<2x4x4096xf32, #tpu.memory_space<vmem>> -> memref<1x4x4096xf32, #tpu.memory_space<vmem>>
      %parallel_loop3A_298 = tpu.memref_squeeze %parallel_loop3A_297 : memref<1x4x4096xf32, #tpu.memory_space<vmem>> -> memref<4x4096xf32, #tpu.memory_space<vmem>>
      %parallel_loop3A_299 = arith.index_cast %parallel_loop3A_294 : i32 to index
      %parallel_loop3A_300 = arith.index_cast %parallel_loop3A_246 : i32 to index
      %parallel_loop3A_301 = tpu.vector_load %parallel_loop3A_298[%parallel_loop3A_299, %parallel_loop3A_300] {strides = array<i32>} : memref<4x4096xf32, #tpu.memory_space<vmem>>, vector<1x16xf32>,
      %parallel_loop3A_302 = vector.shape_cast %parallel_loop3A_301 : vector<1x16xf32> to vector<16xf32>
      %parallel_loop3A_303 = vector.shape_cast %parallel_loop3A_293 : vector<16xf32> to vector<1x16xf32>
      tpu.vector_store %parallel_loop3A_298[%parallel_loop3A_299, %parallel_loop3A_300], %parallel_loop3A_303 {strides = array<i32>} : memref<4x4096xf32, #tpu.memory_space<vmem>>, vector<1x16xf32>,
      %parallel_loop3A_304 = arith.constant 2 : i32
      %parallel_loop3A_305 = arith.constant 0 : i32
      %parallel_loop3A_306 = arith.constant 0 : i32
      %parallel_loop3A_307 = tpu.memref_slice %arg8[%parallel_loop3A_138, %parallel_loop3A_305, %parallel_loop3A_306] : memref<2x4x4096xf32, #tpu.memory_space<vmem>> -> memref<1x4x4096xf32, #tpu.memory_space<vmem>>
      %parallel_loop3A_308 = tpu.memref_squeeze %parallel_loop3A_307 : memref<1x4x4096xf32, #tpu.memory_space<vmem>> -> memref<4x4096xf32, #tpu.memory_space<vmem>>
      %parallel_loop3A_309 = arith.index_cast %parallel_loop3A_304 : i32 to index
      %parallel_loop3A_310 = arith.index_cast %parallel_loop3A_246 : i32 to index
      %parallel_loop3A_311 = tpu.vector_load %parallel_loop3A_308[%parallel_loop3A_309, %parallel_loop3A_310] {strides = array<i32>} : memref<4x4096xf32, #tpu.memory_space<vmem>>, vector<1x16xf32>,
      %parallel_loop3A_312 = vector.shape_cast %parallel_loop3A_311 : vector<1x16xf32> to vector<16xf32>
      %parallel_loop3A_313 = arith.mulf %broadcast_in_dim3A_131, %parallel_loop3A_249 : vector<16xf32>
      %parallel_loop3A_314 = arith.addf %parallel_loop3A_312, %parallel_loop3A_313 : vector<16xf32>
      %parallel_loop3A_315 = arith.constant 0.000000e+00 : f32
      %parallel_loop3A_316 = arith.constant 1.000000e+00 : f32
      %parallel_loop3A_317 = vector.broadcast %parallel_loop3A_315 : f32 to vector<16xf32>
      %parallel_loop3A_318 = arith.maximumf %parallel_loop3A_317, %parallel_loop3A_314 : vector<16xf32>
      %parallel_loop3A_319 = vector.broadcast %parallel_loop3A_316 : f32 to vector<16xf32>
      %parallel_loop3A_320 = arith.minimumf %parallel_loop3A_319, %parallel_loop3A_318 : vector<16xf32>
      %parallel_loop3A_321 = arith.constant 2 : i32
      %parallel_loop3A_322 = arith.constant 0 : i32
      %parallel_loop3A_323 = arith.constant 0 : i32
      %parallel_loop3A_324 = tpu.memref_slice %arg9[%parallel_loop3A_139, %parallel_loop3A_322, %parallel_loop3A_323] : memref<2x4x4096xf32, #tpu.memory_space<vmem>> -> memref<1x4x4096xf32, #tpu.memory_space<vmem>>
      %parallel_loop3A_325 = tpu.memref_squeeze %parallel_loop3A_324 : memref<1x4x4096xf32, #tpu.memory_space<vmem>> -> memref<4x4096xf32, #tpu.memory_space<vmem>>
      %parallel_loop3A_326 = arith.index_cast %parallel_loop3A_321 : i32 to index
      %parallel_loop3A_327 = arith.index_cast %parallel_loop3A_246 : i32 to index
      %parallel_loop3A_328 = tpu.vector_load %parallel_loop3A_325[%parallel_loop3A_326, %parallel_loop3A_327] {strides = array<i32>} : memref<4x4096xf32, #tpu.memory_space<vmem>>, vector<1x16xf32>,
      %parallel_loop3A_329 = vector.shape_cast %parallel_loop3A_328 : vector<1x16xf32> to vector<16xf32>
      %parallel_loop3A_330 = vector.shape_cast %parallel_loop3A_320 : vector<16xf32> to vector<1x16xf32>
      tpu.vector_store %parallel_loop3A_325[%parallel_loop3A_326, %parallel_loop3A_327], %parallel_loop3A_330 {strides = array<i32>} : memref<4x4096xf32, #tpu.memory_space<vmem>>, vector<1x16xf32>,
      %parallel_loop3A_331 = arith.constant 3 : i32
      %parallel_loop3A_332 = arith.constant 0 : i32
      %parallel_loop3A_333 = arith.constant 0 : i32
      %parallel_loop3A_334 = tpu.memref_slice %arg8[%parallel_loop3A_138, %parallel_loop3A_332, %parallel_loop3A_333] : memref<2x4x4096xf32, #tpu.memory_space<vmem>> -> memref<1x4x4096xf32, #tpu.memory_space<vmem>>
      %parallel_loop3A_335 = tpu.memref_squeeze %parallel_loop3A_334 : memref<1x4x4096xf32, #tpu.memory_space<vmem>> -> memref<4x4096xf32, #tpu.memory_space<vmem>>
      %parallel_loop3A_336 = arith.index_cast %parallel_loop3A_331 : i32 to index
      %parallel_loop3A_337 = arith.index_cast %parallel_loop3A_246 : i32 to index
      %parallel_loop3A_338 = tpu.vector_load %parallel_loop3A_335[%parallel_loop3A_336, %parallel_loop3A_337] {strides = array<i32>} : memref<4x4096xf32, #tpu.memory_space<vmem>>, vector<1x16xf32>,
      %parallel_loop3A_339 = vector.shape_cast %parallel_loop3A_338 : vector<1x16xf32> to vector<16xf32>
      %parallel_loop3A_340 = arith.mulf %broadcast_in_dim3A_134, %parallel_loop3A_249 : vector<16xf32>
      %parallel_loop3A_341 = arith.addf %parallel_loop3A_339, %parallel_loop3A_340 : vector<16xf32>
      %parallel_loop3A_342 = arith.constant 0.000000e+00 : f32
      %parallel_loop3A_343 = arith.constant 1.000000e+00 : f32
      %parallel_loop3A_344 = vector.broadcast %parallel_loop3A_342 : f32 to vector<16xf32>
      %parallel_loop3A_345 = arith.maximumf %parallel_loop3A_344, %parallel_loop3A_341 : vector<16xf32>
      %parallel_loop3A_346 = vector.broadcast %parallel_loop3A_343 : f32 to vector<16xf32>
      %parallel_loop3A_347 = arith.minimumf %parallel_loop3A_346, %parallel_loop3A_345 : vector<16xf32>
      %parallel_loop3A_348 = arith.constant 3 : i32
      %parallel_loop3A_349 = arith.constant 0 : i32
      %parallel_loop3A_350 = arith.constant 0 : i32
      %parallel_loop3A_351 = tpu.memref_slice %arg9[%parallel_loop3A_139, %parallel_loop3A_349, %parallel_loop3A_350] : memref<2x4x4096xf32, #tpu.memory_space<vmem>> -> memref<1x4x4096xf32, #tpu.memory_space<vmem>>
      %parallel_loop3A_352 = tpu.memref_squeeze %parallel_loop3A_351 : memref<1x4x4096xf32, #tpu.memory_space<vmem>> -> memref<4x4096xf32, #tpu.memory_space<vmem>>
      %parallel_loop3A_353 = arith.index_cast %parallel_loop3A_348 : i32 to index
      %parallel_loop3A_354 = arith.index_cast %parallel_loop3A_246 : i32 to index
      %parallel_loop3A_355 = tpu.vector_load %parallel_loop3A_352[%parallel_loop3A_353, %parallel_loop3A_354] {strides = array<i32>} : memref<4x4096xf32, #tpu.memory_space<vmem>>, vector<1x16xf32>,
      %parallel_loop3A_356 = vector.shape_cast %parallel_loop3A_355 : vector<1x16xf32> to vector<16xf32>
      %parallel_loop3A_357 = vector.shape_cast %parallel_loop3A_347 : vector<16xf32> to vector<1x16xf32>
      tpu.vector_store %parallel_loop3A_352[%parallel_loop3A_353, %parallel_loop3A_354], %parallel_loop3A_357 {strides = array<i32>} : memref<4x4096xf32, #tpu.memory_space<vmem>>, vector<1x16xf32>,
    } {sc.loop_unroll_factor = 8 : i64, sc.parallel_access}
    %add3A_140 = arith.constant 4 : i32
    %add3A_141 = arith.addi %mul3A_2, %add3A_140 : i32
    %dma_start3A_142 = arith.constant 1 : i32
    %dma_start3A_143 = arith.constant 1 : i32
    %dma_start3A_144 = arith.constant 0 : i32
    %dma_start3A_145 = arith.constant 0 : i32
    %dma_start3A_146 = tpu.memref_slice %arg9[%dma_start3A_142, %dma_start3A_144, %dma_start3A_145] : memref<2x4x4096xf32, #tpu.memory_space<vmem>> -> memref<1x4x4096xf32, #tpu.memory_space<vmem>>
    %dma_start3A_147 = tpu.memref_squeeze %dma_start3A_146 : memref<1x4x4096xf32, #tpu.memory_space<vmem>> -> memref<4x4096xf32, #tpu.memory_space<vmem>>
    %dma_start3A_148 = arith.constant 0 : i32
    %dma_start3A_149 = tpu.memref_slice %arg5[%add3A_141, %dma_start3A_148] : memref<16384x4096xf32, #tpu.memory_space<hbm>> -> memref<4x4096xf32, #tpu.memory_space<hbm>>
    %dma_start3A_150 = tpu.memref_slice %arg11[%dma_start3A_143] : memref<2x!tpu.dma_semaphore, #tpu.memory_space<semaphore_mem>> -> memref<1x!tpu.dma_semaphore, #tpu.memory_space<semaphore_mem>>
    %dma_start3A_151 = tpu.memref_squeeze %dma_start3A_150 : memref<1x!tpu.dma_semaphore, #tpu.memory_space<semaphore_mem>> -> memref<!tpu.dma_semaphore, #tpu.memory_space<semaphore_mem>>
    %dma_start3A_152 = arith.constant 0 : i32
    %dma_start3A_153 = tpu.memref_slice %arg5[%add3A_141, %dma_start3A_152] : memref<16384x4096xf32, #tpu.memory_space<hbm>> -> memref<4x4096xf32, #tpu.memory_space<hbm>>
    %dma_start3A_154 = arith.constant 0 : i32
    %dma_start3A_155 = arith.constant 0 : i32
    %dma_start3A_156 = tpu.memref_slice %arg9[%dma_start3A_142, %dma_start3A_154, %dma_start3A_155] : memref<2x4x4096xf32, #tpu.memory_space<vmem>> -> memref<1x4x4096xf32, #tpu.memory_space<vmem>>
    %dma_start3A_157 = tpu.memref_squeeze %dma_start3A_156 : memref<1x4x4096xf32, #tpu.memory_space<vmem>> -> memref<4x4096xf32, #tpu.memory_space<vmem>>
    tpu.enqueue_dma source(%dma_start3A_157 : memref<4x4096xf32, #tpu.memory_space<vmem>>) target(%dma_start3A_153 : memref<4x4096xf32, #tpu.memory_space<hbm>>) target_semaphore(%dma_start3A_151 : memref<!tpu.dma_semaphore, #tpu.memory_space<semaphore_mem>>)
    %add3A_158 = arith.constant 12 : i32
    %add3A_159 = arith.addi %mul3A_2, %add3A_158 : i32
    %dma_start3A_160 = arith.constant 1 : i32
    %dma_start3A_161 = arith.constant 1 : i32
    %dma_start3A_162 = arith.constant 0 : i32
    %dma_start3A_163 = arith.constant 0 : i32
    %dma_start3A_164 = tpu.memref_slice %arg8[%dma_start3A_160, %dma_start3A_162, %dma_start3A_163] : memref<2x4x4096xf32, #tpu.memory_space<vmem>> -> memref<1x4x4096xf32, #tpu.memory_space<vmem>>
    %dma_start3A_165 = tpu.memref_squeeze %dma_start3A_164 : memref<1x4x4096xf32, #tpu.memory_space<vmem>> -> memref<4x4096xf32, #tpu.memory_space<vmem>>
    %dma_start3A_166 = arith.constant 0 : i32
    %dma_start3A_167 = tpu.memref_slice %arg2[%add3A_159, %dma_start3A_166] : memref<16384x4096xf32, #tpu.memory_space<hbm>> -> memref<4x4096xf32, #tpu.memory_space<hbm>>
    %dma_start3A_168 = tpu.memref_slice %arg10[%dma_start3A_161] : memref<2x!tpu.dma_semaphore, #tpu.memory_space<semaphore_mem>> -> memref<1x!tpu.dma_semaphore, #tpu.memory_space<semaphore_mem>>
    %dma_start3A_169 = tpu.memref_squeeze %dma_start3A_168 : memref<1x!tpu.dma_semaphore, #tpu.memory_space<semaphore_mem>> -> memref<!tpu.dma_semaphore, #tpu.memory_space<semaphore_mem>>
    %dma_start3A_170 = arith.constant 0 : i32
    %dma_start3A_171 = arith.constant 0 : i32
    %dma_start3A_172 = tpu.memref_slice %arg8[%dma_start3A_160, %dma_start3A_170, %dma_start3A_171] : memref<2x4x4096xf32, #tpu.memory_space<vmem>> -> memref<1x4x4096xf32, #tpu.memory_space<vmem>>
    %dma_start3A_173 = tpu.memref_squeeze %dma_start3A_172 : memref<1x4x4096xf32, #tpu.memory_space<vmem>> -> memref<4x4096xf32, #tpu.memory_space<vmem>>
    %dma_start3A_174 = arith.constant 0 : i32
    %dma_start3A_175 = tpu.memref_slice %arg2[%add3A_159, %dma_start3A_174] : memref<16384x4096xf32, #tpu.memory_space<hbm>> -> memref<4x4096xf32, #tpu.memory_space<hbm>>
    tpu.enqueue_dma source(%dma_start3A_175 : memref<4x4096xf32, #tpu.memory_space<hbm>>) target(%dma_start3A_173 : memref<4x4096xf32, #tpu.memory_space<vmem>>) target_semaphore(%dma_start3A_169 : memref<!tpu.dma_semaphore, #tpu.memory_space<semaphore_mem>>)
    %scan3A = arith.constant 0 : i32
    %scan3A_176 = arith.constant 1 : i32
    %scan3A_177 = arith.constant 63 : i32
    %scan3A_178 = arith.addi %scan3A_176, %scan3A_177 : i32
    %scan3A_179 = arith.constant 1 : i32
    %scan3A_180 = scf.for %scan3A_246 = %scan3A_176 to %scan3A_178 step %scan3A_179 iter_args(%scan3A_247 = %scan3A) -> (i32)  : i32 {
      %mul3A_248 = arith.constant 2 : i32
      %mul3A_249 = arith.muli %scan3A_246, %mul3A_248 : i32
      %add3A_250 = arith.constant 0 : i32
      %add3A_251 = arith.addi %mul3A_249, %add3A_250 : i32
      %dma_wait3A_252 = arith.constant 0 : i32
      %dma_wait3A_253 = arith.constant 0 : i32
      %dma_wait3A_254 = arith.constant 0 : i32
      %dma_wait3A_255 = arith.constant 0 : i32
      %dma_wait3A_256 = tpu.memref_slice %arg8[%dma_wait3A_252, %dma_wait3A_254, %dma_wait3A_255] : memref<2x4x4096xf32, #tpu.memory_space<vmem>> -> memref<1x4x4096xf32, #tpu.memory_space<vmem>>
      %dma_wait3A_257 = tpu.memref_squeeze %dma_wait3A_256 : memref<1x4x4096xf32, #tpu.memory_space<vmem>> -> memref<4x4096xf32, #tpu.memory_space<vmem>>
      %dma_wait3A_258 = arith.constant 0 : i32
      %dma_wait3A_259 = tpu.memref_slice %arg2[%mul3A_2, %dma_wait3A_258] : memref<16384x4096xf32, #tpu.memory_space<hbm>> -> memref<4x4096xf32, #tpu.memory_space<hbm>>
      %dma_wait3A_260 = tpu.memref_slice %arg10[%dma_wait3A_253] : memref<2x!tpu.dma_semaphore, #tpu.memory_space<semaphore_mem>> -> memref<1x!tpu.dma_semaphore, #tpu.memory_space<semaphore_mem>>
      %dma_wait3A_261 = tpu.memref_squeeze %dma_wait3A_260 : memref<1x!tpu.dma_semaphore, #tpu.memory_space<semaphore_mem>> -> memref<!tpu.dma_semaphore, #tpu.memory_space<semaphore_mem>>
      %dma_wait3A_262 = arith.constant 0 : i32
      %dma_wait3A_263 = arith.constant 0 : i32
      %dma_wait3A_264 = tpu.memref_slice %arg8[%dma_wait3A_252, %dma_wait3A_262, %dma_wait3A_263] : memref<2x4x4096xf32, #tpu.memory_space<vmem>> -> memref<1x4x4096xf32, #tpu.memory_space<vmem>>
      %dma_wait3A_265 = tpu.memref_squeeze %dma_wait3A_264 : memref<1x4x4096xf32, #tpu.memory_space<vmem>> -> memref<4x4096xf32, #tpu.memory_space<vmem>>
      %dma_wait3A_266 = arith.constant 0 : i32
      %dma_wait3A_267 = tpu.memref_slice %arg2[%mul3A_2, %dma_wait3A_266] : memref<16384x4096xf32, #tpu.memory_space<hbm>> -> memref<4x4096xf32, #tpu.memory_space<hbm>>
      tpu.wait_dma2 semaphore(%dma_wait3A_261 : memref<!tpu.dma_semaphore, #tpu.memory_space<semaphore_mem>>) src(%dma_wait3A_267 : memref<4x4096xf32, #tpu.memory_space<hbm>>) dst(%dma_wait3A_265 : memref<4x4096xf32, #tpu.memory_space<vmem>>)
      %dma_wait3A_268 = arith.constant 0 : i32
      %dma_wait3A_269 = arith.constant 0 : i32
      %dma_wait3A_270 = arith.constant 0 : i32
      %dma_wait3A_271 = arith.constant 0 : i32
      %dma_wait3A_272 = tpu.memref_slice %arg9[%dma_wait3A_268, %dma_wait3A_270, %dma_wait3A_271] : memref<2x4x4096xf32, #tpu.memory_space<vmem>> -> memref<1x4x4096xf32, #tpu.memory_space<vmem>>
      %dma_wait3A_273 = tpu.memref_squeeze %dma_wait3A_272 : memref<1x4x4096xf32, #tpu.memory_space<vmem>> -> memref<4x4096xf32, #tpu.memory_space<vmem>>
      %dma_wait3A_274 = arith.constant 0 : i32
      %dma_wait3A_275 = tpu.memref_slice %arg5[%mul3A_2, %dma_wait3A_274] : memref<16384x4096xf32, #tpu.memory_space<hbm>> -> memref<4x4096xf32, #tpu.memory_space<hbm>>
      %dma_wait3A_276 = tpu.memref_slice %arg11[%dma_wait3A_269] : memref<2x!tpu.dma_semaphore, #tpu.memory_space<semaphore_mem>> -> memref<1x!tpu.dma_semaphore, #tpu.memory_space<semaphore_mem>>
      %dma_wait3A_277 = tpu.memref_squeeze %dma_wait3A_276 : memref<1x!tpu.dma_semaphore, #tpu.memory_space<semaphore_mem>> -> memref<!tpu.dma_semaphore, #tpu.memory_space<semaphore_mem>>
      %dma_wait3A_278 = arith.constant 0 : i32
      %dma_wait3A_279 = tpu.memref_slice %arg5[%mul3A_2, %dma_wait3A_278] : memref<16384x4096xf32, #tpu.memory_space<hbm>> -> memref<4x4096xf32, #tpu.memory_space<hbm>>
      %dma_wait3A_280 = arith.constant 0 : i32
      %dma_wait3A_281 = arith.constant 0 : i32
      %dma_wait3A_282 = tpu.memref_slice %arg9[%dma_wait3A_268, %dma_wait3A_280, %dma_wait3A_281] : memref<2x4x4096xf32, #tpu.memory_space<vmem>> -> memref<1x4x4096xf32, #tpu.memory_space<vmem>>
      %dma_wait3A_283 = tpu.memref_squeeze %dma_wait3A_282 : memref<1x4x4096xf32, #tpu.memory_space<vmem>> -> memref<4x4096xf32, #tpu.memory_space<vmem>>
      tpu.wait_dma2 semaphore(%dma_wait3A_277 : memref<!tpu.dma_semaphore, #tpu.memory_space<semaphore_mem>>) src(%dma_wait3A_283 : memref<4x4096xf32, #tpu.memory_space<vmem>>) dst(%dma_wait3A_279 : memref<4x4096xf32, #tpu.memory_space<hbm>>)
      %mul3A_284 = arith.constant 4 : i32
      %mul3A_285 = arith.muli %add3A_251, %mul3A_284 : i32
      %get3A_286 = arith.index_cast %mul3A_285 : i32 to index
      %get3A_287 = tpu.vector_load %arg7[%get3A_286] {strides = array<i32>} : memref<528xf32, #tpu.memory_space<vmem>>, vector<16xf32>,
      %get3A_288 = vector.shape_cast %get3A_287 : vector<16xf32> to vector<16xf32>
      %slice3A_289 = vector.extract_strided_slice %get3A_288 {offsets = [0], sizes = [1], strides = [1]} : vector<16xf32> to vector<1xf32>
      %squeeze3A_290 = vector.extract %slice3A_289[0] : f32 from vector<1xf32>
      %broadcast_in_dim3A_291 = vector.broadcast %squeeze3A_290 : f32 to vector<16xf32>
      %slice3A_292 = vector.extract_strided_slice %get3A_288 {offsets = [1], sizes = [1], strides = [1]} : vector<16xf32> to vector<1xf32>
      %squeeze3A_293 = vector.extract %slice3A_292[0] : f32 from vector<1xf32>
      %broadcast_in_dim3A_294 = vector.broadcast %squeeze3A_293 : f32 to vector<16xf32>
      %slice3A_295 = vector.extract_strided_slice %get3A_288 {offsets = [2], sizes = [1], strides = [1]} : vector<16xf32> to vector<1xf32>
      %squeeze3A_296 = vector.extract %slice3A_295[0] : f32 from vector<1xf32>
      %broadcast_in_dim3A_297 = vector.broadcast %squeeze3A_296 : f32 to vector<16xf32>
      %slice3A_298 = vector.extract_strided_slice %get3A_288 {offsets = [3], sizes = [1], strides = [1]} : vector<16xf32> to vector<1xf32>
      %squeeze3A_299 = vector.extract %slice3A_298[0] : f32 from vector<1xf32>
      %broadcast_in_dim3A_300 = vector.broadcast %squeeze3A_299 : f32 to vector<16xf32>
      %parallel_loop3A_301 = arith.constant 0 : i32
      %parallel_loop3A_302 = arith.constant 4096 : i32
      %parallel_loop3A_303 = arith.constant 16 : i32
      %parallel_loop3A_304 = arith.constant 0 : i32
      %parallel_loop3A_305 = arith.constant 0 : i32
      scf.for %parallel_loop3A_448 = %parallel_loop3A_301 to %parallel_loop3A_302 step %parallel_loop3A_303  : i32 {
        %parallel_loop3A_449 = arith.index_cast %parallel_loop3A_448 : i32 to index
        %parallel_loop3A_450 = tpu.vector_load %arg6[%parallel_loop3A_449] {strides = array<i32>} : memref<4096xf32, #tpu.memory_space<vmem>>, vector<16xf32>,
        %parallel_loop3A_451 = vector.shape_cast %parallel_loop3A_450 : vector<16xf32> to vector<16xf32>
        %parallel_loop3A_452 = arith.constant 0 : i32
        %parallel_loop3A_453 = arith.constant 0 : i32
        %parallel_loop3A_454 = arith.constant 0 : i32
        %parallel_loop3A_455 = tpu.memref_slice %arg8[%parallel_loop3A_304, %parallel_loop3A_453, %parallel_loop3A_454] : memref<2x4x4096xf32, #tpu.memory_space<vmem>> -> memref<1x4x4096xf32, #tpu.memory_space<vmem>>
        %parallel_loop3A_456 = tpu.memref_squeeze %parallel_loop3A_455 : memref<1x4x4096xf32, #tpu.memory_space<vmem>> -> memref<4x4096xf32, #tpu.memory_space<vmem>>
        %parallel_loop3A_457 = arith.index_cast %parallel_loop3A_452 : i32 to index
        %parallel_loop3A_458 = arith.index_cast %parallel_loop3A_448 : i32 to index
        %parallel_loop3A_459 = tpu.vector_load %parallel_loop3A_456[%parallel_loop3A_457, %parallel_loop3A_458] {strides = array<i32>} : memref<4x4096xf32, #tpu.memory_space<vmem>>, vector<1x16xf32>,
        %parallel_loop3A_460 = vector.shape_cast %parallel_loop3A_459 : vector<1x16xf32> to vector<16xf32>
        %parallel_loop3A_461 = arith.mulf %broadcast_in_dim3A_291, %parallel_loop3A_451 : vector<16xf32>
        %parallel_loop3A_462 = arith.addf %parallel_loop3A_460, %parallel_loop3A_461 : vector<16xf32>
        %parallel_loop3A_463 = arith.constant 0.000000e+00 : f32
        %parallel_loop3A_464 = arith.constant 1.000000e+00 : f32
        %parallel_loop3A_465 = vector.broadcast %parallel_loop3A_463 : f32 to vector<16xf32>
        %parallel_loop3A_466 = arith.maximumf %parallel_loop3A_465, %parallel_loop3A_462 : vector<16xf32>
        %parallel_loop3A_467 = vector.broadcast %parallel_loop3A_464 : f32 to vector<16xf32>
        %parallel_loop3A_468 = arith.minimumf %parallel_loop3A_467, %parallel_loop3A_466 : vector<16xf32>
        %parallel_loop3A_469 = arith.constant 0 : i32
        %parallel_loop3A_470 = arith.constant 0 : i32
        %parallel_loop3A_471 = arith.constant 0 : i32
        %parallel_loop3A_472 = tpu.memref_slice %arg9[%parallel_loop3A_305, %parallel_loop3A_470, %parallel_loop3A_471] : memref<2x4x4096xf32, #tpu.memory_space<vmem>> -> memref<1x4x4096xf32, #tpu.memory_space<vmem>>
        %parallel_loop3A_473 = tpu.memref_squeeze %parallel_loop3A_472 : memref<1x4x4096xf32, #tpu.memory_space<vmem>> -> memref<4x4096xf32, #tpu.memory_space<vmem>>
        %parallel_loop3A_474 = arith.index_cast %parallel_loop3A_469 : i32 to index
        %parallel_loop3A_475 = arith.index_cast %parallel_loop3A_448 : i32 to index
        %parallel_loop3A_476 = tpu.vector_load %parallel_loop3A_473[%parallel_loop3A_474, %parallel_loop3A_475] {strides = array<i32>} : memref<4x4096xf32, #tpu.memory_space<vmem>>, vector<1x16xf32>,
        %parallel_loop3A_477 = vector.shape_cast %parallel_loop3A_476 : vector<1x16xf32> to vector<16xf32>
        %parallel_loop3A_478 = vector.shape_cast %parallel_loop3A_468 : vector<16xf32> to vector<1x16xf32>
        tpu.vector_store %parallel_loop3A_473[%parallel_loop3A_474, %parallel_loop3A_475], %parallel_loop3A_478 {strides = array<i32>} : memref<4x4096xf32, #tpu.memory_space<vmem>>, vector<1x16xf32>,
        %parallel_loop3A_479 = arith.constant 1 : i32
        %parallel_loop3A_480 = arith.constant 0 : i32
        %parallel_loop3A_481 = arith.constant 0 : i32
        %parallel_loop3A_482 = tpu.memref_slice %arg8[%parallel_loop3A_304, %parallel_loop3A_480, %parallel_loop3A_481] : memref<2x4x4096xf32, #tpu.memory_space<vmem>> -> memref<1x4x4096xf32, #tpu.memory_space<vmem>>
        %parallel_loop3A_483 = tpu.memref_squeeze %parallel_loop3A_482 : memref<1x4x4096xf32, #tpu.memory_space<vmem>> -> memref<4x4096xf32, #tpu.memory_space<vmem>>
        %parallel_loop3A_484 = arith.index_cast %parallel_loop3A_479 : i32 to index
        %parallel_loop3A_485 = arith.index_cast %parallel_loop3A_448 : i32 to index
        %parallel_loop3A_486 = tpu.vector_load %parallel_loop3A_483[%parallel_loop3A_484, %parallel_loop3A_485] {strides = array<i32>} : memref<4x4096xf32, #tpu.memory_space<vmem>>, vector<1x16xf32>,
        %parallel_loop3A_487 = vector.shape_cast %parallel_loop3A_486 : vector<1x16xf32> to vector<16xf32>
        %parallel_loop3A_488 = arith.mulf %broadcast_in_dim3A_294, %parallel_loop3A_451 : vector<16xf32>
        %parallel_loop3A_489 = arith.addf %parallel_loop3A_487, %parallel_loop3A_488 : vector<16xf32>
        %parallel_loop3A_490 = arith.constant 0.000000e+00 : f32
        %parallel_loop3A_491 = arith.constant 1.000000e+00 : f32
        %parallel_loop3A_492 = vector.broadcast %parallel_loop3A_490 : f32 to vector<16xf32>
        %parallel_loop3A_493 = arith.maximumf %parallel_loop3A_492, %parallel_loop3A_489 : vector<16xf32>
        %parallel_loop3A_494 = vector.broadcast %parallel_loop3A_491 : f32 to vector<16xf32>
        %parallel_loop3A_495 = arith.minimumf %parallel_loop3A_494, %parallel_loop3A_493 : vector<16xf32>
        %parallel_loop3A_496 = arith.constant 1 : i32
        %parallel_loop3A_497 = arith.constant 0 : i32
        %parallel_loop3A_498 = arith.constant 0 : i32
        %parallel_loop3A_499 = tpu.memref_slice %arg9[%parallel_loop3A_305, %parallel_loop3A_497, %parallel_loop3A_498] : memref<2x4x4096xf32, #tpu.memory_space<vmem>> -> memref<1x4x4096xf32, #tpu.memory_space<vmem>>
        %parallel_loop3A_500 = tpu.memref_squeeze %parallel_loop3A_499 : memref<1x4x4096xf32, #tpu.memory_space<vmem>> -> memref<4x4096xf32, #tpu.memory_space<vmem>>
        %parallel_loop3A_501 = arith.index_cast %parallel_loop3A_496 : i32 to index
        %parallel_loop3A_502 = arith.index_cast %parallel_loop3A_448 : i32 to index
        %parallel_loop3A_503 = tpu.vector_load %parallel_loop3A_500[%parallel_loop3A_501, %parallel_loop3A_502] {strides = array<i32>} : memref<4x4096xf32, #tpu.memory_space<vmem>>, vector<1x16xf32>,
        %parallel_loop3A_504 = vector.shape_cast %parallel_loop3A_503 : vector<1x16xf32> to vector<16xf32>
        %parallel_loop3A_505 = vector.shape_cast %parallel_loop3A_495 : vector<16xf32> to vector<1x16xf32>
        tpu.vector_store %parallel_loop3A_500[%parallel_loop3A_501, %parallel_loop3A_502], %parallel_loop3A_505 {strides = array<i32>} : memref<4x4096xf32, #tpu.memory_space<vmem>>, vector<1x16xf32>,
        %parallel_loop3A_506 = arith.constant 2 : i32
        %parallel_loop3A_507 = arith.constant 0 : i32
        %parallel_loop3A_508 = arith.constant 0 : i32
        %parallel_loop3A_509 = tpu.memref_slice %arg8[%parallel_loop3A_304, %parallel_loop3A_507, %parallel_loop3A_508] : memref<2x4x4096xf32, #tpu.memory_space<vmem>> -> memref<1x4x4096xf32, #tpu.memory_space<vmem>>
        %parallel_loop3A_510 = tpu.memref_squeeze %parallel_loop3A_509 : memref<1x4x4096xf32, #tpu.memory_space<vmem>> -> memref<4x4096xf32, #tpu.memory_space<vmem>>
        %parallel_loop3A_511 = arith.index_cast %parallel_loop3A_506 : i32 to index
        %parallel_loop3A_512 = arith.index_cast %parallel_loop3A_448 : i32 to index
        %parallel_loop3A_513 = tpu.vector_load %parallel_loop3A_510[%parallel_loop3A_511, %parallel_loop3A_512] {strides = array<i32>} : memref<4x4096xf32, #tpu.memory_space<vmem>>, vector<1x16xf32>,
        %parallel_loop3A_514 = vector.shape_cast %parallel_loop3A_513 : vector<1x16xf32> to vector<16xf32>
        %parallel_loop3A_515 = arith.mulf %broadcast_in_dim3A_297, %parallel_loop3A_451 : vector<16xf32>
        %parallel_loop3A_516 = arith.addf %parallel_loop3A_514, %parallel_loop3A_515 : vector<16xf32>
        %parallel_loop3A_517 = arith.constant 0.000000e+00 : f32
        %parallel_loop3A_518 = arith.constant 1.000000e+00 : f32
        %parallel_loop3A_519 = vector.broadcast %parallel_loop3A_517 : f32 to vector<16xf32>
        %parallel_loop3A_520 = arith.maximumf %parallel_loop3A_519, %parallel_loop3A_516 : vector<16xf32>
        %parallel_loop3A_521 = vector.broadcast %parallel_loop3A_518 : f32 to vector<16xf32>
        %parallel_loop3A_522 = arith.minimumf %parallel_loop3A_521, %parallel_loop3A_520 : vector<16xf32>
        %parallel_loop3A_523 = arith.constant 2 : i32
        %parallel_loop3A_524 = arith.constant 0 : i32
        %parallel_loop3A_525 = arith.constant 0 : i32
        %parallel_loop3A_526 = tpu.memref_slice %arg9[%parallel_loop3A_305, %parallel_loop3A_524, %parallel_loop3A_525] : memref<2x4x4096xf32, #tpu.memory_space<vmem>> -> memref<1x4x4096xf32, #tpu.memory_space<vmem>>
        %parallel_loop3A_527 = tpu.memref_squeeze %parallel_loop3A_526 : memref<1x4x4096xf32, #tpu.memory_space<vmem>> -> memref<4x4096xf32, #tpu.memory_space<vmem>>
        %parallel_loop3A_528 = arith.index_cast %parallel_loop3A_523 : i32 to index
        %parallel_loop3A_529 = arith.index_cast %parallel_loop3A_448 : i32 to index
        %parallel_loop3A_530 = tpu.vector_load %parallel_loop3A_527[%parallel_loop3A_528, %parallel_loop3A_529] {strides = array<i32>} : memref<4x4096xf32, #tpu.memory_space<vmem>>, vector<1x16xf32>,
        %parallel_loop3A_531 = vector.shape_cast %parallel_loop3A_530 : vector<1x16xf32> to vector<16xf32>
        %parallel_loop3A_532 = vector.shape_cast %parallel_loop3A_522 : vector<16xf32> to vector<1x16xf32>
        tpu.vector_store %parallel_loop3A_527[%parallel_loop3A_528, %parallel_loop3A_529], %parallel_loop3A_532 {strides = array<i32>} : memref<4x4096xf32, #tpu.memory_space<vmem>>, vector<1x16xf32>,
        %parallel_loop3A_533 = arith.constant 3 : i32
        %parallel_loop3A_534 = arith.constant 0 : i32
        %parallel_loop3A_535 = arith.constant 0 : i32
        %parallel_loop3A_536 = tpu.memref_slice %arg8[%parallel_loop3A_304, %parallel_loop3A_534, %parallel_loop3A_535] : memref<2x4x4096xf32, #tpu.memory_space<vmem>> -> memref<1x4x4096xf32, #tpu.memory_space<vmem>>
        %parallel_loop3A_537 = tpu.memref_squeeze %parallel_loop3A_536 : memref<1x4x4096xf32, #tpu.memory_space<vmem>> -> memref<4x4096xf32, #tpu.memory_space<vmem>>
        %parallel_loop3A_538 = arith.index_cast %parallel_loop3A_533 : i32 to index
        %parallel_loop3A_539 = arith.index_cast %parallel_loop3A_448 : i32 to index
        %parallel_loop3A_540 = tpu.vector_load %parallel_loop3A_537[%parallel_loop3A_538, %parallel_loop3A_539] {strides = array<i32>} : memref<4x4096xf32, #tpu.memory_space<vmem>>, vector<1x16xf32>,
        %parallel_loop3A_541 = vector.shape_cast %parallel_loop3A_540 : vector<1x16xf32> to vector<16xf32>
        %parallel_loop3A_542 = arith.mulf %broadcast_in_dim3A_300, %parallel_loop3A_451 : vector<16xf32>
        %parallel_loop3A_543 = arith.addf %parallel_loop3A_541, %parallel_loop3A_542 : vector<16xf32>
        %parallel_loop3A_544 = arith.constant 0.000000e+00 : f32
        %parallel_loop3A_545 = arith.constant 1.000000e+00 : f32
        %parallel_loop3A_546 = vector.broadcast %parallel_loop3A_544 : f32 to vector<16xf32>
        %parallel_loop3A_547 = arith.maximumf %parallel_loop3A_546, %parallel_loop3A_543 : vector<16xf32>
        %parallel_loop3A_548 = vector.broadcast %parallel_loop3A_545 : f32 to vector<16xf32>
        %parallel_loop3A_549 = arith.minimumf %parallel_loop3A_548, %parallel_loop3A_547 : vector<16xf32>
        %parallel_loop3A_550 = arith.constant 3 : i32
        %parallel_loop3A_551 = arith.constant 0 : i32
        %parallel_loop3A_552 = arith.constant 0 : i32
        %parallel_loop3A_553 = tpu.memref_slice %arg9[%parallel_loop3A_305, %parallel_loop3A_551, %parallel_loop3A_552] : memref<2x4x4096xf32, #tpu.memory_space<vmem>> -> memref<1x4x4096xf32, #tpu.memory_space<vmem>>
        %parallel_loop3A_554 = tpu.memref_squeeze %parallel_loop3A_553 : memref<1x4x4096xf32, #tpu.memory_space<vmem>> -> memref<4x4096xf32, #tpu.memory_space<vmem>>
        %parallel_loop3A_555 = arith.index_cast %parallel_loop3A_550 : i32 to index
        %parallel_loop3A_556 = arith.index_cast %parallel_loop3A_448 : i32 to index
        %parallel_loop3A_557 = tpu.vector_load %parallel_loop3A_554[%parallel_loop3A_555, %parallel_loop3A_556] {strides = array<i32>} : memref<4x4096xf32, #tpu.memory_space<vmem>>, vector<1x16xf32>,
        %parallel_loop3A_558 = vector.shape_cast %parallel_loop3A_557 : vector<1x16xf32> to vector<16xf32>
        %parallel_loop3A_559 = vector.shape_cast %parallel_loop3A_549 : vector<16xf32> to vector<1x16xf32>
        tpu.vector_store %parallel_loop3A_554[%parallel_loop3A_555, %parallel_loop3A_556], %parallel_loop3A_559 {strides = array<i32>} : memref<4x4096xf32, #tpu.memory_space<vmem>>, vector<1x16xf32>,
      } {sc.loop_unroll_factor = 8 : i64, sc.parallel_access}
      %mul3A_306 = arith.constant 4 : i32
      %mul3A_307 = arith.muli %add3A_251, %mul3A_306 : i32
      %add3A_308 = arith.addi %mul3A_2, %mul3A_307 : i32
      %dma_start3A_309 = arith.constant 0 : i32
      %dma_start3A_310 = arith.constant 0 : i32
      %dma_start3A_311 = arith.constant 0 : i32
      %dma_start3A_312 = arith.constant 0 : i32
      %dma_start3A_313 = tpu.memref_slice %arg9[%dma_start3A_309, %dma_start3A_311, %dma_start3A_312] : memref<2x4x4096xf32, #tpu.memory_space<vmem>> -> memref<1x4x4096xf32, #tpu.memory_space<vmem>>
      %dma_start3A_314 = tpu.memref_squeeze %dma_start3A_313 : memref<1x4x4096xf32, #tpu.memory_space<vmem>> -> memref<4x4096xf32, #tpu.memory_space<vmem>>
      %dma_start3A_315 = arith.constant 0 : i32
      %dma_start3A_316 = tpu.memref_slice %arg5[%add3A_308, %dma_start3A_315] : memref<16384x4096xf32, #tpu.memory_space<hbm>> -> memref<4x4096xf32, #tpu.memory_space<hbm>>
      %dma_start3A_317 = tpu.memref_slice %arg11[%dma_start3A_310] : memref<2x!tpu.dma_semaphore, #tpu.memory_space<semaphore_mem>> -> memref<1x!tpu.dma_semaphore, #tpu.memory_space<semaphore_mem>>
      %dma_start3A_318 = tpu.memref_squeeze %dma_start3A_317 : memref<1x!tpu.dma_semaphore, #tpu.memory_space<semaphore_mem>> -> memref<!tpu.dma_semaphore, #tpu.memory_space<semaphore_mem>>
      %dma_start3A_319 = arith.constant 0 : i32
      %dma_start3A_320 = tpu.memref_slice %arg5[%add3A_308, %dma_start3A_319] : memref<16384x4096xf32, #tpu.memory_space<hbm>> -> memref<4x4096xf32, #tpu.memory_space<hbm>>
      %dma_start3A_321 = arith.constant 0 : i32
      %dma_start3A_322 = arith.constant 0 : i32
      %dma_start3A_323 = tpu.memref_slice %arg9[%dma_start3A_309, %dma_start3A_321, %dma_start3A_322] : memref<2x4x4096xf32, #tpu.memory_space<vmem>> -> memref<1x4x4096xf32, #tpu.memory_space<vmem>>
      %dma_start3A_324 = tpu.memref_squeeze %dma_start3A_323 : memref<1x4x4096xf32, #tpu.memory_space<vmem>> -> memref<4x4096xf32, #tpu.memory_space<vmem>>
      tpu.enqueue_dma source(%dma_start3A_324 : memref<4x4096xf32, #tpu.memory_space<vmem>>) target(%dma_start3A_320 : memref<4x4096xf32, #tpu.memory_space<hbm>>) target_semaphore(%dma_start3A_318 : memref<!tpu.dma_semaphore, #tpu.memory_space<semaphore_mem>>)
      %add3A_325 = arith.constant 2 : i32
      %add3A_326 = arith.addi %add3A_251, %add3A_325 : i32
      %rem3A = arith.constant 128 : i32
      %rem3A_327 = arith.remsi %add3A_326, %rem3A : i32
      %mul3A_328 = arith.constant 4 : i32
      %mul3A_329 = arith.muli %rem3A_327, %mul3A_328 : i32
      %add3A_330 = arith.addi %mul3A_2, %mul3A_329 : i32
      %dma_start3A_331 = arith.constant 0 : i32
      %dma_start3A_332 = arith.constant 0 : i32
      %dma_start3A_333 = arith.constant 0 : i32
      %dma_start3A_334 = arith.constant 0 : i32
      %dma_start3A_335 = tpu.memref_slice %arg8[%dma_start3A_331, %dma_start3A_333, %dma_start3A_334] : memref<2x4x4096xf32, #tpu.memory_space<vmem>> -> memref<1x4x4096xf32, #tpu.memory_space<vmem>>
      %dma_start3A_336 = tpu.memref_squeeze %dma_start3A_335 : memref<1x4x4096xf32, #tpu.memory_space<vmem>> -> memref<4x4096xf32, #tpu.memory_space<vmem>>
      %dma_start3A_337 = arith.constant 0 : i32
      %dma_start3A_338 = tpu.memref_slice %arg2[%add3A_330, %dma_start3A_337] : memref<16384x4096xf32, #tpu.memory_space<hbm>> -> memref<4x4096xf32, #tpu.memory_space<hbm>>
      %dma_start3A_339 = tpu.memref_slice %arg10[%dma_start3A_332] : memref<2x!tpu.dma_semaphore, #tpu.memory_space<semaphore_mem>> -> memref<1x!tpu.dma_semaphore, #tpu.memory_space<semaphore_mem>>
      %dma_start3A_340 = tpu.memref_squeeze %dma_start3A_339 : memref<1x!tpu.dma_semaphore, #tpu.memory_space<semaphore_mem>> -> memref<!tpu.dma_semaphore, #tpu.memory_space<semaphore_mem>>
      %dma_start3A_341 = arith.constant 0 : i32
      %dma_start3A_342 = arith.constant 0 : i32
      %dma_start3A_343 = tpu.memref_slice %arg8[%dma_start3A_331, %dma_start3A_341, %dma_start3A_342] : memref<2x4x4096xf32, #tpu.memory_space<vmem>> -> memref<1x4x4096xf32, #tpu.memory_space<vmem>>
      %dma_start3A_344 = tpu.memref_squeeze %dma_start3A_343 : memref<1x4x4096xf32, #tpu.memory_space<vmem>> -> memref<4x4096xf32, #tpu.memory_space<vmem>>
      %dma_start3A_345 = arith.constant 0 : i32
      %dma_start3A_346 = tpu.memref_slice %arg2[%add3A_330, %dma_start3A_345] : memref<16384x4096xf32, #tpu.memory_space<hbm>> -> memref<4x4096xf32, #tpu.memory_space<hbm>>
      tpu.enqueue_dma source(%dma_start3A_346 : memref<4x4096xf32, #tpu.memory_space<hbm>>) target(%dma_start3A_344 : memref<4x4096xf32, #tpu.memory_space<vmem>>) target_semaphore(%dma_start3A_340 : memref<!tpu.dma_semaphore, #tpu.memory_space<semaphore_mem>>)
      %mul3A_347 = arith.constant 2 : i32
      %mul3A_348 = arith.muli %scan3A_246, %mul3A_347 : i32
      %add3A_349 = arith.constant 1 : i32
      %add3A_350 = arith.addi %mul3A_348, %add3A_349 : i32
      %dma_wait3A_351 = arith.constant 1 : i32
      %dma_wait3A_352 = arith.constant 1 : i32
      %dma_wait3A_353 = arith.constant 0 : i32
      %dma_wait3A_354 = arith.constant 0 : i32
      %dma_wait3A_355 = tpu.memref_slice %arg8[%dma_wait3A_351, %dma_wait3A_353, %dma_wait3A_354] : memref<2x4x4096xf32, #tpu.memory_space<vmem>> -> memref<1x4x4096xf32, #tpu.memory_space<vmem>>
      %dma_wait3A_356 = tpu.memref_squeeze %dma_wait3A_355 : memref<1x4x4096xf32, #tpu.memory_space<vmem>> -> memref<4x4096xf32, #tpu.memory_space<vmem>>
      %dma_wait3A_357 = arith.constant 0 : i32
      %dma_wait3A_358 = tpu.memref_slice %arg2[%mul3A_2, %dma_wait3A_357] : memref<16384x4096xf32, #tpu.memory_space<hbm>> -> memref<4x4096xf32, #tpu.memory_space<hbm>>
      %dma_wait3A_359 = tpu.memref_slice %arg10[%dma_wait3A_352] : memref<2x!tpu.dma_semaphore, #tpu.memory_space<semaphore_mem>> -> memref<1x!tpu.dma_semaphore, #tpu.memory_space<semaphore_mem>>
      %dma_wait3A_360 = tpu.memref_squeeze %dma_wait3A_359 : memref<1x!tpu.dma_semaphore, #tpu.memory_space<semaphore_mem>> -> memref<!tpu.dma_semaphore, #tpu.memory_space<semaphore_mem>>
      %dma_wait3A_361 = arith.constant 0 : i32
      %dma_wait3A_362 = arith.constant 0 : i32
      %dma_wait3A_363 = tpu.memref_slice %arg8[%dma_wait3A_351, %dma_wait3A_361, %dma_wait3A_362] : memref<2x4x4096xf32, #tpu.memory_space<vmem>> -> memref<1x4x4096xf32, #tpu.memory_space<vmem>>
      %dma_wait3A_364 = tpu.memref_squeeze %dma_wait3A_363 : memref<1x4x4096xf32, #tpu.memory_space<vmem>> -> memref<4x4096xf32, #tpu.memory_space<vmem>>
      %dma_wait3A_365 = arith.constant 0 : i32
      %dma_wait3A_366 = tpu.memref_slice %arg2[%mul3A_2, %dma_wait3A_365] : memref<16384x4096xf32, #tpu.memory_space<hbm>> -> memref<4x4096xf32, #tpu.memory_space<hbm>>
      tpu.wait_dma2 semaphore(%dma_wait3A_360 : memref<!tpu.dma_semaphore, #tpu.memory_space<semaphore_mem>>) src(%dma_wait3A_366 : memref<4x4096xf32, #tpu.memory_space<hbm>>) dst(%dma_wait3A_364 : memref<4x4096xf32, #tpu.memory_space<vmem>>)
      %dma_wait3A_367 = arith.constant 1 : i32
      %dma_wait3A_368 = arith.constant 1 : i32
      %dma_wait3A_369 = arith.constant 0 : i32
      %dma_wait3A_370 = arith.constant 0 : i32
      %dma_wait3A_371 = tpu.memref_slice %arg9[%dma_wait3A_367, %dma_wait3A_369, %dma_wait3A_370] : memref<2x4x4096xf32, #tpu.memory_space<vmem>> -> memref<1x4x4096xf32, #tpu.memory_space<vmem>>
      %dma_wait3A_372 = tpu.memref_squeeze %dma_wait3A_371 : memref<1x4x4096xf32, #tpu.memory_space<vmem>> -> memref<4x4096xf32, #tpu.memory_space<vmem>>
      %dma_wait3A_373 = arith.constant 0 : i32
      %dma_wait3A_374 = tpu.memref_slice %arg5[%mul3A_2, %dma_wait3A_373] : memref<16384x4096xf32, #tpu.memory_space<hbm>> -> memref<4x4096xf32, #tpu.memory_space<hbm>>
      %dma_wait3A_375 = tpu.memref_slice %arg11[%dma_wait3A_368] : memref<2x!tpu.dma_semaphore, #tpu.memory_space<semaphore_mem>> -> memref<1x!tpu.dma_semaphore, #tpu.memory_space<semaphore_mem>>
      %dma_wait3A_376 = tpu.memref_squeeze %dma_wait3A_375 : memref<1x!tpu.dma_semaphore, #tpu.memory_space<semaphore_mem>> -> memref<!tpu.dma_semaphore, #tpu.memory_space<semaphore_mem>>
      %dma_wait3A_377 = arith.constant 0 : i32
      %dma_wait3A_378 = tpu.memref_slice %arg5[%mul3A_2, %dma_wait3A_377] : memref<16384x4096xf32, #tpu.memory_space<hbm>> -> memref<4x4096xf32, #tpu.memory_space<hbm>>
      %dma_wait3A_379 = arith.constant 0 : i32
      %dma_wait3A_380 = arith.constant 0 : i32
      %dma_wait3A_381 = tpu.memref_slice %arg9[%dma_wait3A_367, %dma_wait3A_379, %dma_wait3A_380] : memref<2x4x4096xf32, #tpu.memory_space<vmem>> -> memref<1x4x4096xf32, #tpu.memory_space<vmem>>
      %dma_wait3A_382 = tpu.memref_squeeze %dma_wait3A_381 : memref<1x4x4096xf32, #tpu.memory_space<vmem>> -> memref<4x4096xf32, #tpu.memory_space<vmem>>
      tpu.wait_dma2 semaphore(%dma_wait3A_376 : memref<!tpu.dma_semaphore, #tpu.memory_space<semaphore_mem>>) src(%dma_wait3A_382 : memref<4x4096xf32, #tpu.memory_space<vmem>>) dst(%dma_wait3A_378 : memref<4x4096xf32, #tpu.memory_space<hbm>>)
      %mul3A_383 = arith.constant 4 : i32
      %mul3A_384 = arith.muli %add3A_350, %mul3A_383 : i32
      %get3A_385 = arith.index_cast %mul3A_384 : i32 to index
      %get3A_386 = tpu.vector_load %arg7[%get3A_385] {strides = array<i32>} : memref<528xf32, #tpu.memory_space<vmem>>, vector<16xf32>,
      %get3A_387 = vector.shape_cast %get3A_386 : vector<16xf32> to vector<16xf32>
      %slice3A_388 = vector.extract_strided_slice %get3A_387 {offsets = [0], sizes = [1], strides = [1]} : vector<16xf32> to vector<1xf32>
      %squeeze3A_389 = vector.extract %slice3A_388[0] : f32 from vector<1xf32>
      %broadcast_in_dim3A_390 = vector.broadcast %squeeze3A_389 : f32 to vector<16xf32>
      %slice3A_391 = vector.extract_strided_slice %get3A_387 {offsets = [1], sizes = [1], strides = [1]} : vector<16xf32> to vector<1xf32>
      %squeeze3A_392 = vector.extract %slice3A_391[0] : f32 from vector<1xf32>
      %broadcast_in_dim3A_393 = vector.broadcast %squeeze3A_392 : f32 to vector<16xf32>
      %slice3A_394 = vector.extract_strided_slice %get3A_387 {offsets = [2], sizes = [1], strides = [1]} : vector<16xf32> to vector<1xf32>
      %squeeze3A_395 = vector.extract %slice3A_394[0] : f32 from vector<1xf32>
      %broadcast_in_dim3A_396 = vector.broadcast %squeeze3A_395 : f32 to vector<16xf32>
      %slice3A_397 = vector.extract_strided_slice %get3A_387 {offsets = [3], sizes = [1], strides = [1]} : vector<16xf32> to vector<1xf32>
      %squeeze3A_398 = vector.extract %slice3A_397[0] : f32 from vector<1xf32>
      %broadcast_in_dim3A_399 = vector.broadcast %squeeze3A_398 : f32 to vector<16xf32>
      %parallel_loop3A_400 = arith.constant 0 : i32
      %parallel_loop3A_401 = arith.constant 4096 : i32
      %parallel_loop3A_402 = arith.constant 16 : i32
      %parallel_loop3A_403 = arith.constant 1 : i32
      %parallel_loop3A_404 = arith.constant 1 : i32
      scf.for %parallel_loop3A_448 = %parallel_loop3A_400 to %parallel_loop3A_401 step %parallel_loop3A_402  : i32 {
        %parallel_loop3A_449 = arith.index_cast %parallel_loop3A_448 : i32 to index
        %parallel_loop3A_450 = tpu.vector_load %arg6[%parallel_loop3A_449] {strides = array<i32>} : memref<4096xf32, #tpu.memory_space<vmem>>, vector<16xf32>,
        %parallel_loop3A_451 = vector.shape_cast %parallel_loop3A_450 : vector<16xf32> to vector<16xf32>
        %parallel_loop3A_452 = arith.constant 0 : i32
        %parallel_loop3A_453 = arith.constant 0 : i32
        %parallel_loop3A_454 = arith.constant 0 : i32
        %parallel_loop3A_455 = tpu.memref_slice %arg8[%parallel_loop3A_403, %parallel_loop3A_453, %parallel_loop3A_454] : memref<2x4x4096xf32, #tpu.memory_space<vmem>> -> memref<1x4x4096xf32, #tpu.memory_space<vmem>>
        %parallel_loop3A_456 = tpu.memref_squeeze %parallel_loop3A_455 : memref<1x4x4096xf32, #tpu.memory_space<vmem>> -> memref<4x4096xf32, #tpu.memory_space<vmem>>
        %parallel_loop3A_457 = arith.index_cast %parallel_loop3A_452 : i32 to index
        %parallel_loop3A_458 = arith.index_cast %parallel_loop3A_448 : i32 to index
        %parallel_loop3A_459 = tpu.vector_load %parallel_loop3A_456[%parallel_loop3A_457, %parallel_loop3A_458] {strides = array<i32>} : memref<4x4096xf32, #tpu.memory_space<vmem>>, vector<1x16xf32>,
        %parallel_loop3A_460 = vector.shape_cast %parallel_loop3A_459 : vector<1x16xf32> to vector<16xf32>
        %parallel_loop3A_461 = arith.mulf %broadcast_in_dim3A_390, %parallel_loop3A_451 : vector<16xf32>
        %parallel_loop3A_462 = arith.addf %parallel_loop3A_460, %parallel_loop3A_461 : vector<16xf32>
        %parallel_loop3A_463 = arith.constant 0.000000e+00 : f32
        %parallel_loop3A_464 = arith.constant 1.000000e+00 : f32
        %parallel_loop3A_465 = vector.broadcast %parallel_loop3A_463 : f32 to vector<16xf32>
        %parallel_loop3A_466 = arith.maximumf %parallel_loop3A_465, %parallel_loop3A_462 : vector<16xf32>
        %parallel_loop3A_467 = vector.broadcast %parallel_loop3A_464 : f32 to vector<16xf32>
        %parallel_loop3A_468 = arith.minimumf %parallel_loop3A_467, %parallel_loop3A_466 : vector<16xf32>
        %parallel_loop3A_469 = arith.constant 0 : i32
        %parallel_loop3A_470 = arith.constant 0 : i32
        %parallel_loop3A_471 = arith.constant 0 : i32
        %parallel_loop3A_472 = tpu.memref_slice %arg9[%parallel_loop3A_404, %parallel_loop3A_470, %parallel_loop3A_471] : memref<2x4x4096xf32, #tpu.memory_space<vmem>> -> memref<1x4x4096xf32, #tpu.memory_space<vmem>>
        %parallel_loop3A_473 = tpu.memref_squeeze %parallel_loop3A_472 : memref<1x4x4096xf32, #tpu.memory_space<vmem>> -> memref<4x4096xf32, #tpu.memory_space<vmem>>
        %parallel_loop3A_474 = arith.index_cast %parallel_loop3A_469 : i32 to index
        %parallel_loop3A_475 = arith.index_cast %parallel_loop3A_448 : i32 to index
        %parallel_loop3A_476 = tpu.vector_load %parallel_loop3A_473[%parallel_loop3A_474, %parallel_loop3A_475] {strides = array<i32>} : memref<4x4096xf32, #tpu.memory_space<vmem>>, vector<1x16xf32>,
        %parallel_loop3A_477 = vector.shape_cast %parallel_loop3A_476 : vector<1x16xf32> to vector<16xf32>
        %parallel_loop3A_478 = vector.shape_cast %parallel_loop3A_468 : vector<16xf32> to vector<1x16xf32>
        tpu.vector_store %parallel_loop3A_473[%parallel_loop3A_474, %parallel_loop3A_475], %parallel_loop3A_478 {strides = array<i32>} : memref<4x4096xf32, #tpu.memory_space<vmem>>, vector<1x16xf32>,
        %parallel_loop3A_479 = arith.constant 1 : i32
        %parallel_loop3A_480 = arith.constant 0 : i32
        %parallel_loop3A_481 = arith.constant 0 : i32
        %parallel_loop3A_482 = tpu.memref_slice %arg8[%parallel_loop3A_403, %parallel_loop3A_480, %parallel_loop3A_481] : memref<2x4x4096xf32, #tpu.memory_space<vmem>> -> memref<1x4x4096xf32, #tpu.memory_space<vmem>>
        %parallel_loop3A_483 = tpu.memref_squeeze %parallel_loop3A_482 : memref<1x4x4096xf32, #tpu.memory_space<vmem>> -> memref<4x4096xf32, #tpu.memory_space<vmem>>
        %parallel_loop3A_484 = arith.index_cast %parallel_loop3A_479 : i32 to index
        %parallel_loop3A_485 = arith.index_cast %parallel_loop3A_448 : i32 to index
        %parallel_loop3A_486 = tpu.vector_load %parallel_loop3A_483[%parallel_loop3A_484, %parallel_loop3A_485] {strides = array<i32>} : memref<4x4096xf32, #tpu.memory_space<vmem>>, vector<1x16xf32>,
        %parallel_loop3A_487 = vector.shape_cast %parallel_loop3A_486 : vector<1x16xf32> to vector<16xf32>
        %parallel_loop3A_488 = arith.mulf %broadcast_in_dim3A_393, %parallel_loop3A_451 : vector<16xf32>
        %parallel_loop3A_489 = arith.addf %parallel_loop3A_487, %parallel_loop3A_488 : vector<16xf32>
        %parallel_loop3A_490 = arith.constant 0.000000e+00 : f32
        %parallel_loop3A_491 = arith.constant 1.000000e+00 : f32
        %parallel_loop3A_492 = vector.broadcast %parallel_loop3A_490 : f32 to vector<16xf32>
        %parallel_loop3A_493 = arith.maximumf %parallel_loop3A_492, %parallel_loop3A_489 : vector<16xf32>
        %parallel_loop3A_494 = vector.broadcast %parallel_loop3A_491 : f32 to vector<16xf32>
        %parallel_loop3A_495 = arith.minimumf %parallel_loop3A_494, %parallel_loop3A_493 : vector<16xf32>
        %parallel_loop3A_496 = arith.constant 1 : i32
        %parallel_loop3A_497 = arith.constant 0 : i32
        %parallel_loop3A_498 = arith.constant 0 : i32
        %parallel_loop3A_499 = tpu.memref_slice %arg9[%parallel_loop3A_404, %parallel_loop3A_497, %parallel_loop3A_498] : memref<2x4x4096xf32, #tpu.memory_space<vmem>> -> memref<1x4x4096xf32, #tpu.memory_space<vmem>>
        %parallel_loop3A_500 = tpu.memref_squeeze %parallel_loop3A_499 : memref<1x4x4096xf32, #tpu.memory_space<vmem>> -> memref<4x4096xf32, #tpu.memory_space<vmem>>
        %parallel_loop3A_501 = arith.index_cast %parallel_loop3A_496 : i32 to index
        %parallel_loop3A_502 = arith.index_cast %parallel_loop3A_448 : i32 to index
        %parallel_loop3A_503 = tpu.vector_load %parallel_loop3A_500[%parallel_loop3A_501, %parallel_loop3A_502] {strides = array<i32>} : memref<4x4096xf32, #tpu.memory_space<vmem>>, vector<1x16xf32>,
        %parallel_loop3A_504 = vector.shape_cast %parallel_loop3A_503 : vector<1x16xf32> to vector<16xf32>
        %parallel_loop3A_505 = vector.shape_cast %parallel_loop3A_495 : vector<16xf32> to vector<1x16xf32>
        tpu.vector_store %parallel_loop3A_500[%parallel_loop3A_501, %parallel_loop3A_502], %parallel_loop3A_505 {strides = array<i32>} : memref<4x4096xf32, #tpu.memory_space<vmem>>, vector<1x16xf32>,
        %parallel_loop3A_506 = arith.constant 2 : i32
        %parallel_loop3A_507 = arith.constant 0 : i32
        %parallel_loop3A_508 = arith.constant 0 : i32
        %parallel_loop3A_509 = tpu.memref_slice %arg8[%parallel_loop3A_403, %parallel_loop3A_507, %parallel_loop3A_508] : memref<2x4x4096xf32, #tpu.memory_space<vmem>> -> memref<1x4x4096xf32, #tpu.memory_space<vmem>>
        %parallel_loop3A_510 = tpu.memref_squeeze %parallel_loop3A_509 : memref<1x4x4096xf32, #tpu.memory_space<vmem>> -> memref<4x4096xf32, #tpu.memory_space<vmem>>
        %parallel_loop3A_511 = arith.index_cast %parallel_loop3A_506 : i32 to index
        %parallel_loop3A_512 = arith.index_cast %parallel_loop3A_448 : i32 to index
        %parallel_loop3A_513 = tpu.vector_load %parallel_loop3A_510[%parallel_loop3A_511, %parallel_loop3A_512] {strides = array<i32>} : memref<4x4096xf32, #tpu.memory_space<vmem>>, vector<1x16xf32>,
        %parallel_loop3A_514 = vector.shape_cast %parallel_loop3A_513 : vector<1x16xf32> to vector<16xf32>
        %parallel_loop3A_515 = arith.mulf %broadcast_in_dim3A_396, %parallel_loop3A_451 : vector<16xf32>
        %parallel_loop3A_516 = arith.addf %parallel_loop3A_514, %parallel_loop3A_515 : vector<16xf32>
        %parallel_loop3A_517 = arith.constant 0.000000e+00 : f32
        %parallel_loop3A_518 = arith.constant 1.000000e+00 : f32
        %parallel_loop3A_519 = vector.broadcast %parallel_loop3A_517 : f32 to vector<16xf32>
        %parallel_loop3A_520 = arith.maximumf %parallel_loop3A_519, %parallel_loop3A_516 : vector<16xf32>
        %parallel_loop3A_521 = vector.broadcast %parallel_loop3A_518 : f32 to vector<16xf32>
        %parallel_loop3A_522 = arith.minimumf %parallel_loop3A_521, %parallel_loop3A_520 : vector<16xf32>
        %parallel_loop3A_523 = arith.constant 2 : i32
        %parallel_loop3A_524 = arith.constant 0 : i32
        %parallel_loop3A_525 = arith.constant 0 : i32
        %parallel_loop3A_526 = tpu.memref_slice %arg9[%parallel_loop3A_404, %parallel_loop3A_524, %parallel_loop3A_525] : memref<2x4x4096xf32, #tpu.memory_space<vmem>> -> memref<1x4x4096xf32, #tpu.memory_space<vmem>>
        %parallel_loop3A_527 = tpu.memref_squeeze %parallel_loop3A_526 : memref<1x4x4096xf32, #tpu.memory_space<vmem>> -> memref<4x4096xf32, #tpu.memory_space<vmem>>
        %parallel_loop3A_528 = arith.index_cast %parallel_loop3A_523 : i32 to index
        %parallel_loop3A_529 = arith.index_cast %parallel_loop3A_448 : i32 to index
        %parallel_loop3A_530 = tpu.vector_load %parallel_loop3A_527[%parallel_loop3A_528, %parallel_loop3A_529] {strides = array<i32>} : memref<4x4096xf32, #tpu.memory_space<vmem>>, vector<1x16xf32>,
        %parallel_loop3A_531 = vector.shape_cast %parallel_loop3A_530 : vector<1x16xf32> to vector<16xf32>
        %parallel_loop3A_532 = vector.shape_cast %parallel_loop3A_522 : vector<16xf32> to vector<1x16xf32>
        tpu.vector_store %parallel_loop3A_527[%parallel_loop3A_528, %parallel_loop3A_529], %parallel_loop3A_532 {strides = array<i32>} : memref<4x4096xf32, #tpu.memory_space<vmem>>, vector<1x16xf32>,
        %parallel_loop3A_533 = arith.constant 3 : i32
        %parallel_loop3A_534 = arith.constant 0 : i32
        %parallel_loop3A_535 = arith.constant 0 : i32
        %parallel_loop3A_536 = tpu.memref_slice %arg8[%parallel_loop3A_403, %parallel_loop3A_534, %parallel_loop3A_535] : memref<2x4x4096xf32, #tpu.memory_space<vmem>> -> memref<1x4x4096xf32, #tpu.memory_space<vmem>>
        %parallel_loop3A_537 = tpu.memref_squeeze %parallel_loop3A_536 : memref<1x4x4096xf32, #tpu.memory_space<vmem>> -> memref<4x4096xf32, #tpu.memory_space<vmem>>
        %parallel_loop3A_538 = arith.index_cast %parallel_loop3A_533 : i32 to index
        %parallel_loop3A_539 = arith.index_cast %parallel_loop3A_448 : i32 to index
        %parallel_loop3A_540 = tpu.vector_load %parallel_loop3A_537[%parallel_loop3A_538, %parallel_loop3A_539] {strides = array<i32>} : memref<4x4096xf32, #tpu.memory_space<vmem>>, vector<1x16xf32>,
        %parallel_loop3A_541 = vector.shape_cast %parallel_loop3A_540 : vector<1x16xf32> to vector<16xf32>
        %parallel_loop3A_542 = arith.mulf %broadcast_in_dim3A_399, %parallel_loop3A_451 : vector<16xf32>
        %parallel_loop3A_543 = arith.addf %parallel_loop3A_541, %parallel_loop3A_542 : vector<16xf32>
        %parallel_loop3A_544 = arith.constant 0.000000e+00 : f32
        %parallel_loop3A_545 = arith.constant 1.000000e+00 : f32
        %parallel_loop3A_546 = vector.broadcast %parallel_loop3A_544 : f32 to vector<16xf32>
        %parallel_loop3A_547 = arith.maximumf %parallel_loop3A_546, %parallel_loop3A_543 : vector<16xf32>
        %parallel_loop3A_548 = vector.broadcast %parallel_loop3A_545 : f32 to vector<16xf32>
        %parallel_loop3A_549 = arith.minimumf %parallel_loop3A_548, %parallel_loop3A_547 : vector<16xf32>
        %parallel_loop3A_550 = arith.constant 3 : i32
        %parallel_loop3A_551 = arith.constant 0 : i32
        %parallel_loop3A_552 = arith.constant 0 : i32
        %parallel_loop3A_553 = tpu.memref_slice %arg9[%parallel_loop3A_404, %parallel_loop3A_551, %parallel_loop3A_552] : memref<2x4x4096xf32, #tpu.memory_space<vmem>> -> memref<1x4x4096xf32, #tpu.memory_space<vmem>>
        %parallel_loop3A_554 = tpu.memref_squeeze %parallel_loop3A_553 : memref<1x4x4096xf32, #tpu.memory_space<vmem>> -> memref<4x4096xf32, #tpu.memory_space<vmem>>
        %parallel_loop3A_555 = arith.index_cast %parallel_loop3A_550 : i32 to index
        %parallel_loop3A_556 = arith.index_cast %parallel_loop3A_448 : i32 to index
        %parallel_loop3A_557 = tpu.vector_load %parallel_loop3A_554[%parallel_loop3A_555, %parallel_loop3A_556] {strides = array<i32>} : memref<4x4096xf32, #tpu.memory_space<vmem>>, vector<1x16xf32>,
        %parallel_loop3A_558 = vector.shape_cast %parallel_loop3A_557 : vector<1x16xf32> to vector<16xf32>
        %parallel_loop3A_559 = vector.shape_cast %parallel_loop3A_549 : vector<16xf32> to vector<1x16xf32>
        tpu.vector_store %parallel_loop3A_554[%parallel_loop3A_555, %parallel_loop3A_556], %parallel_loop3A_559 {strides = array<i32>} : memref<4x4096xf32, #tpu.memory_space<vmem>>, vector<1x16xf32>,
      } {sc.loop_unroll_factor = 8 : i64, sc.parallel_access}
      %mul3A_405 = arith.constant 4 : i32
      %mul3A_406 = arith.muli %add3A_350, %mul3A_405 : i32
      %add3A_407 = arith.addi %mul3A_2, %mul3A_406 : i32
      %dma_start3A_408 = arith.constant 1 : i32
      %dma_start3A_409 = arith.constant 1 : i32
      %dma_start3A_410 = arith.constant 0 : i32
      %dma_start3A_411 = arith.constant 0 : i32
      %dma_start3A_412 = tpu.memref_slice %arg9[%dma_start3A_408, %dma_start3A_410, %dma_start3A_411] : memref<2x4x4096xf32, #tpu.memory_space<vmem>> -> memref<1x4x4096xf32, #tpu.memory_space<vmem>>
      %dma_start3A_413 = tpu.memref_squeeze %dma_start3A_412 : memref<1x4x4096xf32, #tpu.memory_space<vmem>> -> memref<4x4096xf32, #tpu.memory_space<vmem>>
      %dma_start3A_414 = arith.constant 0 : i32
      %dma_start3A_415 = tpu.memref_slice %arg5[%add3A_407, %dma_start3A_414] : memref<16384x4096xf32, #tpu.memory_space<hbm>> -> memref<4x4096xf32, #tpu.memory_space<hbm>>
      %dma_start3A_416 = tpu.memref_slice %arg11[%dma_start3A_409] : memref<2x!tpu.dma_semaphore, #tpu.memory_space<semaphore_mem>> -> memref<1x!tpu.dma_semaphore, #tpu.memory_space<semaphore_mem>>
      %dma_start3A_417 = tpu.memref_squeeze %dma_start3A_416 : memref<1x!tpu.dma_semaphore, #tpu.memory_space<semaphore_mem>> -> memref<!tpu.dma_semaphore, #tpu.memory_space<semaphore_mem>>
      %dma_start3A_418 = arith.constant 0 : i32
      %dma_start3A_419 = tpu.memref_slice %arg5[%add3A_407, %dma_start3A_418] : memref<16384x4096xf32, #tpu.memory_space<hbm>> -> memref<4x4096xf32, #tpu.memory_space<hbm>>
      %dma_start3A_420 = arith.constant 0 : i32
      %dma_start3A_421 = arith.constant 0 : i32
      %dma_start3A_422 = tpu.memref_slice %arg9[%dma_start3A_408, %dma_start3A_420, %dma_start3A_421] : memref<2x4x4096xf32, #tpu.memory_space<vmem>> -> memref<1x4x4096xf32, #tpu.memory_space<vmem>>
      %dma_start3A_423 = tpu.memref_squeeze %dma_start3A_422 : memref<1x4x4096xf32, #tpu.memory_space<vmem>> -> memref<4x4096xf32, #tpu.memory_space<vmem>>
      tpu.enqueue_dma source(%dma_start3A_423 : memref<4x4096xf32, #tpu.memory_space<vmem>>) target(%dma_start3A_419 : memref<4x4096xf32, #tpu.memory_space<hbm>>) target_semaphore(%dma_start3A_417 : memref<!tpu.dma_semaphore, #tpu.memory_space<semaphore_mem>>)
      %add3A_424 = arith.constant 2 : i32
      %add3A_425 = arith.addi %add3A_350, %add3A_424 : i32
      %rem3A_426 = arith.constant 128 : i32
      %rem3A_427 = arith.remsi %add3A_425, %rem3A_426 : i32
      %mul3A_428 = arith.constant 4 : i32
      %mul3A_429 = arith.muli %rem3A_427, %mul3A_428 : i32
      %add3A_430 = arith.addi %mul3A_2, %mul3A_429 : i32
      %dma_start3A_431 = arith.constant 1 : i32
      %dma_start3A_432 = arith.constant 1 : i32
      %dma_start3A_433 = arith.constant 0 : i32
      %dma_start3A_434 = arith.constant 0 : i32
      %dma_start3A_435 = tpu.memref_slice %arg8[%dma_start3A_431, %dma_start3A_433, %dma_start3A_434] : memref<2x4x4096xf32, #tpu.memory_space<vmem>> -> memref<1x4x4096xf32, #tpu.memory_space<vmem>>
      %dma_start3A_436 = tpu.memref_squeeze %dma_start3A_435 : memref<1x4x4096xf32, #tpu.memory_space<vmem>> -> memref<4x4096xf32, #tpu.memory_space<vmem>>
      %dma_start3A_437 = arith.constant 0 : i32
      %dma_start3A_438 = tpu.memref_slice %arg2[%add3A_430, %dma_start3A_437] : memref<16384x4096xf32, #tpu.memory_space<hbm>> -> memref<4x4096xf32, #tpu.memory_space<hbm>>
      %dma_start3A_439 = tpu.memref_slice %arg10[%dma_start3A_432] : memref<2x!tpu.dma_semaphore, #tpu.memory_space<semaphore_mem>> -> memref<1x!tpu.dma_semaphore, #tpu.memory_space<semaphore_mem>>
      %dma_start3A_440 = tpu.memref_squeeze %dma_start3A_439 : memref<1x!tpu.dma_semaphore, #tpu.memory_space<semaphore_mem>> -> memref<!tpu.dma_semaphore, #tpu.memory_space<semaphore_mem>>
      %dma_start3A_441 = arith.constant 0 : i32
      %dma_start3A_442 = arith.constant 0 : i32
      %dma_start3A_443 = tpu.memref_slice %arg8[%dma_start3A_431, %dma_start3A_441, %dma_start3A_442] : memref<2x4x4096xf32, #tpu.memory_space<vmem>> -> memref<1x4x4096xf32, #tpu.memory_space<vmem>>
      %dma_start3A_444 = tpu.memref_squeeze %dma_start3A_443 : memref<1x4x4096xf32, #tpu.memory_space<vmem>> -> memref<4x4096xf32, #tpu.memory_space<vmem>>
      %dma_start3A_445 = arith.constant 0 : i32
      %dma_start3A_446 = tpu.memref_slice %arg2[%add3A_430, %dma_start3A_445] : memref<16384x4096xf32, #tpu.memory_space<hbm>> -> memref<4x4096xf32, #tpu.memory_space<hbm>>
      tpu.enqueue_dma source(%dma_start3A_446 : memref<4x4096xf32, #tpu.memory_space<hbm>>) target(%dma_start3A_444 : memref<4x4096xf32, #tpu.memory_space<vmem>>) target_semaphore(%dma_start3A_440 : memref<!tpu.dma_semaphore, #tpu.memory_space<semaphore_mem>>)
      %scan3A_447 = arith.constant 0 : i32
      scf.yield %scan3A_447 : i32
    }
    %scan3A_181 = arith.constant 63 : i32
    %dma_wait3A_182 = arith.constant 0 : i32
    %dma_wait3A_183 = arith.constant 0 : i32
    %dma_wait3A_184 = arith.constant 0 : i32
    %dma_wait3A_185 = arith.constant 0 : i32
    %dma_wait3A_186 = tpu.memref_slice %arg8[%dma_wait3A_182, %dma_wait3A_184, %dma_wait3A_185] : memref<2x4x4096xf32, #tpu.memory_space<vmem>> -> memref<1x4x4096xf32, #tpu.memory_space<vmem>>
    %dma_wait3A_187 = tpu.memref_squeeze %dma_wait3A_186 : memref<1x4x4096xf32, #tpu.memory_space<vmem>> -> memref<4x4096xf32, #tpu.memory_space<vmem>>
    %dma_wait3A_188 = arith.constant 0 : i32
    %dma_wait3A_189 = tpu.memref_slice %arg2[%mul3A_2, %dma_wait3A_188] : memref<16384x4096xf32, #tpu.memory_space<hbm>> -> memref<4x4096xf32, #tpu.memory_space<hbm>>
    %dma_wait3A_190 = tpu.memref_slice %arg10[%dma_wait3A_183] : memref<2x!tpu.dma_semaphore, #tpu.memory_space<semaphore_mem>> -> memref<1x!tpu.dma_semaphore, #tpu.memory_space<semaphore_mem>>
    %dma_wait3A_191 = tpu.memref_squeeze %dma_wait3A_190 : memref<1x!tpu.dma_semaphore, #tpu.memory_space<semaphore_mem>> -> memref<!tpu.dma_semaphore, #tpu.memory_space<semaphore_mem>>
    %dma_wait3A_192 = arith.constant 0 : i32
    %dma_wait3A_193 = arith.constant 0 : i32
    %dma_wait3A_194 = tpu.memref_slice %arg8[%dma_wait3A_182, %dma_wait3A_192, %dma_wait3A_193] : memref<2x4x4096xf32, #tpu.memory_space<vmem>> -> memref<1x4x4096xf32, #tpu.memory_space<vmem>>
    %dma_wait3A_195 = tpu.memref_squeeze %dma_wait3A_194 : memref<1x4x4096xf32, #tpu.memory_space<vmem>> -> memref<4x4096xf32, #tpu.memory_space<vmem>>
    %dma_wait3A_196 = arith.constant 0 : i32
    %dma_wait3A_197 = tpu.memref_slice %arg2[%mul3A_2, %dma_wait3A_196] : memref<16384x4096xf32, #tpu.memory_space<hbm>> -> memref<4x4096xf32, #tpu.memory_space<hbm>>
    tpu.wait_dma2 semaphore(%dma_wait3A_191 : memref<!tpu.dma_semaphore, #tpu.memory_space<semaphore_mem>>) src(%dma_wait3A_197 : memref<4x4096xf32, #tpu.memory_space<hbm>>) dst(%dma_wait3A_195 : memref<4x4096xf32, #tpu.memory_space<vmem>>)
    %dma_wait3A_198 = arith.constant 0 : i32
    %dma_wait3A_199 = arith.constant 0 : i32
    %dma_wait3A_200 = arith.constant 0 : i32
    %dma_wait3A_201 = arith.constant 0 : i32
    %dma_wait3A_202 = tpu.memref_slice %arg9[%dma_wait3A_198, %dma_wait3A_200, %dma_wait3A_201] : memref<2x4x4096xf32, #tpu.memory_space<vmem>> -> memref<1x4x4096xf32, #tpu.memory_space<vmem>>
    %dma_wait3A_203 = tpu.memref_squeeze %dma_wait3A_202 : memref<1x4x4096xf32, #tpu.memory_space<vmem>> -> memref<4x4096xf32, #tpu.memory_space<vmem>>
    %dma_wait3A_204 = arith.constant 0 : i32
    %dma_wait3A_205 = tpu.memref_slice %arg5[%mul3A_2, %dma_wait3A_204] : memref<16384x4096xf32, #tpu.memory_space<hbm>> -> memref<4x4096xf32, #tpu.memory_space<hbm>>
    %dma_wait3A_206 = tpu.memref_slice %arg11[%dma_wait3A_199] : memref<2x!tpu.dma_semaphore, #tpu.memory_space<semaphore_mem>> -> memref<1x!tpu.dma_semaphore, #tpu.memory_space<semaphore_mem>>
    %dma_wait3A_207 = tpu.memref_squeeze %dma_wait3A_206 : memref<1x!tpu.dma_semaphore, #tpu.memory_space<semaphore_mem>> -> memref<!tpu.dma_semaphore, #tpu.memory_space<semaphore_mem>>
    %dma_wait3A_208 = arith.constant 0 : i32
    %dma_wait3A_209 = tpu.memref_slice %arg5[%mul3A_2, %dma_wait3A_208] : memref<16384x4096xf32, #tpu.memory_space<hbm>> -> memref<4x4096xf32, #tpu.memory_space<hbm>>
    %dma_wait3A_210 = arith.constant 0 : i32
    %dma_wait3A_211 = arith.constant 0 : i32
    %dma_wait3A_212 = tpu.memref_slice %arg9[%dma_wait3A_198, %dma_wait3A_210, %dma_wait3A_211] : memref<2x4x4096xf32, #tpu.memory_space<vmem>> -> memref<1x4x4096xf32, #tpu.memory_space<vmem>>
    %dma_wait3A_213 = tpu.memref_squeeze %dma_wait3A_212 : memref<1x4x4096xf32, #tpu.memory_space<vmem>> -> memref<4x4096xf32, #tpu.memory_space<vmem>>
    tpu.wait_dma2 semaphore(%dma_wait3A_207 : memref<!tpu.dma_semaphore, #tpu.memory_space<semaphore_mem>>) src(%dma_wait3A_213 : memref<4x4096xf32, #tpu.memory_space<vmem>>) dst(%dma_wait3A_209 : memref<4x4096xf32, #tpu.memory_space<hbm>>)
    %dma_wait3A_214 = arith.constant 1 : i32
    %dma_wait3A_215 = arith.constant 1 : i32
    %dma_wait3A_216 = arith.constant 0 : i32
    %dma_wait3A_217 = arith.constant 0 : i32
    %dma_wait3A_218 = tpu.memref_slice %arg8[%dma_wait3A_214, %dma_wait3A_216, %dma_wait3A_217] : memref<2x4x4096xf32, #tpu.memory_space<vmem>> -> memref<1x4x4096xf32, #tpu.memory_space<vmem>>
    %dma_wait3A_219 = tpu.memref_squeeze %dma_wait3A_218 : memref<1x4x4096xf32, #tpu.memory_space<vmem>> -> memref<4x4096xf32, #tpu.memory_space<vmem>>
    %dma_wait3A_220 = arith.constant 0 : i32
    %dma_wait3A_221 = tpu.memref_slice %arg2[%mul3A_2, %dma_wait3A_220] : memref<16384x4096xf32, #tpu.memory_space<hbm>> -> memref<4x4096xf32, #tpu.memory_space<hbm>>
    %dma_wait3A_222 = tpu.memref_slice %arg10[%dma_wait3A_215] : memref<2x!tpu.dma_semaphore, #tpu.memory_space<semaphore_mem>> -> memref<1x!tpu.dma_semaphore, #tpu.memory_space<semaphore_mem>>
    %dma_wait3A_223 = tpu.memref_squeeze %dma_wait3A_222 : memref<1x!tpu.dma_semaphore, #tpu.memory_space<semaphore_mem>> -> memref<!tpu.dma_semaphore, #tpu.memory_space<semaphore_mem>>
    %dma_wait3A_224 = arith.constant 0 : i32
    %dma_wait3A_225 = arith.constant 0 : i32
    %dma_wait3A_226 = tpu.memref_slice %arg8[%dma_wait3A_214, %dma_wait3A_224, %dma_wait3A_225] : memref<2x4x4096xf32, #tpu.memory_space<vmem>> -> memref<1x4x4096xf32, #tpu.memory_space<vmem>>
    %dma_wait3A_227 = tpu.memref_squeeze %dma_wait3A_226 : memref<1x4x4096xf32, #tpu.memory_space<vmem>> -> memref<4x4096xf32, #tpu.memory_space<vmem>>
    %dma_wait3A_228 = arith.constant 0 : i32
    %dma_wait3A_229 = tpu.memref_slice %arg2[%mul3A_2, %dma_wait3A_228] : memref<16384x4096xf32, #tpu.memory_space<hbm>> -> memref<4x4096xf32, #tpu.memory_space<hbm>>
    tpu.wait_dma2 semaphore(%dma_wait3A_223 : memref<!tpu.dma_semaphore, #tpu.memory_space<semaphore_mem>>) src(%dma_wait3A_229 : memref<4x4096xf32, #tpu.memory_space<hbm>>) dst(%dma_wait3A_227 : memref<4x4096xf32, #tpu.memory_space<vmem>>)
    %dma_wait3A_230 = arith.constant 1 : i32
    %dma_wait3A_231 = arith.constant 1 : i32
    %dma_wait3A_232 = arith.constant 0 : i32
    %dma_wait3A_233 = arith.constant 0 : i32
    %dma_wait3A_234 = tpu.memref_slice %arg9[%dma_wait3A_230, %dma_wait3A_232, %dma_wait3A_233] : memref<2x4x4096xf32, #tpu.memory_space<vmem>> -> memref<1x4x4096xf32, #tpu.memory_space<vmem>>
    %dma_wait3A_235 = tpu.memref_squeeze %dma_wait3A_234 : memref<1x4x4096xf32, #tpu.memory_space<vmem>> -> memref<4x4096xf32, #tpu.memory_space<vmem>>
    %dma_wait3A_236 = arith.constant 0 : i32
    %dma_wait3A_237 = tpu.memref_slice %arg5[%mul3A_2, %dma_wait3A_236] : memref<16384x4096xf32, #tpu.memory_space<hbm>> -> memref<4x4096xf32, #tpu.memory_space<hbm>>
    %dma_wait3A_238 = tpu.memref_slice %arg11[%dma_wait3A_231] : memref<2x!tpu.dma_semaphore, #tpu.memory_space<semaphore_mem>> -> memref<1x!tpu.dma_semaphore, #tpu.memory_space<semaphore_mem>>
    %dma_wait3A_239 = tpu.memref_squeeze %dma_wait3A_238 : memref<1x!tpu.dma_semaphore, #tpu.memory_space<semaphore_mem>> -> memref<!tpu.dma_semaphore, #tpu.memory_space<semaphore_mem>>
    %dma_wait3A_240 = arith.constant 0 : i32
    %dma_wait3A_241 = tpu.memref_slice %arg5[%mul3A_2, %dma_wait3A_240] : memref<16384x4096xf32, #tpu.memory_space<hbm>> -> memref<4x4096xf32, #tpu.memory_space<hbm>>
    %dma_wait3A_242 = arith.constant 0 : i32
    %dma_wait3A_243 = arith.constant 0 : i32
    %dma_wait3A_244 = tpu.memref_slice %arg9[%dma_wait3A_230, %dma_wait3A_242, %dma_wait3A_243] : memref<2x4x4096xf32, #tpu.memory_space<vmem>> -> memref<1x4x4096xf32, #tpu.memory_space<vmem>>
    %dma_wait3A_245 = tpu.memref_squeeze %dma_wait3A_244 : memref<1x4x4096xf32, #tpu.memory_space<vmem>> -> memref<4x4096xf32, #tpu.memory_space<vmem>>
    tpu.wait_dma2 semaphore(%dma_wait3A_239 : memref<!tpu.dma_semaphore, #tpu.memory_space<semaphore_mem>>) src(%dma_wait3A_245 : memref<4x4096xf32, #tpu.memory_space<vmem>>) dst(%dma_wait3A_241 : memref<4x4096xf32, #tpu.memory_space<hbm>>)
    return
  }
}

</mosaic_0001>

<sc_bundles>
// kernel: kernel.3.cloned.1.call-start
scs
__scs_entry_jumppad:
0x0: {  	(pc) =	sbr.rel $0x88, $3  }
0x1: {  	(tag) =	ssettag $0x0;
	lr =	simm.s32 $0x1  }
0x2: {  	[smem:$0x3F9E] =	sst lr;
	_ =	strace $0xD0000000  }
0x3: {  	_ = 	snop  }
0x4: {  	_ = 	snop  }
0x5: {  	_ = 	snop  }
0x6: {  	_ = 	snop  }
0x7: {  	_ = 	snop  }
__scs_overlays_trampoline_lowered:
0x8: {  	[smem:$0x3FAD] =	sst s0  }
0x9: {  	[smem:$0x3FAE] =	sst s1  }
0xa: {  	[smem:$0x3FAF] =	sst s2  }
0xb: {  	[smem:$0x3FB0] =	sst s3  }
0xc: {  	[smem:$0x3FB1] =	sst s4  }
0xd: {  	[smem:$0x3FB2] =	sst s5  }
0xe: {  	[smem:$0x3FB3] =	sst s6  }
0xf: {  	[smem:$0x3FB4] =	sst s7  }
0x10: {  	[smem:$0x3FB5] =	sst s8  }
0x11: {  	[smem:$0x3FB6] =	sst s9;
	s0 =	simm.s32 @!p0 $0x0  }
0x12: {  	s1 =	sld [smem:$0x3F9C];
	s0 =	simm.s32 @p0 $0x1  }
0x13: {  	[smem:$0x3FB7] =	sst s0;
	s0 =	simm.s32 @!p1 $0x0  }
0x14: {  	s2 =	sld [smem:$0x3F9B];
	s0 =	simm.s32 @p1 $0x1  }
0x15: {  	[smem:$0x3FB8] =	sst s0;
	s0 =	simm.s32 @!p2 $0x0  }
0x16: {  	s3 =	sld [smem:$0x3FDB];
	s0 =	simm.s32 @p2 $0x1  }
0x17: {  	s4 =	simm.s32 $0x1BF5;
	[smem:$0x3FBA] =	sst s0  }
0x18: {  	s0 =	sld [smem:$0x3F9D];
	_ =	swait.ge [sflag:s4], $0x0  }
0x19: {  	s7 =	sld [smem:$0x3F9E]  }
0x1a: {  	s8 =	sadd.s32 $0xFFFFE003, lr  }
0x1b: {  	s9 =	sadd.s32 $0xFFFFFEF7, lr;
	s5 =	simm.s32 $0xFFFFFFFF;
	p2 =	slt.u32 s8, $0xFFFFF086  }
0x1c: {  	p1 =	slt.u32 s9, $0xF7A;
	s5 =	simm.s32 @!p2 $0x0  }
0x1d: {  	s5 =	simm.s32 @p1 $0x1;
	p0 =	seq.s32 s7, s2  }
0x1e: {  	s7 =	smul.u32 @!p0 $0xF7A, s2;
	p2 =	seq.s32 @!p0 s5, $0x0  }
0x1f: {  	s9 =	smul.u32 $0xF7A, s1;
	s8 =	simm.s32 @!p0 $0x1BF5;
	p2 =	por !p2, p0  }
0x20: {  	[sflag:s8] =	ssyncset.s32 @!p0 $0xFFFFF086;
	s6 =	sadd.s32 @!p0 s3, s7;
	s7 =	simm.s32 @!p0 $0x108  }
0x21: {  	s3 =	sadd.s32 s3, s9;
	s6 =	sadd.s32 @!p0 $0x88, s6;
	s7 =	simm.s32 @p2 $0x1082  }
0x22: {  	[simem:s7], [sflag:s8] =	dma.local @!p0 [hbm:s6], $0xF7A  }
0x23: {  	s9 =	sor.u32 $0xD0000000, s2;
	s6 =	simm.s32 $0x108;
	_ =	swait.ge @!p0 [sflag:s8], $0x0  }
0x24: {  	s3 =	sadd.s32 $0x88, s3;
	s6 =	simm.s32 @!p1 $0x1082;
	[sflag:s4] =	ssyncset.s32 $0xFFFFF086  }
0x25: {  	[simem:s6], [sflag:s4] =	dma.local [hbm:s3], $0xF7A  }
0x26: {  	[smem:$0x3F9E] =	sst s1;
	(tag) =	ssettag s2;
	_ =	strace s9  }
0x27: {  	s1 =	sld [smem:$0x3FAE]  }
0x28: {  	s2 =	sld [smem:$0x3FAF]  }
0x29: {  	s4 =	sld [smem:$0x3FB1]  }
0x2a: {  	p0 =	seq.s32 s5, $0x0;
	s5 =	sld [smem:$0x3FB2]  }
0x2b: {  	s6 =	sld [smem:$0x3FB3]  }
0x2c: {  	s7 =	sld [smem:$0x3FB4]  }
0x2d: {  	s3 =	simm.s32 $0x108;
	s8 =	sld [smem:$0x3FB5]  }
0x2e: {  	s3 =	simm.s32 @!p0 $0x1082;
	s9 =	sld [smem:$0x3FB6]  }
0x2f: {  	lr =	sadd.s32 s0, s3;
	s0 =	sld [smem:$0x3FAD]  }
0x30: {  	s3 =	sld [smem:$0x3FB0]  }
0x31: {  	[smem:$0x3FB9] =	sst s10  }
0x32: {  	s10 =	sld [smem:$0x3FB7];
	_ =	sdelay $0x3  }
0x33: {  	p0 =	seq.s32 s10, $0x1;
	s10 =	sld [smem:$0x3FB9];
	_ =	sdelay $0x3  }
0x34: {  	[smem:$0x3FB9] =	sst s10  }
0x35: {  	s10 =	sld [smem:$0x3FB8];
	_ =	sdelay $0x3  }
0x36: {  	p1 =	seq.s32 s10, $0x1;
	s10 =	sld [smem:$0x3FB9];
	_ =	sdelay $0x3  }
0x37: {  	[smem:$0x3FB9] =	sst s10  }
0x38: {  	s10 =	sld [smem:$0x3FBA]  }
0x39: {  	_ = 	snop;
	(pc) =	sbr.ind lr, $3  }
0x3a: {  	_ = 	snop  }
0x3b: {  	_ = 	snop  }
0x3c: {  	p2 =	seq.s32 s10, $0x1;
	s10 =	sld [smem:$0x3FB9]  }
0x3d: {  	_ =	shalt  }
0x3e: {  	_ =	shalt  }
0x3f: {  	_ =	shalt  }
0x40: {  	_ =	shalt  }
0x41: {  	_ =	shalt  }
0x42: {  	_ =	shalt  }
0x43: {  	_ =	shalt  }
0x44: {  	_ =	shalt  }
0x45: {  	_ =	shalt  }
0x46: {  	_ =	shalt  }
0x47: {  	_ =	shalt  }
0x48: {  	_ =	shalt  }
0x49: {  	_ =	shalt  }
0x4a: {  	_ =	shalt  }
0x4b: {  	_ =	shalt  }
0x4c: {  	_ =	shalt  }
0x4d: {  	_ =	shalt  }
0x4e: {  	_ =	shalt  }
0x4f: {  	_ =	shalt  }
0x50: {  	_ =	shalt  }
0x51: {  	_ =	shalt  }
0x52: {  	_ =	shalt  }
0x53: {  	_ =	shalt  }
0x54: {  	_ =	shalt  }
0x55: {  	_ =	shalt  }
0x56: {  	_ =	shalt  }
0x57: {  	_ =	shalt  }
0x58: {  	_ =	shalt  }
0x59: {  	_ =	shalt  }
0x5a: {  	_ =	shalt  }
0x5b: {  	_ =	shalt  }
0x5c: {  	_ =	shalt  }
0x5d: {  	_ =	shalt  }
0x5e: {  	_ =	shalt  }
0x5f: {  	_ =	shalt  }
0x60: {  	_ =	shalt  }
0x61: {  	_ =	shalt  }
0x62: {  	_ =	shalt  }
0x63: {  	_ =	shalt  }
0x64: {  	_ =	shalt  }
0x65: {  	_ =	shalt  }
0x66: {  	_ =	shalt  }
0x67: {  	_ =	shalt  }
0x68: {  	_ =	shalt  }
0x69: {  	_ =	shalt  }
0x6a: {  	_ =	shalt  }
0x6b: {  	_ =	shalt  }
0x6c: {  	_ =	shalt  }
0x6d: {  	_ =	shalt  }
0x6e: {  	_ =	shalt  }
0x6f: {  	_ =	shalt  }
0x70: {  	_ =	shalt  }
0x71: {  	_ =	shalt  }
0x72: {  	_ =	shalt  }
0x73: {  	_ =	shalt  }
0x74: {  	_ =	shalt  }
0x75: {  	_ =	shalt  }
0x76: {  	_ =	shalt  }
0x77: {  	_ =	shalt  }
0x78: {  	_ =	shalt  }
0x79: {  	_ =	shalt  }
0x7a: {  	_ =	shalt  }
0x7b: {  	_ =	shalt  }
0x7c: {  	_ =	shalt  }
0x7d: {  	_ =	shalt  }
0x7e: {  	_ =	shalt  }
0x7f: {  	_ =	shalt  }
0x80: {  	_ =	shalt  }
0x81: {  	_ =	shalt  }
0x82: {  	_ =	shalt  }
0x83: {  	_ =	shalt  }
0x84: {  	_ =	shalt  }
0x85: {  	_ =	shalt  }
0x86: {  	_ =	shalt  }
0x87: {  	_ =	shalt  }
.Lfunc_end0:
.L_simem_size_0:
called_computation_lowered:
.L_overlay_start_0:
0x88: {  	s2 =	sld [smem:$0x3FD9]  }
0x89: {  	s3 =	sld [smem:$0x3FFE];
	_ =	sdelay $0x1  }
0x8a: {  	s1 =	srdreg.scid  }
0x8b: {  	s0 =	sand.u32 $0x1, s1  }
0x8c: {  	s17 =	sshll.u32 s0, $0xA;
	s2 =	sadd.s32 s3, s2  }
0x8d: {  	s2 =	sadd.s32 s2, s17  }
0x8e: {  	[smem:$0x3FC5] =	sst s2  }
0x8f: {  	_ = 	snop  }
0x90: {  	s2 =	sld [smem:$0x3FC9]  }
0x91: {  	s18 =	sld [smem:$0x3FC8]  }
0x92: {  	s4 =	sld [smem:$0x3FD0];
	(tm) =	ssettm $0x1  }
0x93: {  	s5 =	sld [smem:$0x3FFB];
	_ =	sdelay $0x3  }
0x94: {  	_ =	strace s5  }
0x95: {  	s5 =	sld [smem:$0x3FFC];
	_ =	sdelay $0x3  }
0x96: {  	_ =	strace s5  }
0x97: {  	s5 =	sld [smem:$0x3FFD];
	_ =	sdelay $0x3  }
0x98: {  	_ =	strace s5  }
0x99: {  	_ =	strace $0x8FFFFFFF  }
0x9a: {  	s19 =	sld [smem:$0x3FDB];
	_ =	sdelay $0x1  }
0x9b: {  	s6 =	simm.s32 $_scs_section_size  }
0x9c: {  	s7 =	simm.s32 $_size__tile_overlayer_lowered;
	s8 =	simm.s32 $_tile_overlayer_lowered  }
0x9d: {  	s22 =	simm.s32 $0x1BFF;
	s21 =	sshll.u32 s8, $0x1;
	s5 =	sadd.s32 s6, s19  }
0x9e: {  	s9 =	simm.s32 $0x0;
	s20 =	sshll.u32 s7, $0x1;
	s7 =	sadd.s32 s21, s5  }
0x9f: {  	[timem:s9], [sflag:s22] =	dma.local [hbm:s7], s20  }
0xa0: {  	_ =	swait.ge [sflag:s22], s20  }
0xa1: {  	s6 =	ssub.s32 $0x0, s20;
	[sflag:s22] =	ssyncset.done $0x0  }
0xa2: {  	[sflag:s22] =	ssyncadd.s32 s6;
	_ =	sdelay $0x1  }
0xa3: {  	s23 =	simm.s32 $0x1B8B  }
0xa4: {  	_ =	swait.ge [sflag:s23], $0x1  }
0xa5: {  	[sflag:s23] =	ssyncset.done $0x0  }
0xa6: {  	s25 =	simm.s32 $0x1B8E;
	s24 =	sld [smem:$0x3FFE];
	[sflag:s23] =	ssyncadd.s32 $0xFFFFFFFF  }
0xa7: {  	s26 =	simm.s32 $execute0_lowered;
	[smem:$0x3FD2] =	sst s25  }
0xa8: {  	s7 =	sshll.u32 s26, $0x1;
	_ =	strace $0x80000046;
	[dreg:$0x1] =	wrdreg $0xFFFFFFFF  }
0xa9: {  	s28 =	simm.s32 $_size_execute0_lowered;
	s5 =	sadd.s32 s5, s7;
	[dreg:$0x0] =	wrdreg $0x0  }
0xaa: {  	s7 =	sshll.u32 s28, $0x1;
	[dreg:$0x2] =	wrdreg s5  }
0xab: {  	[dreg:$0x3] =	wrdreg s7  }
0xac: {  	[dreg:$0x4] =	wrdreg $0xC0  }
0xad: {  	_ =	task [dreg:s9], $0x5FFFF  }
0xae: {  	[dreg:$0x1] =	wrdreg $0xFFFFFFFF  }
0xaf: {  	[dreg:$0x0] =	wrdreg $0x60  }
0xb0: {  	[dreg:$0x2] =	wrdreg s2  }
0xb1: {  	[dreg:$0x3] =	wrdreg s18  }
0xb2: {  	[dreg:$0x4] =	wrdreg s24  }
0xb3: {  	[dreg:$0x5] =	wrdreg s4  }
0xb4: {  	[dreg:$0x6] =	wrdreg $0x9  }
0xb5: {  	_ =	task.clear_ibuf [dreg:s9], $0x7FFFF;
	_ =	strace $0x90000046  }
0xb6: {  	s29 =	simm.s32 $0x9;
	_ =	strace $0x80000048  }
0xb7: {  	_ =	swait.ge [sflag:s29], $0x1  }
0xb8: {  	[sflag:s29] =	ssyncadd.s32 $0xFFFFFFFF  }
0xb9: {  	_ =	strace $0x90000048  }
0xba: {  	_ =	sfence  }
0xbb: {  	s30 =	sld [smem:$0x0];
	_ =	sdelay $0x2  }
0xbc: {  	s31 =	sshll.u32 s1, $0xD;
	s1 =	sshrl.u32 s1, $0x2  }
0xbd: {  	s3 =	sand.u32 $0x4000, s31;
	s1 =	sadd.s32 s1, s30  }
0xbe: {  	s0 =	sor.u32 s3, s0;
	s1 =	sshll.u32 s1, $0x11  }
0xbf: {  	s0 =	sor.u32 s1, s0  }
0xc0: {  	s0 =	sadd.s32 $0x8F2B, s0  }
0xc1: {  	[sflag:s0] =	ssyncadd.remote.s32 $0x1  }
0xc2: {  	_ =	sfence.sel $0xFFFF  }
0xc3: {  	[dreg:$0x0] =	wrdreg $0xFFFFFFFF;
	(pc) =	sbr.abs _section_cstart, $3  }
0xc4: {  	[dreg:$0x1] =	wrdreg $0xFFFFFFFF  }
0xc5: {  	_ =	task.clear_ibuf [dreg:s9], $0x2FFFF;
	_ =	strace $0x9FFFFFFF  }
0xc6: {  	(tm) =	ssettm $0x7FFFFFFF  }
0xc7: {  	_ =	shalt  }
tec
execute0_lowered:
.L_overlay_start_1:
0x0: {  	(tag) =	ssettag $0x1  }
0x1: {  	s1 =	rddreg [dreg:$0x0]  }
0x2: {  	s0 =	rddreg [dreg:$0x2]  }
0x3: {  	s4 =	rddreg [dreg:$0x3]  }
0x4: {  	s2 =	srdreg.scid;
	s3 =	stileid.u32;
	s6 =	simm.s32 $0x0  }
0x5: {  	s18 =	simm.s32 $0x5;
	s20 =	simm.s32 $0x200;
	s21 =	simm.s32 $0x400  }
0x6: {  	s28 =	simm.s32 $0xD280;
	s29 =	simm.s32 $0x3;
	s30 =	simm.s32 $0x4  }
0x7: {  	s31 =	simm.s32 $0x0;
	s2 =	sand.u32 $0x1, s2;
	s3 =	sshll.u32 s3, $0xA  }
0x8: {  	[smem:$0x7FF] =	sst s6;
	s15 =	sadd.s32 $0x40, s4;
	s5 =	sshll.u32 s2, $0x9  }
0x9: {  	s16 =	sadd.s32 $0x40, s1;
	s2 =	ssub.s32 $0x2, s2;
	s6 =	sor.u32 s5, s3  }
0xa: {  	_ =	strace $0x80000047;
	s22 =	sshrl.u32 s2, $0x1;
	s3 =	sshrl.u32 s6, $0x3  }
0xb: {  	s2 =	ssub.s32 s2, s22;
	s7 =	sshll.u32 s6, $0x9;
	s22 =	simm.s32 $0x1280  }
0xc: {  	s0 =	sadd.s32 s3, s0;
	s9 =	sadd.s32 s1, s7;
	s23 =	sor.u32 $0x40, s7  }
0xd: {  	s25 =	sadd.s32 s4, s7;
	s17 =	smax.u32 s2, $0x1;
	s0 =	sadd.s32 $0x400, s0  }
0xe: {  	s24 =	sadd.s32 s1, s23;
	[dreg:$0x7] =	wrdreg s25;
	s26 =	sadd.s32 $0x1000, s9  }
0xf: {  	s13 =	sadd.s32 s4, s23;
	s14 =	sadd.s32 $0x1040, s9;
	[dreg:$0x5] =	wrdreg s0  }
0x10: {  	s23 =	simm.s32 $0x5280;
	s25 =	simm.s32 $0x9280;
	[dreg:$0x6] =	wrdreg s24  }
0x11: {  	[dreg:$0x8] =	wrdreg s26;
	s24 =	simm.s32 $0x1;
	s26 =	simm.s32 $0x2  }
.LBB2_1:
0x12: {  	s0 =	rddreg [dreg:$0x1];
	s2 =	simm.s32 $0x0  }
0x13: {  	[tilespmem:s2], [sflag:$0x5] =	stream.linear.gather [hbm4b:s0+s2], $0x1000, $0x38;
	[tilespmem:$0x11280] =	vst v63  }
0x14: {  	_ =	swait.ge [sflag:s18], $0x1000  }
0x15: {  	[sflag:s18] =	ssyncset.done $0x0  }
0x16: {  	s3 =	simm.s32 $0x1000;
	s10 =	rddreg [dreg:$0x5];
	[sflag:s18] =	ssyncadd.s32 $0xFFFFF000  }
0x17: {  	[tilespmem:s3], [sflag:$0x5] =	stream.linear.gather [hbm4b:s10+s2], $0x200, $0x38;
	[tilespmem:$0x11280] =	vst v63  }
0x18: {  	_ =	swait.ge [sflag:s18], $0x200  }
0x19: {  	[sflag:s18] =	ssyncset.done $0x0  }
0x1a: {  	[sflag:s18] =	ssyncadd.s32 $0xFFFFFE00  }
0x1b: {  	[tilespmem:s22], [sflag:$0x1] =	stream.strided.gather [hbm4b:s9+s20], $0x4000, s21, s20, $0x38;
	[tilespmem:$0x11280] =	vst v63  }
0x1c: {  	s11 =	rddreg [dreg:$0x6]  }
0x1d: {  	[tilespmem:s23], [sflag:$0x2] =	stream.strided.gather [hbm4b:s11+s20], $0x4000, s21, s20, $0x38;
	[tilespmem:$0x11280] =	vst v63  }
0x1e: {  	_ =	swait.ge [sflag:s24], $0x4000  }
0x1f: {  	[sflag:s24] =	ssyncset.done $0x0  }
0x20: {  	[sflag:s24] =	ssyncadd.s32 $0xFFFFC000  }
0x21: {  	s12 =	simm.s32 $0x40;
	v3 =	vld [tilespmem:$0x1000]  }
0x22: {  	s5 =	simm.s32 $0x1380;
	v7 =	vld [tilespmem:s12+$0x30]  }
0x23: {  	v1 =	vld [tilespmem:s5+$0xFFFFFF70]  }
0x24: {  	v11 =	vld [tilespmem:s12+$0xFFFFFFD0]  }
0x25: {  	v4 =	vld [tilespmem:s12+$0xFFFFFFE0]  }
0x26: {  	v5 =	vld [tilespmem:s12+$0xFFFFFFF0]  }
0x27: {  	v10 =	vld [tilespmem:s12+$0xFFFFFFC0]  }
0x28: {  	v6 =	vld [tilespmem:s12+$0x0]  }
0x29: {  	v12 =	vld [tilespmem:s5+$0xFFFFFF00]  }
0x2a: {  	v13 =	vld [tilespmem:s5+$0xFFFFFF10];
	v0 =	vbroadcast v3, $0x0  }
0x2b: {  	v18 =	vld [tilespmem:s5+$0xFFFFFF20]  }
0x2c: {  	s19 =	simm.s32 $0xC0;
	v20 =	vld [tilespmem:s5+$0xFFFFFF30];
	v2 =	vmul.f32 v7, v0  }
0x2d: {  	v30 =	vld [tilespmem:s19+$0xFFFFFFC0]  }
0x2e: {  	v21 =	vld [tilespmem:s5+$0xFFFFFF40];
	v14 =	vmul.f32 v10, v0;
	v1 =	vadd.f32 v2, v1  }
0x2f: {  	v15 =	vmul.f32 v11, v0;
	v19 =	vmul.f32 v4, v0  }
0x30: {  	v23 =	vmul.f32 v5, v0;
	v25 =	vmul.f32 v6, v0;
	v1 =	vmax.f32 v1, $0.0e+00  }
0x31: {  	s0 =	simm.s32 $0x9380;
	v12 =	vadd.f32 v14, v12;
	v13 =	vadd.f32 v15, v13;
	v2 =	vmin.f32 v1, $1.000000000e+00  }
0x32: {  	v9 =	vld [tilespmem:s12+$0x10];
	v42 =	vmul.f32 v30, v0;
	v18 =	vadd.f32 v19, v18;
	v20 =	vadd.f32 v23, v20;
	[tilespmem:s0+$0xFFFFFF70] =	vst v2  }
0x33: {  	v21 =	vadd.f32 v25, v21;
	v12 =	vmax.f32 v12, $0.0e+00;
	v13 =	vmax.f32 v13, $0.0e+00;
	v16 =	vld [tilespmem:s5+$0xFFFFFFF0]  }
0x34: {  	v24 =	vld [tilespmem:s5+$0xFFFFFF50];
	v18 =	vmax.f32 v18, $0.0e+00;
	v1 =	vbroadcast v3, $0x1;
	v12 =	vmin.f32 v12, $1.000000000e+00  }
0x35: {  	v8 =	vld [tilespmem:s12+$0x20];
	v20 =	vmax.f32 v20, $0.0e+00;
	v18 =	vmin.f32 v18, $1.000000000e+00;
	v2 =	vbroadcast v3, $0x2;
	[tilespmem:s0+$0xFFFFFF00] =	vst v12  }
0x36: {  	v3 =	vbroadcast v3, $0x3;
	v12 =	vmin.f32 v13, $1.000000000e+00;
	v22 =	vmul.f32 v7, v1;
	v19 =	vld [tilespmem:s5+$0xFFFFFF80]  }
0x37: {  	v26 =	vld [tilespmem:s5+$0xFFFFFF60];
	v13 =	vmul.f32 v9, v0;
	[tilespmem:s0+$0xFFFFFF20] =	vst v18;
	v18 =	vmin.f32 v20, $1.000000000e+00;
	v17 =	vmul.f32 v11, v1  }
0x38: {  	v15 =	vmul.f32 v4, v1;
	[tilespmem:s0+$0xFFFFFF10] =	vst v12;
	v12 =	vmul.f32 v10, v1;
	v16 =	vadd.f32 v16, v22  }
0x39: {  	v46 =	vmul.f32 v30, v1;
	v14 =	vmul.f32 v11, v2;
	v13 =	vadd.f32 v13, v24  }
0x3a: {  	[tilespmem:s0+$0xFFFFFF30] =	vst v18;
	v23 =	vld [tilespmem:s5+$0xFFFFFF90];
	v11 =	vmul.f32 v11, v3;
	v22 =	vmul.f32 v8, v0;
	v16 =	vmax.f32 v16, $0.0e+00  }
0x3b: {  	v13 =	vmax.f32 v13, $0.0e+00;
	v12 =	vadd.f32 v19, v12;
	v19 =	vld [tilespmem:s5+$0xFFFFFFB0];
	v16 =	vmin.f32 v16, $1.000000000e+00  }
0x3c: {  	v13 =	vmin.f32 v13, $1.000000000e+00;
	[tilespmem:s0+$0xFFFFFFF0] =	vst v16;
	v16 =	vmax.f32 v21, $0.0e+00;
	v21 =	vadd.f32 v22, v26;
	v22 =	vld [tilespmem:s5+$0xFFFFFFA0]  }
0x3d: {  	v25 =	vmul.f32 v9, v2;
	v27 =	vmul.f32 v8, v2;
	[tilespmem:s0+$0xFFFFFF50] =	vst v13;
	v20 =	vld [tilespmem:s5+$0x70];
	v16 =	vmin.f32 v16, $1.000000000e+00  }
0x3e: {  	v48 =	vmul.f32 v30, v2;
	v13 =	vmul.f32 v7, v2;
	v18 =	vmax.f32 v21, $0.0e+00;
	[tilespmem:s0+$0xFFFFFF40] =	vst v16  }
0x3f: {  	v12 =	vmax.f32 v12, $0.0e+00;
	v16 =	vadd.f32 v23, v17;
	v17 =	vmin.f32 v18, $1.000000000e+00;
	v18 =	vld [tilespmem:s5+$0xFFFFFFC0]  }
0x40: {  	v7 =	vmul.f32 v7, v3;
	v12 =	vmin.f32 v12, $1.000000000e+00;
	v21 =	vmul.f32 v5, v1;
	v23 =	vld [tilespmem:s5+$0xFFFFFFD0]  }
0x41: {  	[tilespmem:s0+$0xFFFFFF60] =	vst v17;
	v16 =	vmax.f32 v16, $0.0e+00;
	v17 =	vmul.f32 v6, v1;
	v15 =	vadd.f32 v22, v15  }
0x42: {  	[tilespmem:s0+$0xFFFFFF80] =	vst v12;
	v19 =	vadd.f32 v19, v21;
	v24 =	vld [tilespmem:s5+$0xFFFFFFE0];
	v12 =	vmin.f32 v16, $1.000000000e+00;
	v13 =	vadd.f32 v20, v13  }
0x43: {  	v16 =	vmul.f32 v9, v1;
	v22 =	vld [tilespmem:s5+$0x0];
	v20 =	vmul.f32 v8, v1;
	[tilespmem:s0+$0xFFFFFF90] =	vst v12;
	v15 =	vmax.f32 v15, $0.0e+00  }
0x44: {  	v21 =	vld [tilespmem:s5+$0x10];
	v13 =	vmax.f32 v13, $0.0e+00;
	v17 =	vadd.f32 v18, v17;
	v15 =	vmin.f32 v15, $1.000000000e+00  }
0x45: {  	v16 =	vadd.f32 v23, v16;
	v18 =	vmax.f32 v19, $0.0e+00;
	v13 =	vmin.f32 v13, $1.000000000e+00;
	[tilespmem:s0+$0xFFFFFFA0] =	vst v15  }
0x46: {  	v12 =	vmul.f32 v10, v2;
	[tilespmem:s0+$0x70] =	vst v13;
	v13 =	vmin.f32 v18, $1.000000000e+00;
	v15 =	vmax.f32 v17, $0.0e+00;
	v19 =	vld [tilespmem:s5+$0x20]  }
0x47: {  	v17 =	vadd.f32 v24, v20;
	v18 =	vld [tilespmem:s5+$0xF0];
	[tilespmem:s0+$0xFFFFFFB0] =	vst v13;
	v13 =	vmin.f32 v15, $1.000000000e+00;
	v15 =	vmax.f32 v16, $0.0e+00  }
0x48: {  	v10 =	vmul.f32 v10, v3;
	v12 =	vadd.f32 v22, v12;
	v20 =	vld [tilespmem:s5+$0x30];
	[tilespmem:s0+$0xFFFFFFC0] =	vst v13;
	v13 =	vmin.f32 v15, $1.000000000e+00  }
0x49: {  	v23 =	vmul.f32 v6, v2;
	v15 =	vmax.f32 v17, $0.0e+00;
	v14 =	vadd.f32 v21, v14;
	v17 =	vld [tilespmem:s5+$0x40];
	[tilespmem:s0+$0xFFFFFFD0] =	vst v13  }
0x4a: {  	v22 =	vmul.f32 v5, v2;
	v12 =	vmax.f32 v12, $0.0e+00;
	v13 =	vmin.f32 v15, $1.000000000e+00;
	v21 =	vld [tilespmem:s5+$0x50]  }
0x4b: {  	v15 =	vmul.f32 v4, v2;
	v12 =	vmin.f32 v12, $1.000000000e+00;
	[tilespmem:s0+$0xFFFFFFE0] =	vst v13;
	v13 =	vmax.f32 v14, $0.0e+00;
	v14 =	vld [tilespmem:s19+$0x30]  }
0x4c: {  	v16 =	vmul.f32 v4, v3;
	v4 =	vmul.f32 v8, v3;
	[tilespmem:s0+$0x0] =	vst v12;
	v24 =	vld [tilespmem:s5+$0x60];
	v12 =	vmin.f32 v13, $1.000000000e+00  }
0x4d: {  	v26 =	vld [tilespmem:s5+$0x80];
	[tilespmem:s0+$0x10] =	vst v12;
	v7 =	vadd.f32 v18, v7;
	v12 =	vmul.f32 v6, v3;
	v6 =	vadd.f32 v19, v15  }
0x4e: {  	s2 =	simm.s32 $0x1580;
	v13 =	vmul.f32 v5, v3;
	v5 =	vmul.f32 v9, v3;
	v9 =	vld [tilespmem:s19+$0xFFFFFFD0]  }
0x4f: {  	v18 =	vld [tilespmem:s2+$0xFFFFFF70];
	v8 =	vadd.f32 v20, v22;
	v7 =	vmax.f32 v7, $0.0e+00;
	v6 =	vmax.f32 v6, $0.0e+00  }
0x50: {  	v19 =	vld [tilespmem:s19+$0xFFFFFFE0];
	v15 =	vadd.f32 v17, v23;
	v7 =	vmin.f32 v7, $1.000000000e+00;
	v20 =	vmin.f32 v6, $1.000000000e+00  }
0x51: {  	v6 =	vmax.f32 v8, $0.0e+00;
	v8 =	vadd.f32 v21, v25;
	v23 =	vmul.f32 v14, v0  }
0x52: {  	v33 =	vld [tilespmem:s2+$0xFFFFFF10];
	v45 =	vmul.f32 v14, v1;
	v15 =	vmax.f32 v15, $0.0e+00;
	v17 =	vadd.f32 v24, v27  }
0x53: {  	v28 =	vld [tilespmem:s5+$0x90];
	v24 =	vmin.f32 v6, $1.000000000e+00;
	v10 =	vadd.f32 v26, v10;
	v26 =	vmul.f32 v9, v1  }
0x54: {  	v22 =	vld [tilespmem:s19+$0x0];
	v25 =	vmin.f32 v15, $1.000000000e+00;
	v18 =	vadd.f32 v23, v18;
	v23 =	vmul.f32 v9, v0  }
0x55: {  	v21 =	vld [tilespmem:s19+$0xFFFFFFF0];
	v6 =	vmax.f32 v8, $0.0e+00;
	v31 =	vmul.f32 v19, v0;
	v32 =	vmul.f32 v19, v1  }
0x56: {  	v36 =	vld [tilespmem:s2+$0xFFFFFF20];
	[tilespmem:s0+$0x20] =	vst v20;
	v20 =	vmul.f32 v19, v2;
	v29 =	vmin.f32 v6, $1.000000000e+00;
	v8 =	vmax.f32 v17, $0.0e+00  }
0x57: {  	v27 =	vld [tilespmem:s19+$0x10];
	v17 =	vmul.f32 v9, v2;
	v6 =	vmul.f32 v9, v3;
	v18 =	vmax.f32 v18, $0.0e+00  }
0x58: {  	s3 =	simm.s32 $0x9580;
	v9 =	vld [tilespmem:s2+$0xFFFFFF00];
	v11 =	vadd.f32 v28, v11;
	v10 =	vmax.f32 v10, $0.0e+00;
	v18 =	vmin.f32 v18, $1.000000000e+00  }
0x59: {  	v40 =	vld [tilespmem:s2+$0xFFFFFF30];
	v63 =	vmul.f32 v22, v1;
	v34 =	vmin.f32 v8, $1.000000000e+00;
	v41 =	vmin.f32 v10, $1.000000000e+00;
	[tilespmem:s3+$0xFFFFFF70] =	vst v18  }
0x5a: {  	[tilespmem:s0+$0xF0] =	vst v7;
	v23 =	vadd.f32 v23, v33;
	v8 =	vmul.f32 v21, v0;
	v35 =	vmul.f32 v21, v1;
	v37 =	vld [tilespmem:s2+$0xFFFFFFF0]  }
0x5b: {  	v15 =	vld [tilespmem:s19+$0x20];
	[tilespmem:s0+$0x30] =	vst v24;
	v7 =	vadd.f32 v31, v36;
	v24 =	vmul.f32 v21, v2;
	v18 =	vmul.f32 v22, v0  }
0x5c: {  	v44 =	vld [tilespmem:s2+$0xFFFFFF40];
	v11 =	vmax.f32 v11, $0.0e+00;
	v38 =	vmul.f32 v27, v0;
	v39 =	vmul.f32 v27, v1  }
0x5d: {  	v47 =	vld [tilespmem:s2+$0xFFFFFF50];
	v23 =	vmax.f32 v23, $0.0e+00;
	v7 =	vmax.f32 v7, $0.0e+00;
	v9 =	vadd.f32 v42, v9  }
0x5e: {  	v50 =	vld [tilespmem:s2+$0xFFFFFF60];
	v54 =	vmul.f32 v27, v2;
	v58 =	vmin.f32 v11, $1.000000000e+00;
	v11 =	vmul.f32 v27, v3  }
0x5f: {  	[tilespmem:s0+$0x40] =	vst v25;
	v23 =	vmin.f32 v23, $1.000000000e+00;
	v9 =	vmax.f32 v9, $0.0e+00;
	v49 =	vadd.f32 v37, v45  }
0x60: {  	v10 =	vmul.f32 v15, v0;
	v43 =	vmul.f32 v15, v1;
	[tilespmem:s3+$0xFFFFFF10] =	vst v23;
	v9 =	vmin.f32 v9, $1.000000000e+00  }
0x61: {  	v8 =	vadd.f32 v8, v40;
	v7 =	vmin.f32 v7, $1.000000000e+00;
	v25 =	vld [tilespmem:s2+$0xFFFFFF90];
	[tilespmem:s3+$0xFFFFFF00] =	vst v9;
	v23 =	vmax.f32 v49, $0.0e+00  }
0x62: {  	v33 =	vadd.f32 v38, v47;
	v9 =	vadd.f32 v18, v44;
	v51 =	vld [tilespmem:s2+$0xFFFFFF80];
	v23 =	vmin.f32 v23, $1.000000000e+00  }
0x63: {  	v52 =	vld [tilespmem:s5+$0xA0];
	v57 =	vmul.f32 v15, v2;
	v8 =	vmax.f32 v8, $0.0e+00;
	v10 =	vadd.f32 v10, v50;
	[tilespmem:s3+$0xFFFFFFF0] =	vst v23  }
0x64: {  	[tilespmem:s3+$0xFFFFFF20] =	vst v7;
	v7 =	vmin.f32 v8, $1.000000000e+00;
	v9 =	vmax.f32 v9, $0.0e+00;
	v23 =	vmax.f32 v33, $0.0e+00;
	v53 =	vld [tilespmem:s2+$0x70]  }
0x65: {  	[tilespmem:s3+$0xFFFFFF30] =	vst v7;
	v7 =	vmax.f32 v10, $0.0e+00;
	v8 =	vmin.f32 v9, $1.000000000e+00;
	v9 =	vmin.f32 v23, $1.000000000e+00;
	v23 =	vld [tilespmem:s2+$0xFFFFFFA0]  }
0x66: {  	v15 =	vmul.f32 v15, v3;
	v55 =	vld [tilespmem:s2+$0xFFFFFFB0];
	v56 =	vmin.f32 v7, $1.000000000e+00;
	v25 =	vadd.f32 v25, v26;
	[tilespmem:s3+$0xFFFFFF40] =	vst v8  }
0x67: {  	v26 =	vmul.f32 v14, v2;
	v8 =	vmul.f32 v19, v3;
	v19 =	vld [tilespmem:s2+$0xFFFFFFC0];
	v36 =	vadd.f32 v51, v46;
	[tilespmem:s3+$0xFFFFFF50] =	vst v9  }
0x68: {  	v18 =	vmul.f32 v22, v2;
	[tilespmem:s3+$0xFFFFFF60] =	vst v56;
	v9 =	vmul.f32 v21, v3;
	v21 =	vld [tilespmem:s2+$0xFFFFFFD0]  }
0x69: {  	[tilespmem:s0+$0x50] =	vst v29;
	v7 =	vmul.f32 v22, v3;
	v27 =	vld [tilespmem:s2+$0xFFFFFFE0];
	v22 =	vmax.f32 v36, $0.0e+00;
	v26 =	vadd.f32 v53, v26  }
0x6a: {  	v59 =	vld [tilespmem:s5+$0xB0];
	[tilespmem:s0+$0x60] =	vst v34;
	v25 =	vmax.f32 v25, $0.0e+00;
	v22 =	vmin.f32 v22, $1.000000000e+00;
	v23 =	vadd.f32 v23, v32  }
0x6b: {  	v60 =	vld [tilespmem:s5+$0xC0];
	[tilespmem:s3+$0xFFFFFF80] =	vst v22;
	v22 =	vmin.f32 v25, $1.000000000e+00;
	v25 =	vadd.f32 v55, v35;
	v26 =	vmax.f32 v26, $0.0e+00  }
0x6c: {  	v19 =	vadd.f32 v19, v63;
	v61 =	vld [tilespmem:s2+$0x0];
	[tilespmem:s3+$0xFFFFFF90] =	vst v22;
	v22 =	vmax.f32 v23, $0.0e+00;
	v23 =	vmin.f32 v26, $1.000000000e+00  }
0x6d: {  	v25 =	vmax.f32 v25, $0.0e+00;
	v21 =	vadd.f32 v21, v39;
	v26 =	vld [tilespmem:s2+$0x10];
	v22 =	vmin.f32 v22, $1.000000000e+00;
	[tilespmem:s3+$0x70] =	vst v23  }
0x6e: {  	v19 =	vmax.f32 v19, $0.0e+00;
	[tilespmem:s3+$0xFFFFFFA0] =	vst v22;
	v22 =	vmin.f32 v25, $1.000000000e+00;
	v23 =	vadd.f32 v27, v43;
	v25 =	vld [tilespmem:s2+$0xF0]  }
0x6f: {  	v16 =	vadd.f32 v52, v16;
	v19 =	vmin.f32 v19, $1.000000000e+00;
	v21 =	vmax.f32 v21, $0.0e+00;
	v27 =	vld [tilespmem:s2+$0x20];
	[tilespmem:s3+$0xFFFFFFB0] =	vst v22  }
0x70: {  	v13 =	vadd.f32 v59, v13;
	[tilespmem:s3+$0xFFFFFFC0] =	vst v19;
	v19 =	vmin.f32 v21, $1.000000000e+00;
	v22 =	vld [tilespmem:s2+$0x30];
	v21 =	vmax.f32 v23, $0.0e+00  }
0x71: {  	v62 =	vld [tilespmem:s2+$0x40];
	v23 =	vadd.f32 v61, v48;
	[tilespmem:s3+$0xFFFFFFD0] =	vst v19;
	v19 =	vmin.f32 v21, $1.000000000e+00;
	v21 =	vmul.f32 v14, v3  }
0x72: {  	v10 =	vmul.f32 v30, v3;
	v14 =	vmax.f32 v16, $0.0e+00;
	v17 =	vadd.f32 v26, v17;
	v26 =	vld [tilespmem:s2+$0x50];
	[tilespmem:s3+$0xFFFFFFE0] =	vst v19  }
0x73: {  	[tilespmem:s0+$0x80] =	vst v41;
	v16 =	vmax.f32 v23, $0.0e+00;
	v63 =	vld [tilespmem:s2+$0x60];
	v23 =	vadd.f32 v25, v21;
	v21 =	vadd.f32 v60, v12  }
0x74: {  	[tilespmem:s0+$0x90] =	vst v58;
	v19 =	vld [tilespmem:s5+$0xD0];
	v12 =	vmin.f32 v16, $1.000000000e+00;
	v16 =	vmax.f32 v17, $0.0e+00;
	v20 =	vadd.f32 v27, v20  }
0x75: {  	v17 =	vld [tilespmem:s5+$0xE0];
	[tilespmem:s3+$0x0] =	vst v12;
	v12 =	vmin.f32 v16, $1.000000000e+00;
	v22 =	vadd.f32 v22, v24;
	v16 =	vmax.f32 v23, $0.0e+00  }
0x76: {  	v24 =	vadd.f32 v62, v18;
	[tilespmem:s3+$0x10] =	vst v12;
	v12 =	vmax.f32 v20, $0.0e+00;
	v18 =	vmin.f32 v16, $1.000000000e+00;
	v16 =	vld [tilespmem:s2+$0x80]  }
0x77: {  	s8 =	simm.s32 $0x1580;
	v12 =	vmin.f32 v12, $1.000000000e+00;
	v22 =	vmax.f32 v22, $0.0e+00;
	v20 =	vadd.f32 v26, v54;
	[tilespmem:s3+$0xF0] =	vst v18;
	v18 =	vld [tilespmem:s2+$0x90]  }
0x78: {  	s10 =	simm.s32 $0x80;
	s11 =	simm.s32 $0x140;
	s5 =	simm.s32 $0x9580;
	v24 =	vmax.f32 v24, $0.0e+00;
	[tilespmem:s3+$0x20] =	vst v12;
	v23 =	vmin.f32 v22, $1.000000000e+00;
	v22 =	vadd.f32 v63, v57  }
.LBB2_2:
0x79: {  	v12 =	vld [tilespmem:s11+$0x30];
	s10 =	sadd.s32 $0x80, s10;
	[tilespmem:s3+$0x30] =	vst v23;
	v23 =	vmin.f32 v24, $1.000000000e+00;
	v20 =	vmax.f32 v20, $0.0e+00;
	v19 =	vadd.f32 v19, v5;
	v5 =	vmovc v11  }
0x7a: {  	s2 =	sadd.s32 $0x200, s2;
	v17 =	vadd.f32 v17, v4;
	v4 =	vmovc v15;
	v11 =	vld [tilespmem:s11+$0xFFFFFFD0];
	p0 =	slt.u32 s10, $0xF80;
	[tilespmem:s3+$0x40] =	vst v23;
	v20 =	vmin.f32 v20, $1.000000000e+00;
	v22 =	vmax.f32 v22, $0.0e+00  }
0x7b: {  	v15 =	vld [tilespmem:s2+$0xFFFFFF70];
	v10 =	vadd.f32 v16, v10;
	[tilespmem:s3+$0x50] =	vst v20;
	v16 =	vmin.f32 v22, $1.000000000e+00;
	v20 =	vmax.f32 v13, $0.0e+00  }
0x7c: {  	v22 =	vld [tilespmem:s11+$0xFFFFFFE0];
	v6 =	vadd.f32 v18, v6;
	[tilespmem:s3+$0x60] =	vst v16;
	v16 =	vmax.f32 v21, $0.0e+00;
	v18 =	vmax.f32 v19, $0.0e+00  }
0x7d: {  	v13 =	vmin.f32 v14, $1.000000000e+00;
	v17 =	vmax.f32 v17, $0.0e+00;
	v19 =	vld [tilespmem:s11+$0xFFFFFFF0];
	v10 =	vmax.f32 v10, $0.0e+00  }
0x7e: {  	v21 =	vld [tilespmem:s11+$0x0];
	v23 =	vmul.f32 v12, v0;
	v10 =	vmin.f32 v10, $1.000000000e+00;
	v6 =	vmax.f32 v6, $0.0e+00;
	[tilespmem:s0+$0xA0] =	vst v13  }
0x7f: {  	v24 =	vmul.f32 v11, v0;
	v25 =	vmul.f32 v11, v1;
	v26 =	vld [tilespmem:s11+$0x10];
	[tilespmem:s3+$0x80] =	vst v10;
	v10 =	vmin.f32 v6, $1.000000000e+00  }
0x80: {  	v13 =	vmul.f32 v11, v2;
	v6 =	vmul.f32 v11, v3;
	v14 =	vld [tilespmem:s11+$0x20];
	v11 =	vadd.f32 v23, v15;
	[tilespmem:s3+$0x90] =	vst v10  }
0x81: {  	v20 =	vmin.f32 v20, $1.000000000e+00;
	v10 =	vld [tilespmem:s11+$0xFFFFFFC0];
	v15 =	vmul.f32 v22, v0;
	v23 =	vmul.f32 v22, v1  }
0x82: {  	v27 =	vld [tilespmem:s2+$0xFFFFFF00];
	v28 =	vmul.f32 v19, v0;
	v29 =	vmul.f32 v19, v1;
	v11 =	vmax.f32 v11, $0.0e+00;
	[tilespmem:s0+$0xB0] =	vst v20  }
0x83: {  	s3 =	sadd.s32 $0x200, s3;
	v20 =	vld [tilespmem:s2+$0xFFFFFF10];
	v30 =	vmul.f32 v21, v0;
	v31 =	vmul.f32 v21, v1;
	v11 =	vmin.f32 v11, $1.000000000e+00  }
0x84: {  	v32 =	vld [tilespmem:s2+$0xFFFFFF20];
	v33 =	vmul.f32 v26, v0;
	v34 =	vmul.f32 v26, v1;
	[tilespmem:s3+$0xFFFFFF70] =	vst v11;
	v11 =	vmin.f32 v16, $1.000000000e+00  }
0x85: {  	v35 =	vmul.f32 v14, v0;
	v36 =	vmul.f32 v14, v1;
	v37 =	vld [tilespmem:s2+$0xFFFFFFF0];
	[tilespmem:s0+$0xC0] =	vst v11;
	v11 =	vmin.f32 v18, $1.000000000e+00  }
0x86: {  	v18 =	vmul.f32 v10, v0;
	v38 =	vmul.f32 v10, v1;
	v39 =	vld [tilespmem:s2+$0xFFFFFF30];
	[tilespmem:s0+$0xD0] =	vst v11;
	v11 =	vmin.f32 v17, $1.000000000e+00  }
0x87: {  	v16 =	vmul.f32 v22, v2;
	v40 =	vmul.f32 v10, v2;
	v17 =	vld [tilespmem:s2+$0xFFFFFF40];
	[tilespmem:s0+$0xE0] =	vst v11;
	s0 =	smov.u32 s5;
	s5 =	smov.u32 s3  }
0x88: {  	v41 =	vmul.f32 v12, v1;
	v11 =	vadd.f32 v18, v27;
	v24 =	vadd.f32 v24, v20;
	v27 =	vld [tilespmem:s2+$0xFFFFFF50]  }
0x89: {  	v20 =	vmul.f32 v19, v2;
	v18 =	vmul.f32 v21, v2;
	v15 =	vadd.f32 v15, v32;
	v32 =	vld [tilespmem:s2+$0xFFFFFF60]  }
0x8a: {  	v11 =	vmax.f32 v11, $0.0e+00;
	v24 =	vmax.f32 v24, $0.0e+00;
	v37 =	vadd.f32 v37, v41;
	v41 =	vld [tilespmem:s8+$0xA0]  }
0x8b: {  	v11 =	vmin.f32 v11, $1.000000000e+00;
	v15 =	vmax.f32 v15, $0.0e+00;
	v28 =	vadd.f32 v28, v39;
	v39 =	vld [tilespmem:s8+$0xB0]  }
0x8c: {  	[tilespmem:s3+$0xFFFFFF00] =	vst v11;
	v11 =	vmin.f32 v24, $1.000000000e+00;
	v17 =	vadd.f32 v30, v17;
	v24 =	vmax.f32 v37, $0.0e+00;
	v30 =	vld [tilespmem:s8+$0xC0]  }
0x8d: {  	v37 =	vld [tilespmem:s2+$0xFFFFFF80];
	[tilespmem:s3+$0xFFFFFF10] =	vst v11;
	v11 =	vmax.f32 v28, $0.0e+00;
	v27 =	vadd.f32 v33, v27;
	v24 =	vmin.f32 v24, $1.000000000e+00  }
0x8e: {  	v15 =	vmin.f32 v15, $1.000000000e+00;
	v28 =	vld [tilespmem:s2+$0xFFFFFF90];
	v17 =	vmax.f32 v17, $0.0e+00;
	v32 =	vadd.f32 v35, v32;
	[tilespmem:s3+$0xFFFFFFF0] =	vst v24  }
0x8f: {  	v11 =	vmin.f32 v11, $1.000000000e+00;
	[tilespmem:s3+$0xFFFFFF20] =	vst v15;
	v15 =	vmin.f32 v17, $1.000000000e+00;
	v17 =	vmax.f32 v27, $0.0e+00;
	v24 =	vld [tilespmem:s2+$0x70]  }
0x90: {  	v33 =	vmul.f32 v26, v2;
	v27 =	vld [tilespmem:s2+$0xFFFFFFA0];
	[tilespmem:s3+$0xFFFFFF30] =	vst v11;
	v11 =	vmin.f32 v17, $1.000000000e+00;
	v17 =	vmax.f32 v32, $0.0e+00  }
0x91: {  	v10 =	vmul.f32 v10, v3;
	v35 =	vmul.f32 v14, v2;
	v32 =	vld [tilespmem:s2+$0xFFFFFFB0];
	[tilespmem:s3+$0xFFFFFF40] =	vst v15;
	v15 =	vmin.f32 v17, $1.000000000e+00  }
0x92: {  	v22 =	vmul.f32 v22, v3;
	v17 =	vadd.f32 v37, v38;
	v37 =	vld [tilespmem:s2+$0xFFFFFFC0];
	[tilespmem:s3+$0xFFFFFF50] =	vst v11;
	v38 =	vmul.f32 v12, v2  }
0x93: {  	v42 =	vmul.f32 v21, v3;
	v25 =	vadd.f32 v28, v25;
	v28 =	vmul.f32 v19, v3;
	v21 =	vld [tilespmem:s2+$0xFFFFFFD0];
	[tilespmem:s3+$0xFFFFFF60] =	vst v15  }
0x94: {  	v11 =	vmul.f32 v26, v3;
	v15 =	vmax.f32 v17, $0.0e+00;
	v26 =	vld [tilespmem:s2+$0xFFFFFFE0];
	v17 =	vadd.f32 v24, v38  }
0x95: {  	v15 =	vmin.f32 v15, $1.000000000e+00;
	v24 =	vmax.f32 v25, $0.0e+00;
	v23 =	vadd.f32 v27, v23;
	v19 =	vld [tilespmem:s8+$0xD0]  }
0x96: {  	[tilespmem:s3+$0xFFFFFF80] =	vst v15;
	v15 =	vmin.f32 v24, $1.000000000e+00;
	v24 =	vadd.f32 v32, v29;
	v25 =	vmax.f32 v17, $0.0e+00;
	v17 =	vld [tilespmem:s8+$0xE0];
	s8 =	smov.u32 s2  }
0x97: {  	v27 =	vld [tilespmem:s2+$0x0];
	[tilespmem:s3+$0xFFFFFF90] =	vst v15;
	v15 =	vmax.f32 v23, $0.0e+00;
	v23 =	vadd.f32 v37, v31;
	v25 =	vmin.f32 v25, $1.000000000e+00  }
0x98: {  	v29 =	vld [tilespmem:s2+$0x10];
	v15 =	vmin.f32 v15, $1.000000000e+00;
	v24 =	vmax.f32 v24, $0.0e+00;
	v21 =	vadd.f32 v21, v34;
	[tilespmem:s3+$0x70] =	vst v25  }
0x99: {  	[tilespmem:s3+$0xFFFFFFA0] =	vst v15;
	v15 =	vmin.f32 v24, $1.000000000e+00;
	v23 =	vmax.f32 v23, $0.0e+00;
	v24 =	vadd.f32 v26, v36;
	v25 =	vld [tilespmem:s2+$0xF0]  }
0x9a: {  	v26 =	vld [tilespmem:s2+$0x20];
	[tilespmem:s3+$0xFFFFFFB0] =	vst v15;
	v23 =	vmin.f32 v23, $1.000000000e+00;
	v21 =	vmax.f32 v21, $0.0e+00;
	v15 =	vmul.f32 v14, v3  }
0x9b: {  	v31 =	vld [tilespmem:s2+$0x30];
	[tilespmem:s3+$0xFFFFFFC0] =	vst v23;
	v14 =	vmin.f32 v21, $1.000000000e+00;
	v21 =	vmax.f32 v24, $0.0e+00;
	v23 =	vadd.f32 v41, v8;
	v8 =	vmovc v22  }
0x9c: {  	v12 =	vmul.f32 v12, v3;
	v22 =	vadd.f32 v27, v40;
	v24 =	vld [tilespmem:s2+$0x40];
	[tilespmem:s3+$0xFFFFFFD0] =	vst v14;
	v14 =	vmin.f32 v21, $1.000000000e+00  }
0x9d: {  	v27 =	vadd.f32 v29, v13;
	v29 =	vld [tilespmem:s2+$0x50];
	[tilespmem:s3+$0xFFFFFFE0] =	vst v14;
	v14 =	vmax.f32 v23, $0.0e+00;
	v13 =	vadd.f32 v39, v9;
	v9 =	vmovc v28  }
0x9e: {  	v21 =	vadd.f32 v30, v7;
	v7 =	vmovc v42;
	v22 =	vmax.f32 v22, $0.0e+00;
	v28 =	vld [tilespmem:s2+$0x60];
	v12 =	vadd.f32 v25, v12  }
.Ltmp0:
0x9f: {  	v22 =	vmin.f32 v22, $1.000000000e+00;
	v23 =	vmax.f32 v27, $0.0e+00;
	v25 =	vadd.f32 v26, v16;
	(pc) =	sbr.rel @p0 .LBB2_2-.Ltmp0, $4  }
0xa0: {  	[tilespmem:s3+$0x0] =	vst v22;
	v22 =	vmin.f32 v23, $1.000000000e+00;
	v20 =	vadd.f32 v31, v20;
	v12 =	vmax.f32 v12, $0.0e+00  }
0xa1: {  	v16 =	vld [tilespmem:s2+$0x80];
	[tilespmem:s3+$0x10] =	vst v22;
	v22 =	vmax.f32 v25, $0.0e+00;
	v24 =	vadd.f32 v24, v18;
	v12 =	vmin.f32 v12, $1.000000000e+00  }
0xa2: {  	v18 =	vld [tilespmem:s2+$0x90];
	v22 =	vmin.f32 v22, $1.000000000e+00;
	v23 =	vmax.f32 v20, $0.0e+00;
	v20 =	vadd.f32 v29, v33;
	[tilespmem:s3+$0xF0] =	vst v12  }
0xa3: {  	s11 =	sadd.s32 $0x80, s11;
	[tilespmem:s3+$0x20] =	vst v22;
	v23 =	vmin.f32 v23, $1.000000000e+00;
	v24 =	vmax.f32 v24, $0.0e+00;
	v22 =	vadd.f32 v28, v35  }
0xa4: {  	_ = 	snop  }
0xa5: {  	[tilespmem:s3+$0x30] =	vst v23;
	v0 =	vmin.f32 v24, $1.000000000e+00;
	v1 =	vmax.f32 v20, $0.0e+00  }
0xa6: {  	[tilespmem:s3+$0x40] =	vst v0;
	v0 =	vmin.f32 v1, $1.000000000e+00;
	v1 =	vmax.f32 v22, $0.0e+00;
	v2 =	vadd.f32 v16, v10  }
0xa7: {  	v3 =	vld [tilespmem:s8+$0xA0];
	[tilespmem:s3+$0x50] =	vst v0;
	v0 =	vmin.f32 v1, $1.000000000e+00;
	v1 =	vadd.f32 v18, v6  }
0xa8: {  	[tilespmem:s3+$0x60] =	vst v0;
	v6 =	vld [tilespmem:s8+$0xB0];
	v0 =	vmax.f32 v2, $0.0e+00;
	v2 =	vmin.f32 v14, $1.000000000e+00  }
0xa9: {  	v0 =	vmin.f32 v0, $1.000000000e+00;
	v1 =	vmax.f32 v1, $0.0e+00;
	[tilespmem:s0+$0xA0] =	vst v2;
	v2 =	vld [tilespmem:s8+$0xC0]  }
0xaa: {  	v5 =	vadd.f32 v19, v5;
	v10 =	vmax.f32 v13, $0.0e+00;
	[tilespmem:s3+$0x80] =	vst v0;
	v0 =	vmin.f32 v1, $1.000000000e+00;
	v1 =	vld [tilespmem:s8+$0xD0]  }
0xab: {  	v4 =	vadd.f32 v17, v4;
	v12 =	vmax.f32 v21, $0.0e+00;
	[tilespmem:s3+$0x90] =	vst v0;
	v0 =	vmin.f32 v10, $1.000000000e+00;
	v10 =	vld [tilespmem:s8+$0xE0]  }
0xac: {  	v5 =	vmax.f32 v5, $0.0e+00;
	v3 =	vadd.f32 v3, v8;
	[tilespmem:s0+$0xB0] =	vst v0;
	v0 =	vmin.f32 v12, $1.000000000e+00  }
0xad: {  	v4 =	vmax.f32 v4, $0.0e+00;
	[tilespmem:s0+$0xC0] =	vst v0;
	v0 =	vmin.f32 v5, $1.000000000e+00;
	v5 =	vadd.f32 v6, v9  }
0xae: {  	v3 =	vmax.f32 v3, $0.0e+00;
	[tilespmem:s0+$0xD0] =	vst v0;
	v0 =	vmin.f32 v4, $1.000000000e+00;
	v2 =	vadd.f32 v2, v7  }
0xaf: {  	v3 =	vmin.f32 v3, $1.000000000e+00;
	[tilespmem:s0+$0xE0] =	vst v0;
	v0 =	vadd.f32 v1, v11;
	v1 =	vmax.f32 v5, $0.0e+00  }
0xb0: {  	[tilespmem:s5+$0xA0] =	vst v3;
	v4 =	vadd.f32 v10, v15;
	v2 =	vmax.f32 v2, $0.0e+00;
	v1 =	vmin.f32 v1, $1.000000000e+00  }
0xb1: {  	v0 =	vmax.f32 v0, $0.0e+00;
	[tilespmem:s5+$0xB0] =	vst v1;
	v1 =	vmin.f32 v2, $1.000000000e+00  }
0xb2: {  	v2 =	vmax.f32 v4, $0.0e+00;
	[tilespmem:s5+$0xC0] =	vst v1;
	v0 =	vmin.f32 v0, $1.000000000e+00  }
0xb3: {  	[tilespmem:s5+$0xD0] =	vst v0;
	v0 =	vmin.f32 v2, $1.000000000e+00  }
0xb4: {  	[tilespmem:s5+$0xE0] =	vst v0  }
0xb5: {  	s0 =	rddreg [dreg:$0x7]  }
0xb6: {  	[hbm4b:s0+s20] =	stream.strided.scatter [tilespmem:s25], [sflag:$0x3], $0x4000, s21, s20, $0x38;
	[tilespmem:$0x11280] =	vst v63  }
0xb7: {  	s19 =	rddreg [dreg:$0x8]  }
0xb8: {  	[tilespmem:s22], [sflag:$0x1] =	stream.strided.gather [hbm4b:s19+s20], $0x4000, s21, s20, $0x38;
	[tilespmem:$0x11280] =	vst v63  }
0xb9: {  	_ =	swait.ge [sflag:s26], $0x4000  }
0xba: {  	[sflag:s26] =	ssyncset.done $0x0  }
0xbb: {  	[sflag:s26] =	ssyncadd.s32 $0xFFFFC000  }
0xbc: {  	s2 =	simm.s32 $0x40;
	v3 =	vld [tilespmem:$0x1004]  }
0xbd: {  	v4 =	vld [tilespmem:s2+$0x30]  }
0xbe: {  	s0 =	simm.s32 $0x0;
	v5 =	vld [tilespmem:s2+$0xFFFFFFD0]  }
0xbf: {  	v7 =	vld [tilespmem:s0+$0x5470]  }
0xc0: {  	v8 =	vld [tilespmem:s2+$0xFFFFFFE0]  }
0xc1: {  	v9 =	vld [tilespmem:s2+$0xFFFFFFF0]  }
0xc2: {  	v10 =	vld [tilespmem:s2+$0x0]  }
0xc3: {  	v14 =	vld [tilespmem:s2+$0x10]  }
0xc4: {  	v17 =	vld [tilespmem:s2+$0xFFFFFFC0]  }
0xc5: {  	v20 =	vld [tilespmem:s0+$0x5280];
	v0 =	vbroadcast v3, $0x0  }
0xc6: {  	v22 =	vld [tilespmem:s0+$0x5300];
	v1 =	vbroadcast v3, $0x3;
	v2 =	vbroadcast v3, $0x1  }
0xc7: {  	v26 =	vld [tilespmem:s0+$0x5400];
	v3 =	vbroadcast v3, $0x2;
	v6 =	vmul.f32 v4, v0  }
0xc8: {  	v31 =	vld [tilespmem:s0+$0x5290];
	v11 =	vmul.f32 v4, v1;
	v12 =	vmul.f32 v5, v0  }
0xc9: {  	v33 =	vld [tilespmem:s0+$0x5310];
	v13 =	vmul.f32 v5, v2;
	v15 =	vmul.f32 v5, v3  }
0xca: {  	v45 =	vld [tilespmem:s0+$0x5390];
	v16 =	vmul.f32 v5, v1;
	v18 =	vmul.f32 v8, v0  }
0xcb: {  	v46 =	vld [tilespmem:s0+$0x5410];
	v19 =	vmul.f32 v8, v2;
	v21 =	vmul.f32 v8, v3  }
0xcc: {  	v47 =	vld [tilespmem:s0+$0x52A0];
	v8 =	vmul.f32 v8, v1;
	v23 =	vmul.f32 v9, v0  }
0xcd: {  	v48 =	vld [tilespmem:s0+$0x5320];
	v44 =	vmul.f32 v9, v2;
	v27 =	vmul.f32 v10, v0  }
0xce: {  	v49 =	vld [tilespmem:s0+$0x53A0];
	v28 =	vmul.f32 v10, v2;
	v29 =	vmul.f32 v17, v0  }
0xcf: {  	v50 =	vld [tilespmem:s0+$0x5420];
	v30 =	vmul.f32 v17, v2;
	v32 =	vmul.f32 v17, v3  }
0xd0: {  	v51 =	vld [tilespmem:s0+$0x52B0];
	v17 =	vmul.f32 v17, v1;
	v34 =	vmul.f32 v10, v3;
	v7 =	vadd.f32 v7, v11  }
0xd1: {  	v58 =	vld [tilespmem:s0+$0x5440];
	v10 =	vmul.f32 v10, v1;
	v20 =	vadd.f32 v29, v20;
	v22 =	vadd.f32 v22, v30  }
0xd2: {  	v61 =	vld [tilespmem:s0+$0x5450];
	v35 =	vmul.f32 v14, v0;
	v17 =	vadd.f32 v26, v17;
	v12 =	vadd.f32 v12, v31  }
0xd3: {  	v63 =	vld [tilespmem:s0+$0x52F0];
	v36 =	vmul.f32 v14, v2;
	v13 =	vadd.f32 v33, v13;
	v15 =	vadd.f32 v45, v15  }
0xd4: {  	v37 =	vmul.f32 v14, v3;
	v16 =	vadd.f32 v46, v16;
	v18 =	vadd.f32 v18, v47  }
0xd5: {  	v14 =	vmul.f32 v14, v1;
	v19 =	vadd.f32 v48, v19;
	v21 =	vadd.f32 v49, v21  }
0xd6: {  	v25 =	vmul.f32 v9, v3;
	v8 =	vadd.f32 v50, v8;
	v23 =	vadd.f32 v23, v51  }
0xd7: {  	v9 =	vmul.f32 v9, v1;
	v11 =	vld [tilespmem:s0+$0x5380];
	v10 =	vadd.f32 v58, v10;
	v14 =	vadd.f32 v61, v14  }
0xd8: {  	v6 =	vadd.f32 v6, v63;
	v7 =	vmax.f32 v7, $0.0e+00;
	v20 =	vmax.f32 v20, $0.0e+00  }
0xd9: {  	v53 =	vld [tilespmem:s0+$0x53B0];
	v22 =	vmax.f32 v22, $0.0e+00;
	v17 =	vmax.f32 v17, $0.0e+00;
	v12 =	vmax.f32 v12, $0.0e+00  }
0xda: {  	v5 =	vld [tilespmem:s2+$0x20];
	v13 =	vmax.f32 v13, $0.0e+00;
	v15 =	vmax.f32 v15, $0.0e+00;
	v16 =	vmax.f32 v16, $0.0e+00  }
0xdb: {  	v18 =	vmax.f32 v18, $0.0e+00;
	v19 =	vmax.f32 v19, $0.0e+00;
	v7 =	vmin.f32 v7, $1.000000000e+00  }
0xdc: {  	v52 =	vld [tilespmem:s0+$0x5330];
	v21 =	vmax.f32 v21, $0.0e+00;
	[tilespmem:s0+$0xD470] =	vst v7;
	v7 =	vmin.f32 v20, $1.000000000e+00;
	v11 =	vadd.f32 v11, v32  }
0xdd: {  	v54 =	vld [tilespmem:s0+$0x5430];
	v10 =	vmax.f32 v10, $0.0e+00;
	v13 =	vmin.f32 v13, $1.000000000e+00;
	[tilespmem:s0+$0xD280] =	vst v7;
	v7 =	vmin.f32 v22, $1.000000000e+00  }
0xde: {  	v55 =	vld [tilespmem:s0+$0x52C0];
	[tilespmem:s0+$0xD310] =	vst v13;
	v22 =	vmax.f32 v23, $0.0e+00;
	v23 =	vadd.f32 v53, v25;
	v11 =	vmax.f32 v11, $0.0e+00  }
0xdf: {  	v56 =	vld [tilespmem:s0+$0x5340];
	v14 =	vmax.f32 v14, $0.0e+00;
	v38 =	vmul.f32 v5, v0;
	[tilespmem:s0+$0xD300] =	vst v7;
	v7 =	vmin.f32 v11, $1.000000000e+00  }
0xe0: {  	v13 =	vmin.f32 v15, $1.000000000e+00;
	[tilespmem:s0+$0xD380] =	vst v7;
	v7 =	vmin.f32 v17, $1.000000000e+00;
	v17 =	vmax.f32 v23, $0.0e+00;
	v23 =	vld [tilespmem:s0+$0x5350]  }
0xe1: {  	v57 =	vld [tilespmem:s0+$0x53C0];
	v39 =	vmul.f32 v5, v2;
	v40 =	vmul.f32 v5, v3;
	v20 =	vmax.f32 v8, $0.0e+00;
	[tilespmem:s0+$0xD390] =	vst v13  }
0xe2: {  	v8 =	vadd.f32 v52, v44;
	v13 =	vmin.f32 v16, $1.000000000e+00;
	[tilespmem:s0+$0xD400] =	vst v7;
	v7 =	vmin.f32 v12, $1.000000000e+00;
	v12 =	vld [tilespmem:s0+$0x53D0]  }
0xe3: {  	v41 =	vmul.f32 v5, v1;
	v5 =	vmul.f32 v4, v2;
	v15 =	vld [tilespmem:s0+$0x52E0];
	[tilespmem:s0+$0xD410] =	vst v13;
	v13 =	vmin.f32 v18, $1.000000000e+00  }
0xe4: {  	v16 =	vld [tilespmem:s0+$0x5360];
	v59 =	vmax.f32 v8, $0.0e+00;
	v8 =	vadd.f32 v54, v9;
	[tilespmem:s0+$0xD2A0] =	vst v13;
	v13 =	vmin.f32 v19, $1.000000000e+00  }
0xe5: {  	v4 =	vmul.f32 v4, v3;
	v11 =	vld [tilespmem:s0+$0x52D0];
	[tilespmem:s0+$0xD320] =	vst v13;
	v13 =	vmin.f32 v21, $1.000000000e+00;
	v18 =	vadd.f32 v23, v36  }
0xe6: {  	v9 =	vadd.f32 v27, v55;
	v60 =	vmax.f32 v8, $0.0e+00;
	v8 =	vadd.f32 v56, v28;
	[tilespmem:s0+$0xD3A0] =	vst v13;
	v23 =	vld [tilespmem:s0+$0x53E0]  }
0xe7: {  	v62 =	vld [tilespmem:s0+$0x5460];
	[tilespmem:s0+$0xD290] =	vst v7;
	v19 =	vadd.f32 v12, v37;
	v12 =	vmax.f32 v18, $0.0e+00;
	v18 =	vmin.f32 v20, $1.000000000e+00  }
0xe8: {  	v15 =	vadd.f32 v38, v15;
	v21 =	vmin.f32 v60, $1.000000000e+00;
	[tilespmem:s0+$0xD420] =	vst v18;
	v18 =	vmin.f32 v22, $1.000000000e+00  }
0xe9: {  	v8 =	vmax.f32 v8, $0.0e+00;
	v13 =	vmax.f32 v19, $0.0e+00;
	v19 =	vmin.f32 v59, $1.000000000e+00;
	[tilespmem:s0+$0xD2B0] =	vst v18;
	v18 =	vld [tilespmem:s0+$0x5370]  }
0xea: {  	v16 =	vadd.f32 v16, v39;
	v7 =	vmax.f32 v9, $0.0e+00;
	v9 =	vadd.f32 v57, v34;
	[tilespmem:s0+$0xD330] =	vst v19;
	v19 =	vld [tilespmem:s0+$0x53F0]  }
0xeb: {  	v17 =	vmin.f32 v17, $1.000000000e+00;
	v11 =	vadd.f32 v35, v11;
	v22 =	vadd.f32 v23, v40  }
0xec: {  	v15 =	vmax.f32 v15, $0.0e+00;
	v16 =	vmax.f32 v16, $0.0e+00;
	v20 =	vadd.f32 v62, v41  }
0xed: {  	s3 =	simm.s32 $0x0;
	s5 =	simm.s32 $0xC0;
	s2 =	simm.s32 $0x0;
	[tilespmem:s0+$0xD3B0] =	vst v17;
	v9 =	vmax.f32 v9, $0.0e+00;
	v11 =	vmax.f32 v11, $0.0e+00;
	v17 =	vmax.f32 v22, $0.0e+00  }
.LBB2_4:
0xee: {  	v22 =	vld [tilespmem:s5+$0x30];
	s3 =	sadd.s32 $0x80, s3;
	[tilespmem:s0+$0xD430] =	vst v21;
	v7 =	vmin.f32 v7, $1.000000000e+00;
	v20 =	vmax.f32 v20, $0.0e+00;
	v5 =	vadd.f32 v18, v5;
	s2 =	sadd.s32 $0x800, s2  }
0xef: {  	s8 =	sshra.s32 s2, $0x2;
	v18 =	vld [tilespmem:s5+$0xFFFFFFD0];
	p0 =	slt.u32 s3, $0xF80;
	[tilespmem:s0+$0xD2C0] =	vst v7;
	v7 =	vmin.f32 v8, $1.000000000e+00;
	v8 =	vmax.f32 v6, $0.0e+00;
	v4 =	vadd.f32 v19, v4  }
0xf0: {  	v6 =	vmin.f32 v9, $1.000000000e+00;
	v19 =	vld [tilespmem:s8+$0x5470];
	[tilespmem:s0+$0xD340] =	vst v7;
	v7 =	vmin.f32 v10, $1.000000000e+00;
	v5 =	vmax.f32 v5, $0.0e+00  }
0xf1: {  	v10 =	vmin.f32 v11, $1.000000000e+00;
	v11 =	vmin.f32 v12, $1.000000000e+00;
	v9 =	vld [tilespmem:s5+$0xFFFFFFE0];
	[tilespmem:s0+$0xD3C0] =	vst v6;
	v4 =	vmax.f32 v4, $0.0e+00  }
0xf2: {  	v12 =	vld [tilespmem:s5+$0xFFFFFFF0];
	[tilespmem:s0+$0xD440] =	vst v7;
	v7 =	vmin.f32 v13, $1.000000000e+00;
	v13 =	vmin.f32 v14, $1.000000000e+00;
	v14 =	vmin.f32 v15, $1.000000000e+00  }
0xf3: {  	v15 =	vld [tilespmem:s5+$0x0];
	v6 =	vmul.f32 v22, v0;
	v21 =	vmul.f32 v22, v1;
	[tilespmem:s0+$0xD2D0] =	vst v10;
	v10 =	vmin.f32 v16, $1.000000000e+00  }
0xf4: {  	v16 =	vmul.f32 v18, v0;
	v23 =	vmul.f32 v18, v2;
	v24 =	vld [tilespmem:s5+$0x10];
	[tilespmem:s0+$0xD350] =	vst v11;
	v11 =	vmin.f32 v17, $1.000000000e+00  }
0xf5: {  	v17 =	vmul.f32 v18, v3;
	v18 =	vmul.f32 v18, v1;
	v25 =	vld [tilespmem:s5+$0x20];
	v19 =	vadd.f32 v19, v21;
	[tilespmem:s0+$0xD3D0] =	vst v7  }
0xf6: {  	v7 =	vld [tilespmem:s5+$0xFFFFFFC0];
	v21 =	vmul.f32 v9, v0;
	v26 =	vmul.f32 v9, v2;
	[tilespmem:s0+$0xD450] =	vst v13;
	v13 =	vmin.f32 v20, $1.000000000e+00  }
0xf7: {  	v27 =	vmul.f32 v9, v3;
	v9 =	vmul.f32 v9, v1;
	v20 =	vld [tilespmem:s8+$0x5280];
	v19 =	vmax.f32 v19, $0.0e+00;
	[tilespmem:s0+$0xD2E0] =	vst v14  }
0xf8: {  	v28 =	vmul.f32 v12, v0;
	v29 =	vmul.f32 v12, v2;
	v14 =	vld [tilespmem:s8+$0x5300];
	v19 =	vmin.f32 v19, $1.000000000e+00;
	[tilespmem:s0+$0xD360] =	vst v10  }
0xf9: {  	v8 =	vmin.f32 v8, $1.000000000e+00;
	v30 =	vmul.f32 v12, v3;
	v12 =	vmul.f32 v12, v1;
	v10 =	vld [tilespmem:s8+$0x5380];
	[tilespmem:s8+$0xD470] =	vst v19  }
0xfa: {  	v5 =	vmin.f32 v5, $1.000000000e+00;
	v31 =	vmul.f32 v15, v0;
	v32 =	vmul.f32 v15, v2;
	v19 =	vld [tilespmem:s8+$0x5400];
	[tilespmem:s0+$0xD3E0] =	vst v11  }
0xfb: {  	v4 =	vmin.f32 v4, $1.000000000e+00;
	v11 =	vmul.f32 v7, v0;
	v33 =	vmul.f32 v7, v2;
	v34 =	vld [tilespmem:s8+$0x5290];
	[tilespmem:s0+$0xD460] =	vst v13  }
0xfc: {  	v13 =	vmul.f32 v7, v3;
	v7 =	vmul.f32 v7, v1;
	v35 =	vld [tilespmem:s8+$0x5310];
	[tilespmem:s0+$0xD2F0] =	vst v8  }
0xfd: {  	v8 =	vadd.f32 v11, v20;
	v11 =	vld [tilespmem:s8+$0x5390];
	v20 =	vmul.f32 v15, v3;
	v15 =	vmul.f32 v15, v1;
	[tilespmem:s0+$0xD370] =	vst v5  }
0xfe: {  	v36 =	vmul.f32 v24, v0;
	v37 =	vmul.f32 v24, v2;
	v14 =	vadd.f32 v14, v33;
	v33 =	vld [tilespmem:s8+$0x5410];
	[tilespmem:s0+$0xD3F0] =	vst v4;
	s0 =	smov.u32 s8  }
0xff: {  	v38 =	vmul.f32 v24, v3;
	v24 =	vmul.f32 v24, v1;
	v10 =	vadd.f32 v10, v13;
	v13 =	vld [tilespmem:s0+$0x52A0]  }
0x100: {  	v39 =	vmul.f32 v25, v0;
	v40 =	vmul.f32 v25, v2;
	v7 =	vadd.f32 v19, v7;
	v19 =	vld [tilespmem:s0+$0x5320]  }
0x101: {  	v41 =	vmul.f32 v25, v3;
	v25 =	vmul.f32 v25, v1;
	v16 =	vadd.f32 v16, v34;
	v34 =	vld [tilespmem:s0+$0x53A0]  }
0x102: {  	v5 =	vmul.f32 v22, v2;
	v4 =	vmul.f32 v22, v3;
	v23 =	vadd.f32 v35, v23;
	v35 =	vld [tilespmem:s0+$0x5420]  }
0x103: {  	v8 =	vmax.f32 v8, $0.0e+00;
	v11 =	vadd.f32 v11, v17;
	v17 =	vadd.f32 v33, v18;
	v18 =	vld [tilespmem:s0+$0x52B0]  }
0x104: {  	v14 =	vmax.f32 v14, $0.0e+00;
	v10 =	vmax.f32 v10, $0.0e+00;
	v13 =	vadd.f32 v21, v13;
	v21 =	vld [tilespmem:s0+$0x5330]  }
0x105: {  	v7 =	vmax.f32 v7, $0.0e+00;
	v16 =	vmax.f32 v16, $0.0e+00;
	v19 =	vadd.f32 v19, v26;
	v22 =	vld [tilespmem:s0+$0x53B0]  }
0x106: {  	v23 =	vmax.f32 v23, $0.0e+00;
	v11 =	vmax.f32 v11, $0.0e+00;
	v26 =	vadd.f32 v34, v27;
	v27 =	vld [tilespmem:s0+$0x5430]  }
0x107: {  	v17 =	vmax.f32 v17, $0.0e+00;
	v13 =	vmax.f32 v13, $0.0e+00;
	v9 =	vadd.f32 v35, v9;
	v33 =	vld [tilespmem:s0+$0x52C0]  }
0x108: {  	v19 =	vmax.f32 v19, $0.0e+00;
	v26 =	vmax.f32 v26, $0.0e+00;
	v18 =	vadd.f32 v28, v18;
	v28 =	vld [tilespmem:s0+$0x5340]  }
0x109: {  	v8 =	vmin.f32 v8, $1.000000000e+00;
	v34 =	vmax.f32 v9, $0.0e+00;
	v9 =	vadd.f32 v21, v29;
	v21 =	vld [tilespmem:s0+$0x53C0]  }
0x10a: {  	[tilespmem:s0+$0xD280] =	vst v8;
	v8 =	vmin.f32 v14, $1.000000000e+00;
	v14 =	vmax.f32 v18, $0.0e+00;
	v18 =	vadd.f32 v22, v30;
	v22 =	vld [tilespmem:s0+$0x5440]  }
0x10b: {  	[tilespmem:s0+$0xD300] =	vst v8;
	v8 =	vmin.f32 v10, $1.000000000e+00;
	v29 =	vmax.f32 v9, $0.0e+00;
	v9 =	vadd.f32 v27, v12;
	v10 =	vld [tilespmem:s0+$0x52D0]  }
0x10c: {  	v7 =	vmin.f32 v7, $1.000000000e+00;
	[tilespmem:s0+$0xD380] =	vst v8;
	v27 =	vmax.f32 v18, $0.0e+00;
	v8 =	vadd.f32 v31, v33;
	v12 =	vld [tilespmem:s0+$0x5350]  }
0x10d: {  	[tilespmem:s0+$0xD400] =	vst v7;
	v7 =	vmin.f32 v16, $1.000000000e+00;
	v30 =	vmax.f32 v9, $0.0e+00;
	v9 =	vadd.f32 v28, v32;
	v16 =	vld [tilespmem:s0+$0x53D0]  }
0x10e: {  	v18 =	vmin.f32 v23, $1.000000000e+00;
	[tilespmem:s0+$0xD290] =	vst v7;
	v7 =	vmax.f32 v8, $0.0e+00;
	v20 =	vadd.f32 v21, v20;
	v21 =	vld [tilespmem:s0+$0x5450]  }
0x10f: {  	v11 =	vmin.f32 v11, $1.000000000e+00;
	[tilespmem:s0+$0xD310] =	vst v18;
	v8 =	vmax.f32 v9, $0.0e+00;
	v15 =	vadd.f32 v22, v15;
	v18 =	vld [tilespmem:s0+$0x52E0]  }
0x110: {  	[tilespmem:s0+$0xD390] =	vst v11;
	v11 =	vmin.f32 v17, $1.000000000e+00;
	v9 =	vmax.f32 v20, $0.0e+00;
	v17 =	vadd.f32 v36, v10;
	v20 =	vld [tilespmem:s0+$0x5360]  }
0x111: {  	[tilespmem:s0+$0xD410] =	vst v11;
	v11 =	vmin.f32 v13, $1.000000000e+00;
	v10 =	vmax.f32 v15, $0.0e+00;
	v12 =	vadd.f32 v12, v37;
	v22 =	vld [tilespmem:s0+$0x53E0]  }
0x112: {  	v13 =	vmin.f32 v19, $1.000000000e+00;
	[tilespmem:s0+$0xD2A0] =	vst v11;
	v11 =	vmax.f32 v17, $0.0e+00;
	v15 =	vadd.f32 v16, v38;
	v17 =	vld [tilespmem:s0+$0x5460]  }
0x113: {  	[tilespmem:s0+$0xD320] =	vst v13;
	v13 =	vmin.f32 v26, $1.000000000e+00;
	v12 =	vmax.f32 v12, $0.0e+00;
	v16 =	vadd.f32 v21, v24;
	v23 =	vld [tilespmem:s0+$0x52F0]  }
.Ltmp1:
0x114: {  	v19 =	vmin.f32 v34, $1.000000000e+00;
	[tilespmem:s0+$0xD3A0] =	vst v13;
	v13 =	vmax.f32 v15, $0.0e+00;
	v15 =	vadd.f32 v39, v18;
	v18 =	vld [tilespmem:s0+$0x5370];
	(pc) =	sbr.rel @p0 .LBB2_4-.Ltmp1, $4  }
0x115: {  	v21 =	vmin.f32 v14, $1.000000000e+00;
	[tilespmem:s0+$0xD420] =	vst v19;
	v14 =	vmax.f32 v16, $0.0e+00;
	v16 =	vadd.f32 v20, v40;
	v19 =	vld [tilespmem:s0+$0x53F0]  }
0x116: {  	v20 =	vmin.f32 v29, $1.000000000e+00;
	[tilespmem:s0+$0xD2B0] =	vst v21;
	v15 =	vmax.f32 v15, $0.0e+00;
	v22 =	vadd.f32 v22, v41  }
0x117: {  	v21 =	vmin.f32 v27, $1.000000000e+00;
	[tilespmem:s0+$0xD330] =	vst v20;
	v16 =	vmax.f32 v16, $0.0e+00;
	v20 =	vadd.f32 v17, v25  }
0x118: {  	s5 =	sadd.s32 $0x80, s5;
	[tilespmem:s0+$0xD3B0] =	vst v21;
	v21 =	vmin.f32 v30, $1.000000000e+00;
	v17 =	vmax.f32 v22, $0.0e+00;
	v6 =	vadd.f32 v6, v23  }
0x119: {  	[tilespmem:s0+$0xD430] =	vst v21;
	v0 =	vmin.f32 v7, $1.000000000e+00  }
0x11a: {  	v53 =	vmin.f32 v8, $1.000000000e+00;
	[tilespmem:s0+$0xD2C0] =	vst v0  }
0x11b: {  	v54 =	vmin.f32 v9, $1.000000000e+00;
	[tilespmem:s0+$0xD340] =	vst v53  }
0x11c: {  	v1 =	vmin.f32 v10, $1.000000000e+00;
	[tilespmem:s0+$0xD3C0] =	vst v54  }
0x11d: {  	v55 =	vmin.f32 v11, $1.000000000e+00;
	[tilespmem:s0+$0xD440] =	vst v1  }
0x11e: {  	v56 =	vmin.f32 v12, $1.000000000e+00;
	[tilespmem:s0+$0xD2D0] =	vst v55  }
0x11f: {  	v57 =	vmin.f32 v13, $1.000000000e+00;
	[tilespmem:s0+$0xD350] =	vst v56  }
0x120: {  	v58 =	vmin.f32 v14, $1.000000000e+00;
	[tilespmem:s0+$0xD3D0] =	vst v57  }
0x121: {  	v59 =	vmin.f32 v15, $1.000000000e+00;
	[tilespmem:s0+$0xD450] =	vst v58  }
0x122: {  	v60 =	vmin.f32 v16, $1.000000000e+00;
	[tilespmem:s0+$0xD2E0] =	vst v59  }
0x123: {  	v61 =	vmax.f32 v20, $0.0e+00;
	v2 =	vadd.f32 v18, v5;
	v3 =	vmin.f32 v17, $1.000000000e+00;
	[tilespmem:s0+$0xD360] =	vst v60  }
0x124: {  	v62 =	vmax.f32 v6, $0.0e+00;
	v4 =	vadd.f32 v19, v4;
	v0 =	vmin.f32 v61, $1.000000000e+00;
	[tilespmem:s0+$0xD3E0] =	vst v3  }
0x125: {  	v2 =	vmax.f32 v2, $0.0e+00;
	v1 =	vmin.f32 v62, $1.000000000e+00;
	[tilespmem:s0+$0xD460] =	vst v0  }
0x126: {  	v63 =	vmax.f32 v4, $0.0e+00;
	v2 =	vmin.f32 v2, $1.000000000e+00;
	[tilespmem:s0+$0xD2F0] =	vst v1  }
0x127: {  	v0 =	vmin.f32 v63, $1.000000000e+00;
	[tilespmem:s0+$0xD370] =	vst v2  }
0x128: {  	[tilespmem:s0+$0xD3F0] =	vst v0  }
0x129: {  	[hbm4b:s13+s20] =	stream.strided.scatter [tilespmem:s28], [sflag:$0x4], $0x4000, s21, s20, $0x38;
	[tilespmem:$0x11280] =	vst v63  }
0x12a: {  	s0 =	simm.s32 $0x1  }
0x12b: {  	[tilespmem:s23], [sflag:$0x2] =	stream.strided.gather [hbm4b:s14+s20], $0x4000, s21, s20, $0x38;
	[tilespmem:$0x11280] =	vst v63  }
.LBB2_6:
0x12c: {  	_ =	swait.ge [sflag:s24], $0x4000  }
0x12d: {  	[sflag:s24] =	ssyncset.done $0x0  }
0x12e: {  	[sflag:s24] =	ssyncadd.s32 $0xFFFFC000  }
0x12f: {  	_ =	swait.ge [sflag:s29], $0x4000  }
0x130: {  	[sflag:s29] =	ssyncset.done $0x0  }
0x131: {  	s3 =	sshll.u32 s0, $0x3;
	[sflag:s29] =	ssyncadd.s32 $0xFFFFC000  }
0x132: {  	s5 =	simm.s32 $0x40;
	v3 =	vld [tilespmem:s3+$0x1000]  }
0x133: {  	s8 =	simm.s32 $0x1380;
	v7 =	vld [tilespmem:s5+$0x30]  }
0x134: {  	v1 =	vld [tilespmem:s8+$0xFFFFFF70]  }
0x135: {  	v11 =	vld [tilespmem:s5+$0xFFFFFFD0]  }
0x136: {  	v4 =	vld [tilespmem:s5+$0xFFFFFFE0]  }
0x137: {  	v5 =	vld [tilespmem:s5+$0xFFFFFFF0]  }
0x138: {  	v10 =	vld [tilespmem:s5+$0xFFFFFFC0]  }
0x139: {  	v6 =	vld [tilespmem:s5+$0x0]  }
0x13a: {  	v12 =	vld [tilespmem:s8+$0xFFFFFF00]  }
0x13b: {  	v13 =	vld [tilespmem:s8+$0xFFFFFF10];
	v0 =	vbroadcast v3, $0x0  }
0x13c: {  	v18 =	vld [tilespmem:s8+$0xFFFFFF20]  }
0x13d: {  	s12 =	simm.s32 $0xC0;
	v20 =	vld [tilespmem:s8+$0xFFFFFF30];
	v2 =	vmul.f32 v7, v0  }
0x13e: {  	v30 =	vld [tilespmem:s12+$0xFFFFFFC0]  }
0x13f: {  	v21 =	vld [tilespmem:s8+$0xFFFFFF40];
	v14 =	vmul.f32 v10, v0;
	v1 =	vadd.f32 v2, v1  }
0x140: {  	v15 =	vmul.f32 v11, v0;
	v19 =	vmul.f32 v4, v0  }
0x141: {  	v23 =	vmul.f32 v5, v0;
	v25 =	vmul.f32 v6, v0;
	v1 =	vmax.f32 v1, $0.0e+00  }
0x142: {  	s2 =	simm.s32 $0x9380;
	v12 =	vadd.f32 v14, v12;
	v13 =	vadd.f32 v15, v13;
	v2 =	vmin.f32 v1, $1.000000000e+00  }
0x143: {  	v9 =	vld [tilespmem:s5+$0x10];
	v42 =	vmul.f32 v30, v0;
	v18 =	vadd.f32 v19, v18;
	v20 =	vadd.f32 v23, v20;
	[tilespmem:s2+$0xFFFFFF70] =	vst v2  }
0x144: {  	v21 =	vadd.f32 v25, v21;
	v12 =	vmax.f32 v12, $0.0e+00;
	v13 =	vmax.f32 v13, $0.0e+00;
	v16 =	vld [tilespmem:s8+$0xFFFFFFF0]  }
0x145: {  	v24 =	vld [tilespmem:s8+$0xFFFFFF50];
	v18 =	vmax.f32 v18, $0.0e+00;
	v1 =	vbroadcast v3, $0x1;
	v12 =	vmin.f32 v12, $1.000000000e+00  }
0x146: {  	v8 =	vld [tilespmem:s5+$0x20];
	v20 =	vmax.f32 v20, $0.0e+00;
	v18 =	vmin.f32 v18, $1.000000000e+00;
	v2 =	vbroadcast v3, $0x2;
	[tilespmem:s2+$0xFFFFFF00] =	vst v12  }
0x147: {  	v3 =	vbroadcast v3, $0x3;
	v12 =	vmin.f32 v13, $1.000000000e+00;
	v22 =	vmul.f32 v7, v1;
	v19 =	vld [tilespmem:s8+$0xFFFFFF80]  }
0x148: {  	v26 =	vld [tilespmem:s8+$0xFFFFFF60];
	v13 =	vmul.f32 v9, v0;
	[tilespmem:s2+$0xFFFFFF20] =	vst v18;
	v18 =	vmin.f32 v20, $1.000000000e+00;
	v17 =	vmul.f32 v11, v1  }
0x149: {  	v15 =	vmul.f32 v4, v1;
	[tilespmem:s2+$0xFFFFFF10] =	vst v12;
	v12 =	vmul.f32 v10, v1;
	v16 =	vadd.f32 v16, v22  }
0x14a: {  	v46 =	vmul.f32 v30, v1;
	v14 =	vmul.f32 v11, v2;
	v13 =	vadd.f32 v13, v24  }
0x14b: {  	[tilespmem:s2+$0xFFFFFF30] =	vst v18;
	v23 =	vld [tilespmem:s8+$0xFFFFFF90];
	v11 =	vmul.f32 v11, v3;
	v22 =	vmul.f32 v8, v0;
	v16 =	vmax.f32 v16, $0.0e+00  }
0x14c: {  	v13 =	vmax.f32 v13, $0.0e+00;
	v12 =	vadd.f32 v19, v12;
	v19 =	vld [tilespmem:s8+$0xFFFFFFB0];
	v16 =	vmin.f32 v16, $1.000000000e+00  }
0x14d: {  	v13 =	vmin.f32 v13, $1.000000000e+00;
	[tilespmem:s2+$0xFFFFFFF0] =	vst v16;
	v16 =	vmax.f32 v21, $0.0e+00;
	v21 =	vadd.f32 v22, v26;
	v22 =	vld [tilespmem:s8+$0xFFFFFFA0]  }
0x14e: {  	v25 =	vmul.f32 v9, v2;
	v27 =	vmul.f32 v8, v2;
	[tilespmem:s2+$0xFFFFFF50] =	vst v13;
	v20 =	vld [tilespmem:s8+$0x70];
	v16 =	vmin.f32 v16, $1.000000000e+00  }
0x14f: {  	v48 =	vmul.f32 v30, v2;
	v13 =	vmul.f32 v7, v2;
	v18 =	vmax.f32 v21, $0.0e+00;
	[tilespmem:s2+$0xFFFFFF40] =	vst v16  }
0x150: {  	v12 =	vmax.f32 v12, $0.0e+00;
	v16 =	vadd.f32 v23, v17;
	v17 =	vmin.f32 v18, $1.000000000e+00;
	v18 =	vld [tilespmem:s8+$0xFFFFFFC0]  }
0x151: {  	v7 =	vmul.f32 v7, v3;
	v12 =	vmin.f32 v12, $1.000000000e+00;
	v21 =	vmul.f32 v5, v1;
	v23 =	vld [tilespmem:s8+$0xFFFFFFD0]  }
0x152: {  	[tilespmem:s2+$0xFFFFFF60] =	vst v17;
	v16 =	vmax.f32 v16, $0.0e+00;
	v17 =	vmul.f32 v6, v1;
	v15 =	vadd.f32 v22, v15  }
0x153: {  	[tilespmem:s2+$0xFFFFFF80] =	vst v12;
	v19 =	vadd.f32 v19, v21;
	v24 =	vld [tilespmem:s8+$0xFFFFFFE0];
	v12 =	vmin.f32 v16, $1.000000000e+00;
	v13 =	vadd.f32 v20, v13  }
0x154: {  	v16 =	vmul.f32 v9, v1;
	v22 =	vld [tilespmem:s8+$0x0];
	v20 =	vmul.f32 v8, v1;
	[tilespmem:s2+$0xFFFFFF90] =	vst v12;
	v15 =	vmax.f32 v15, $0.0e+00  }
0x155: {  	v21 =	vld [tilespmem:s8+$0x10];
	v13 =	vmax.f32 v13, $0.0e+00;
	v17 =	vadd.f32 v18, v17;
	v15 =	vmin.f32 v15, $1.000000000e+00  }
0x156: {  	v16 =	vadd.f32 v23, v16;
	v18 =	vmax.f32 v19, $0.0e+00;
	v13 =	vmin.f32 v13, $1.000000000e+00;
	[tilespmem:s2+$0xFFFFFFA0] =	vst v15  }
0x157: {  	v12 =	vmul.f32 v10, v2;
	[tilespmem:s2+$0x70] =	vst v13;
	v13 =	vmin.f32 v18, $1.000000000e+00;
	v15 =	vmax.f32 v17, $0.0e+00;
	v19 =	vld [tilespmem:s8+$0x20]  }
0x158: {  	v17 =	vadd.f32 v24, v20;
	v18 =	vld [tilespmem:s8+$0xF0];
	[tilespmem:s2+$0xFFFFFFB0] =	vst v13;
	v13 =	vmin.f32 v15, $1.000000000e+00;
	v15 =	vmax.f32 v16, $0.0e+00  }
0x159: {  	v10 =	vmul.f32 v10, v3;
	v12 =	vadd.f32 v22, v12;
	v20 =	vld [tilespmem:s8+$0x30];
	[tilespmem:s2+$0xFFFFFFC0] =	vst v13;
	v13 =	vmin.f32 v15, $1.000000000e+00  }
0x15a: {  	v23 =	vmul.f32 v6, v2;
	v15 =	vmax.f32 v17, $0.0e+00;
	v14 =	vadd.f32 v21, v14;
	v17 =	vld [tilespmem:s8+$0x40];
	[tilespmem:s2+$0xFFFFFFD0] =	vst v13  }
0x15b: {  	v22 =	vmul.f32 v5, v2;
	v12 =	vmax.f32 v12, $0.0e+00;
	v13 =	vmin.f32 v15, $1.000000000e+00;
	v21 =	vld [tilespmem:s8+$0x50]  }
0x15c: {  	v15 =	vmul.f32 v4, v2;
	v12 =	vmin.f32 v12, $1.000000000e+00;
	[tilespmem:s2+$0xFFFFFFE0] =	vst v13;
	v13 =	vmax.f32 v14, $0.0e+00;
	v14 =	vld [tilespmem:s12+$0x30]  }
0x15d: {  	v16 =	vmul.f32 v4, v3;
	v4 =	vmul.f32 v8, v3;
	[tilespmem:s2+$0x0] =	vst v12;
	v24 =	vld [tilespmem:s8+$0x60];
	v12 =	vmin.f32 v13, $1.000000000e+00  }
0x15e: {  	v26 =	vld [tilespmem:s8+$0x80];
	[tilespmem:s2+$0x10] =	vst v12;
	v7 =	vadd.f32 v18, v7;
	v12 =	vmul.f32 v6, v3;
	v6 =	vadd.f32 v19, v15  }
0x15f: {  	s19 =	simm.s32 $0x1580;
	v13 =	vmul.f32 v5, v3;
	v5 =	vmul.f32 v9, v3;
	v9 =	vld [tilespmem:s12+$0xFFFFFFD0]  }
0x160: {  	v18 =	vld [tilespmem:s19+$0xFFFFFF70];
	v8 =	vadd.f32 v20, v22;
	v7 =	vmax.f32 v7, $0.0e+00;
	v6 =	vmax.f32 v6, $0.0e+00  }
0x161: {  	v19 =	vld [tilespmem:s12+$0xFFFFFFE0];
	v15 =	vadd.f32 v17, v23;
	v7 =	vmin.f32 v7, $1.000000000e+00;
	v20 =	vmin.f32 v6, $1.000000000e+00  }
0x162: {  	v6 =	vmax.f32 v8, $0.0e+00;
	v8 =	vadd.f32 v21, v25;
	v23 =	vmul.f32 v14, v0  }
0x163: {  	v33 =	vld [tilespmem:s19+$0xFFFFFF10];
	v45 =	vmul.f32 v14, v1;
	v15 =	vmax.f32 v15, $0.0e+00;
	v17 =	vadd.f32 v24, v27  }
0x164: {  	v28 =	vld [tilespmem:s8+$0x90];
	v24 =	vmin.f32 v6, $1.000000000e+00;
	v10 =	vadd.f32 v26, v10;
	v26 =	vmul.f32 v9, v1  }
0x165: {  	v22 =	vld [tilespmem:s12+$0x0];
	v25 =	vmin.f32 v15, $1.000000000e+00;
	v18 =	vadd.f32 v23, v18;
	v23 =	vmul.f32 v9, v0  }
0x166: {  	v21 =	vld [tilespmem:s12+$0xFFFFFFF0];
	v6 =	vmax.f32 v8, $0.0e+00;
	v31 =	vmul.f32 v19, v0;
	v32 =	vmul.f32 v19, v1  }
0x167: {  	v36 =	vld [tilespmem:s19+$0xFFFFFF20];
	[tilespmem:s2+$0x20] =	vst v20;
	v20 =	vmul.f32 v19, v2;
	v29 =	vmin.f32 v6, $1.000000000e+00;
	v8 =	vmax.f32 v17, $0.0e+00  }
0x168: {  	v27 =	vld [tilespmem:s12+$0x10];
	v17 =	vmul.f32 v9, v2;
	v6 =	vmul.f32 v9, v3;
	v18 =	vmax.f32 v18, $0.0e+00  }
0x169: {  	s5 =	simm.s32 $0x9580;
	v9 =	vld [tilespmem:s19+$0xFFFFFF00];
	v11 =	vadd.f32 v28, v11;
	v10 =	vmax.f32 v10, $0.0e+00;
	v18 =	vmin.f32 v18, $1.000000000e+00  }
0x16a: {  	v40 =	vld [tilespmem:s19+$0xFFFFFF30];
	v63 =	vmul.f32 v22, v1;
	v34 =	vmin.f32 v8, $1.000000000e+00;
	v41 =	vmin.f32 v10, $1.000000000e+00;
	[tilespmem:s5+$0xFFFFFF70] =	vst v18  }
0x16b: {  	[tilespmem:s2+$0xF0] =	vst v7;
	v23 =	vadd.f32 v23, v33;
	v8 =	vmul.f32 v21, v0;
	v35 =	vmul.f32 v21, v1;
	v37 =	vld [tilespmem:s19+$0xFFFFFFF0]  }
0x16c: {  	v15 =	vld [tilespmem:s12+$0x20];
	[tilespmem:s2+$0x30] =	vst v24;
	v7 =	vadd.f32 v31, v36;
	v24 =	vmul.f32 v21, v2;
	v18 =	vmul.f32 v22, v0  }
0x16d: {  	v44 =	vld [tilespmem:s19+$0xFFFFFF40];
	v11 =	vmax.f32 v11, $0.0e+00;
	v38 =	vmul.f32 v27, v0;
	v39 =	vmul.f32 v27, v1  }
0x16e: {  	v47 =	vld [tilespmem:s19+$0xFFFFFF50];
	v23 =	vmax.f32 v23, $0.0e+00;
	v7 =	vmax.f32 v7, $0.0e+00;
	v9 =	vadd.f32 v42, v9  }
0x16f: {  	v50 =	vld [tilespmem:s19+$0xFFFFFF60];
	v54 =	vmul.f32 v27, v2;
	v58 =	vmin.f32 v11, $1.000000000e+00;
	v11 =	vmul.f32 v27, v3  }
0x170: {  	[tilespmem:s2+$0x40] =	vst v25;
	v23 =	vmin.f32 v23, $1.000000000e+00;
	v9 =	vmax.f32 v9, $0.0e+00;
	v49 =	vadd.f32 v37, v45  }
0x171: {  	v10 =	vmul.f32 v15, v0;
	v43 =	vmul.f32 v15, v1;
	[tilespmem:s5+$0xFFFFFF10] =	vst v23;
	v9 =	vmin.f32 v9, $1.000000000e+00  }
0x172: {  	v8 =	vadd.f32 v8, v40;
	v7 =	vmin.f32 v7, $1.000000000e+00;
	v25 =	vld [tilespmem:s19+$0xFFFFFF90];
	[tilespmem:s5+$0xFFFFFF00] =	vst v9;
	v23 =	vmax.f32 v49, $0.0e+00  }
0x173: {  	v33 =	vadd.f32 v38, v47;
	v9 =	vadd.f32 v18, v44;
	v51 =	vld [tilespmem:s19+$0xFFFFFF80];
	v23 =	vmin.f32 v23, $1.000000000e+00  }
0x174: {  	v52 =	vld [tilespmem:s8+$0xA0];
	v57 =	vmul.f32 v15, v2;
	v8 =	vmax.f32 v8, $0.0e+00;
	v10 =	vadd.f32 v10, v50;
	[tilespmem:s5+$0xFFFFFFF0] =	vst v23  }
0x175: {  	[tilespmem:s5+$0xFFFFFF20] =	vst v7;
	v7 =	vmin.f32 v8, $1.000000000e+00;
	v9 =	vmax.f32 v9, $0.0e+00;
	v23 =	vmax.f32 v33, $0.0e+00;
	v53 =	vld [tilespmem:s19+$0x70]  }
0x176: {  	[tilespmem:s5+$0xFFFFFF30] =	vst v7;
	v7 =	vmax.f32 v10, $0.0e+00;
	v8 =	vmin.f32 v9, $1.000000000e+00;
	v9 =	vmin.f32 v23, $1.000000000e+00;
	v23 =	vld [tilespmem:s19+$0xFFFFFFA0]  }
0x177: {  	v15 =	vmul.f32 v15, v3;
	v55 =	vld [tilespmem:s19+$0xFFFFFFB0];
	v56 =	vmin.f32 v7, $1.000000000e+00;
	v25 =	vadd.f32 v25, v26;
	[tilespmem:s5+$0xFFFFFF40] =	vst v8  }
0x178: {  	v26 =	vmul.f32 v14, v2;
	v8 =	vmul.f32 v19, v3;
	v19 =	vld [tilespmem:s19+$0xFFFFFFC0];
	v36 =	vadd.f32 v51, v46;
	[tilespmem:s5+$0xFFFFFF50] =	vst v9  }
0x179: {  	v18 =	vmul.f32 v22, v2;
	[tilespmem:s5+$0xFFFFFF60] =	vst v56;
	v9 =	vmul.f32 v21, v3;
	v21 =	vld [tilespmem:s19+$0xFFFFFFD0]  }
0x17a: {  	[tilespmem:s2+$0x50] =	vst v29;
	v7 =	vmul.f32 v22, v3;
	v27 =	vld [tilespmem:s19+$0xFFFFFFE0];
	v22 =	vmax.f32 v36, $0.0e+00;
	v26 =	vadd.f32 v53, v26  }
0x17b: {  	v59 =	vld [tilespmem:s8+$0xB0];
	[tilespmem:s2+$0x60] =	vst v34;
	v25 =	vmax.f32 v25, $0.0e+00;
	v22 =	vmin.f32 v22, $1.000000000e+00;
	v23 =	vadd.f32 v23, v32  }
0x17c: {  	v60 =	vld [tilespmem:s8+$0xC0];
	[tilespmem:s5+$0xFFFFFF80] =	vst v22;
	v22 =	vmin.f32 v25, $1.000000000e+00;
	v25 =	vadd.f32 v55, v35;
	v26 =	vmax.f32 v26, $0.0e+00  }
0x17d: {  	v19 =	vadd.f32 v19, v63;
	v61 =	vld [tilespmem:s19+$0x0];
	[tilespmem:s5+$0xFFFFFF90] =	vst v22;
	v22 =	vmax.f32 v23, $0.0e+00;
	v23 =	vmin.f32 v26, $1.000000000e+00  }
0x17e: {  	v25 =	vmax.f32 v25, $0.0e+00;
	v21 =	vadd.f32 v21, v39;
	v26 =	vld [tilespmem:s19+$0x10];
	v22 =	vmin.f32 v22, $1.000000000e+00;
	[tilespmem:s5+$0x70] =	vst v23  }
0x17f: {  	v19 =	vmax.f32 v19, $0.0e+00;
	[tilespmem:s5+$0xFFFFFFA0] =	vst v22;
	v22 =	vmin.f32 v25, $1.000000000e+00;
	v23 =	vadd.f32 v27, v43;
	v25 =	vld [tilespmem:s19+$0xF0]  }
0x180: {  	v16 =	vadd.f32 v52, v16;
	v19 =	vmin.f32 v19, $1.000000000e+00;
	v21 =	vmax.f32 v21, $0.0e+00;
	v27 =	vld [tilespmem:s19+$0x20];
	[tilespmem:s5+$0xFFFFFFB0] =	vst v22  }
0x181: {  	v13 =	vadd.f32 v59, v13;
	[tilespmem:s5+$0xFFFFFFC0] =	vst v19;
	v19 =	vmin.f32 v21, $1.000000000e+00;
	v22 =	vld [tilespmem:s19+$0x30];
	v21 =	vmax.f32 v23, $0.0e+00  }
0x182: {  	v62 =	vld [tilespmem:s19+$0x40];
	v23 =	vadd.f32 v61, v48;
	[tilespmem:s5+$0xFFFFFFD0] =	vst v19;
	v19 =	vmin.f32 v21, $1.000000000e+00;
	v21 =	vmul.f32 v14, v3  }
0x183: {  	v10 =	vmul.f32 v30, v3;
	v14 =	vmax.f32 v16, $0.0e+00;
	v17 =	vadd.f32 v26, v17;
	v26 =	vld [tilespmem:s19+$0x50];
	[tilespmem:s5+$0xFFFFFFE0] =	vst v19  }
0x184: {  	[tilespmem:s2+$0x80] =	vst v41;
	v16 =	vmax.f32 v23, $0.0e+00;
	v63 =	vld [tilespmem:s19+$0x60];
	v23 =	vadd.f32 v25, v21;
	v21 =	vadd.f32 v60, v12  }
0x185: {  	[tilespmem:s2+$0x90] =	vst v58;
	v19 =	vld [tilespmem:s8+$0xD0];
	v12 =	vmin.f32 v16, $1.000000000e+00;
	v16 =	vmax.f32 v17, $0.0e+00;
	v20 =	vadd.f32 v27, v20  }
0x186: {  	v17 =	vld [tilespmem:s8+$0xE0];
	[tilespmem:s5+$0x0] =	vst v12;
	v12 =	vmin.f32 v16, $1.000000000e+00;
	v22 =	vadd.f32 v22, v24;
	v16 =	vmax.f32 v23, $0.0e+00  }
0x187: {  	v24 =	vadd.f32 v62, v18;
	[tilespmem:s5+$0x10] =	vst v12;
	v12 =	vmax.f32 v20, $0.0e+00;
	v18 =	vmin.f32 v16, $1.000000000e+00;
	v16 =	vld [tilespmem:s19+$0x80]  }
0x188: {  	s11 =	simm.s32 $0x80;
	v12 =	vmin.f32 v12, $1.000000000e+00;
	v22 =	vmax.f32 v22, $0.0e+00;
	v20 =	vadd.f32 v26, v54;
	[tilespmem:s5+$0xF0] =	vst v18;
	v18 =	vld [tilespmem:s19+$0x90]  }
0x189: {  	s10 =	simm.s32 $0x1580;
	s12 =	simm.s32 $0x140;
	s8 =	simm.s32 $0x9580;
	v24 =	vmax.f32 v24, $0.0e+00;
	[tilespmem:s5+$0x20] =	vst v12;
	v23 =	vmin.f32 v22, $1.000000000e+00;
	v22 =	vadd.f32 v63, v57  }
.LBB2_7:
0x18a: {  	v12 =	vld [tilespmem:s12+$0x30];
	s11 =	sadd.s32 $0x80, s11;
	[tilespmem:s5+$0x30] =	vst v23;
	v23 =	vmin.f32 v24, $1.000000000e+00;
	v20 =	vmax.f32 v20, $0.0e+00;
	v19 =	vadd.f32 v19, v5;
	v5 =	vmovc v11  }
0x18b: {  	s19 =	sadd.s32 $0x200, s19;
	v17 =	vadd.f32 v17, v4;
	v4 =	vmovc v15;
	v11 =	vld [tilespmem:s12+$0xFFFFFFD0];
	p0 =	slt.u32 s11, $0xF80;
	[tilespmem:s5+$0x40] =	vst v23;
	v20 =	vmin.f32 v20, $1.000000000e+00;
	v22 =	vmax.f32 v22, $0.0e+00  }
0x18c: {  	v15 =	vld [tilespmem:s19+$0xFFFFFF70];
	v10 =	vadd.f32 v16, v10;
	[tilespmem:s5+$0x50] =	vst v20;
	v16 =	vmin.f32 v22, $1.000000000e+00;
	v20 =	vmax.f32 v13, $0.0e+00  }
0x18d: {  	v22 =	vld [tilespmem:s12+$0xFFFFFFE0];
	v6 =	vadd.f32 v18, v6;
	[tilespmem:s5+$0x60] =	vst v16;
	v16 =	vmax.f32 v21, $0.0e+00;
	v18 =	vmax.f32 v19, $0.0e+00  }
0x18e: {  	v13 =	vmin.f32 v14, $1.000000000e+00;
	v17 =	vmax.f32 v17, $0.0e+00;
	v19 =	vld [tilespmem:s12+$0xFFFFFFF0];
	v10 =	vmax.f32 v10, $0.0e+00  }
0x18f: {  	v21 =	vld [tilespmem:s12+$0x0];
	v23 =	vmul.f32 v12, v0;
	v10 =	vmin.f32 v10, $1.000000000e+00;
	v6 =	vmax.f32 v6, $0.0e+00;
	[tilespmem:s2+$0xA0] =	vst v13  }
0x190: {  	v24 =	vmul.f32 v11, v0;
	v25 =	vmul.f32 v11, v1;
	v26 =	vld [tilespmem:s12+$0x10];
	[tilespmem:s5+$0x80] =	vst v10;
	v10 =	vmin.f32 v6, $1.000000000e+00  }
0x191: {  	v13 =	vmul.f32 v11, v2;
	v6 =	vmul.f32 v11, v3;
	v14 =	vld [tilespmem:s12+$0x20];
	v11 =	vadd.f32 v23, v15;
	[tilespmem:s5+$0x90] =	vst v10  }
0x192: {  	v20 =	vmin.f32 v20, $1.000000000e+00;
	v10 =	vld [tilespmem:s12+$0xFFFFFFC0];
	v15 =	vmul.f32 v22, v0;
	v23 =	vmul.f32 v22, v1  }
0x193: {  	v27 =	vld [tilespmem:s19+$0xFFFFFF00];
	v28 =	vmul.f32 v19, v0;
	v29 =	vmul.f32 v19, v1;
	v11 =	vmax.f32 v11, $0.0e+00;
	[tilespmem:s2+$0xB0] =	vst v20  }
0x194: {  	s5 =	sadd.s32 $0x200, s5;
	v20 =	vld [tilespmem:s19+$0xFFFFFF10];
	v30 =	vmul.f32 v21, v0;
	v31 =	vmul.f32 v21, v1;
	v11 =	vmin.f32 v11, $1.000000000e+00  }
0x195: {  	v32 =	vld [tilespmem:s19+$0xFFFFFF20];
	v33 =	vmul.f32 v26, v0;
	v34 =	vmul.f32 v26, v1;
	[tilespmem:s5+$0xFFFFFF70] =	vst v11;
	v11 =	vmin.f32 v16, $1.000000000e+00  }
0x196: {  	v35 =	vmul.f32 v14, v0;
	v36 =	vmul.f32 v14, v1;
	v37 =	vld [tilespmem:s19+$0xFFFFFFF0];
	[tilespmem:s2+$0xC0] =	vst v11;
	v11 =	vmin.f32 v18, $1.000000000e+00  }
0x197: {  	v18 =	vmul.f32 v10, v0;
	v38 =	vmul.f32 v10, v1;
	v39 =	vld [tilespmem:s19+$0xFFFFFF30];
	[tilespmem:s2+$0xD0] =	vst v11;
	v11 =	vmin.f32 v17, $1.000000000e+00  }
0x198: {  	v16 =	vmul.f32 v22, v2;
	v40 =	vmul.f32 v10, v2;
	v17 =	vld [tilespmem:s19+$0xFFFFFF40];
	[tilespmem:s2+$0xE0] =	vst v11;
	s2 =	smov.u32 s8;
	s8 =	smov.u32 s5  }
0x199: {  	v41 =	vmul.f32 v12, v1;
	v11 =	vadd.f32 v18, v27;
	v24 =	vadd.f32 v24, v20;
	v27 =	vld [tilespmem:s19+$0xFFFFFF50]  }
0x19a: {  	v20 =	vmul.f32 v19, v2;
	v18 =	vmul.f32 v21, v2;
	v15 =	vadd.f32 v15, v32;
	v32 =	vld [tilespmem:s19+$0xFFFFFF60]  }
0x19b: {  	v11 =	vmax.f32 v11, $0.0e+00;
	v24 =	vmax.f32 v24, $0.0e+00;
	v37 =	vadd.f32 v37, v41;
	v41 =	vld [tilespmem:s10+$0xA0]  }
0x19c: {  	v11 =	vmin.f32 v11, $1.000000000e+00;
	v15 =	vmax.f32 v15, $0.0e+00;
	v28 =	vadd.f32 v28, v39;
	v39 =	vld [tilespmem:s10+$0xB0]  }
0x19d: {  	[tilespmem:s5+$0xFFFFFF00] =	vst v11;
	v11 =	vmin.f32 v24, $1.000000000e+00;
	v17 =	vadd.f32 v30, v17;
	v24 =	vmax.f32 v37, $0.0e+00;
	v30 =	vld [tilespmem:s10+$0xC0]  }
0x19e: {  	v37 =	vld [tilespmem:s19+$0xFFFFFF80];
	[tilespmem:s5+$0xFFFFFF10] =	vst v11;
	v11 =	vmax.f32 v28, $0.0e+00;
	v27 =	vadd.f32 v33, v27;
	v24 =	vmin.f32 v24, $1.000000000e+00  }
0x19f: {  	v15 =	vmin.f32 v15, $1.000000000e+00;
	v28 =	vld [tilespmem:s19+$0xFFFFFF90];
	v17 =	vmax.f32 v17, $0.0e+00;
	v32 =	vadd.f32 v35, v32;
	[tilespmem:s5+$0xFFFFFFF0] =	vst v24  }
0x1a0: {  	v11 =	vmin.f32 v11, $1.000000000e+00;
	[tilespmem:s5+$0xFFFFFF20] =	vst v15;
	v15 =	vmin.f32 v17, $1.000000000e+00;
	v17 =	vmax.f32 v27, $0.0e+00;
	v24 =	vld [tilespmem:s19+$0x70]  }
0x1a1: {  	v33 =	vmul.f32 v26, v2;
	v27 =	vld [tilespmem:s19+$0xFFFFFFA0];
	[tilespmem:s5+$0xFFFFFF30] =	vst v11;
	v11 =	vmin.f32 v17, $1.000000000e+00;
	v17 =	vmax.f32 v32, $0.0e+00  }
0x1a2: {  	v10 =	vmul.f32 v10, v3;
	v35 =	vmul.f32 v14, v2;
	v32 =	vld [tilespmem:s19+$0xFFFFFFB0];
	[tilespmem:s5+$0xFFFFFF40] =	vst v15;
	v15 =	vmin.f32 v17, $1.000000000e+00  }
0x1a3: {  	v22 =	vmul.f32 v22, v3;
	v17 =	vadd.f32 v37, v38;
	v37 =	vld [tilespmem:s19+$0xFFFFFFC0];
	[tilespmem:s5+$0xFFFFFF50] =	vst v11;
	v38 =	vmul.f32 v12, v2  }
0x1a4: {  	v42 =	vmul.f32 v21, v3;
	v25 =	vadd.f32 v28, v25;
	v28 =	vmul.f32 v19, v3;
	v21 =	vld [tilespmem:s19+$0xFFFFFFD0];
	[tilespmem:s5+$0xFFFFFF60] =	vst v15  }
0x1a5: {  	v11 =	vmul.f32 v26, v3;
	v15 =	vmax.f32 v17, $0.0e+00;
	v26 =	vld [tilespmem:s19+$0xFFFFFFE0];
	v17 =	vadd.f32 v24, v38  }
0x1a6: {  	v15 =	vmin.f32 v15, $1.000000000e+00;
	v24 =	vmax.f32 v25, $0.0e+00;
	v23 =	vadd.f32 v27, v23;
	v19 =	vld [tilespmem:s10+$0xD0]  }
0x1a7: {  	[tilespmem:s5+$0xFFFFFF80] =	vst v15;
	v15 =	vmin.f32 v24, $1.000000000e+00;
	v24 =	vadd.f32 v32, v29;
	v25 =	vmax.f32 v17, $0.0e+00;
	v17 =	vld [tilespmem:s10+$0xE0];
	s10 =	smov.u32 s19  }
0x1a8: {  	v27 =	vld [tilespmem:s19+$0x0];
	[tilespmem:s5+$0xFFFFFF90] =	vst v15;
	v15 =	vmax.f32 v23, $0.0e+00;
	v23 =	vadd.f32 v37, v31;
	v25 =	vmin.f32 v25, $1.000000000e+00  }
0x1a9: {  	v29 =	vld [tilespmem:s19+$0x10];
	v15 =	vmin.f32 v15, $1.000000000e+00;
	v24 =	vmax.f32 v24, $0.0e+00;
	v21 =	vadd.f32 v21, v34;
	[tilespmem:s5+$0x70] =	vst v25  }
0x1aa: {  	[tilespmem:s5+$0xFFFFFFA0] =	vst v15;
	v15 =	vmin.f32 v24, $1.000000000e+00;
	v23 =	vmax.f32 v23, $0.0e+00;
	v24 =	vadd.f32 v26, v36;
	v25 =	vld [tilespmem:s19+$0xF0]  }
0x1ab: {  	v26 =	vld [tilespmem:s19+$0x20];
	[tilespmem:s5+$0xFFFFFFB0] =	vst v15;
	v23 =	vmin.f32 v23, $1.000000000e+00;
	v21 =	vmax.f32 v21, $0.0e+00;
	v15 =	vmul.f32 v14, v3  }
0x1ac: {  	v31 =	vld [tilespmem:s19+$0x30];
	[tilespmem:s5+$0xFFFFFFC0] =	vst v23;
	v14 =	vmin.f32 v21, $1.000000000e+00;
	v21 =	vmax.f32 v24, $0.0e+00;
	v23 =	vadd.f32 v41, v8;
	v8 =	vmovc v22  }
0x1ad: {  	v12 =	vmul.f32 v12, v3;
	v22 =	vadd.f32 v27, v40;
	v24 =	vld [tilespmem:s19+$0x40];
	[tilespmem:s5+$0xFFFFFFD0] =	vst v14;
	v14 =	vmin.f32 v21, $1.000000000e+00  }
0x1ae: {  	v27 =	vadd.f32 v29, v13;
	v29 =	vld [tilespmem:s19+$0x50];
	[tilespmem:s5+$0xFFFFFFE0] =	vst v14;
	v14 =	vmax.f32 v23, $0.0e+00;
	v13 =	vadd.f32 v39, v9;
	v9 =	vmovc v28  }
0x1af: {  	v21 =	vadd.f32 v30, v7;
	v7 =	vmovc v42;
	v22 =	vmax.f32 v22, $0.0e+00;
	v28 =	vld [tilespmem:s19+$0x60];
	v12 =	vadd.f32 v25, v12  }
.Ltmp2:
0x1b0: {  	v22 =	vmin.f32 v22, $1.000000000e+00;
	v23 =	vmax.f32 v27, $0.0e+00;
	v25 =	vadd.f32 v26, v16;
	(pc) =	sbr.rel @p0 .LBB2_7-.Ltmp2, $4  }
0x1b1: {  	[tilespmem:s5+$0x0] =	vst v22;
	v22 =	vmin.f32 v23, $1.000000000e+00;
	v20 =	vadd.f32 v31, v20;
	v12 =	vmax.f32 v12, $0.0e+00  }
0x1b2: {  	v16 =	vld [tilespmem:s19+$0x80];
	[tilespmem:s5+$0x10] =	vst v22;
	v22 =	vmax.f32 v25, $0.0e+00;
	v24 =	vadd.f32 v24, v18;
	v12 =	vmin.f32 v12, $1.000000000e+00  }
0x1b3: {  	v18 =	vld [tilespmem:s19+$0x90];
	v22 =	vmin.f32 v22, $1.000000000e+00;
	v23 =	vmax.f32 v20, $0.0e+00;
	v20 =	vadd.f32 v29, v33;
	[tilespmem:s5+$0xF0] =	vst v12  }
0x1b4: {  	s12 =	sadd.s32 $0x80, s12;
	[tilespmem:s5+$0x20] =	vst v22;
	v23 =	vmin.f32 v23, $1.000000000e+00;
	v24 =	vmax.f32 v24, $0.0e+00;
	v22 =	vadd.f32 v28, v35  }
0x1b5: {  	_ = 	snop  }
0x1b6: {  	[tilespmem:s5+$0x30] =	vst v23;
	v0 =	vmin.f32 v24, $1.000000000e+00;
	v1 =	vmax.f32 v20, $0.0e+00  }
0x1b7: {  	[tilespmem:s5+$0x40] =	vst v0;
	v0 =	vmin.f32 v1, $1.000000000e+00;
	v1 =	vmax.f32 v22, $0.0e+00;
	v2 =	vadd.f32 v16, v10  }
0x1b8: {  	v3 =	vld [tilespmem:s10+$0xA0];
	[tilespmem:s5+$0x50] =	vst v0;
	v0 =	vmin.f32 v1, $1.000000000e+00;
	v1 =	vadd.f32 v18, v6  }
0x1b9: {  	[tilespmem:s5+$0x60] =	vst v0;
	v6 =	vld [tilespmem:s10+$0xB0];
	v0 =	vmax.f32 v2, $0.0e+00;
	v2 =	vmin.f32 v14, $1.000000000e+00  }
0x1ba: {  	v0 =	vmin.f32 v0, $1.000000000e+00;
	v1 =	vmax.f32 v1, $0.0e+00;
	[tilespmem:s2+$0xA0] =	vst v2;
	v2 =	vld [tilespmem:s10+$0xC0]  }
0x1bb: {  	v5 =	vadd.f32 v19, v5;
	v10 =	vmax.f32 v13, $0.0e+00;
	[tilespmem:s5+$0x80] =	vst v0;
	v0 =	vmin.f32 v1, $1.000000000e+00;
	v1 =	vld [tilespmem:s10+$0xD0]  }
0x1bc: {  	v4 =	vadd.f32 v17, v4;
	v12 =	vmax.f32 v21, $0.0e+00;
	[tilespmem:s5+$0x90] =	vst v0;
	v0 =	vmin.f32 v10, $1.000000000e+00;
	v10 =	vld [tilespmem:s10+$0xE0]  }
0x1bd: {  	v5 =	vmax.f32 v5, $0.0e+00;
	v3 =	vadd.f32 v3, v8;
	[tilespmem:s2+$0xB0] =	vst v0;
	v0 =	vmin.f32 v12, $1.000000000e+00  }
0x1be: {  	v4 =	vmax.f32 v4, $0.0e+00;
	[tilespmem:s2+$0xC0] =	vst v0;
	v0 =	vmin.f32 v5, $1.000000000e+00;
	v5 =	vadd.f32 v6, v9  }
0x1bf: {  	v3 =	vmax.f32 v3, $0.0e+00;
	[tilespmem:s2+$0xD0] =	vst v0;
	v0 =	vmin.f32 v4, $1.000000000e+00;
	v2 =	vadd.f32 v2, v7  }
0x1c0: {  	v3 =	vmin.f32 v3, $1.000000000e+00;
	[tilespmem:s2+$0xE0] =	vst v0;
	v0 =	vadd.f32 v1, v11;
	v1 =	vmax.f32 v5, $0.0e+00  }
0x1c1: {  	[tilespmem:s8+$0xA0] =	vst v3;
	v4 =	vadd.f32 v10, v15;
	v2 =	vmax.f32 v2, $0.0e+00;
	v1 =	vmin.f32 v1, $1.000000000e+00  }
0x1c2: {  	s5 =	sor.u32 s6, s3;
	s10 =	sshll.u32 s0, $0xC;
	v0 =	vmax.f32 v0, $0.0e+00;
	[tilespmem:s8+$0xB0] =	vst v1;
	v1 =	vmin.f32 v2, $1.000000000e+00  }
0x1c3: {  	s2 =	sshll.u32 s5, $0x9;
	s5 =	sadd.s32 $0x1000, s10;
	v2 =	vmax.f32 v4, $0.0e+00;
	[tilespmem:s8+$0xC0] =	vst v1;
	v0 =	vmin.f32 v0, $1.000000000e+00  }
0x1c4: {  	s5 =	sand.u32 $0x3F000, s5;
	[tilespmem:s8+$0xD0] =	vst v0;
	v0 =	vmin.f32 v2, $1.000000000e+00  }
0x1c5: {  	s11 =	sadd.s32 s4, s2;
	s19 =	sor.u32 s7, s5;
	[tilespmem:s8+$0xE0] =	vst v0  }
0x1c6: {  	[hbm4b:s11+s20] =	stream.strided.scatter [tilespmem:s25], [sflag:$0x3], $0x4000, s21, s20, $0x38;
	[tilespmem:$0x11280] =	vst v63  }
0x1c7: {  	s5 =	sadd.s32 s1, s19  }
0x1c8: {  	[tilespmem:s22], [sflag:$0x1] =	stream.strided.gather [hbm4b:s5+s20], $0x4000, s21, s20, $0x38;
	[tilespmem:$0x11280] =	vst v63  }
0x1c9: {  	_ =	swait.ge [sflag:s26], $0x4000  }
0x1ca: {  	[sflag:s26] =	ssyncset.done $0x0  }
0x1cb: {  	[sflag:s26] =	ssyncadd.s32 $0xFFFFC000  }
0x1cc: {  	_ =	swait.ge [sflag:s30], $0x4000  }
0x1cd: {  	[sflag:s30] =	ssyncset.done $0x0  }
0x1ce: {  	[sflag:s30] =	ssyncadd.s32 $0xFFFFC000  }
0x1cf: {  	s12 =	simm.s32 $0x40;
	v3 =	vld [tilespmem:s3+$0x1004]  }
0x1d0: {  	v4 =	vld [tilespmem:s12+$0x30]  }
0x1d1: {  	v5 =	vld [tilespmem:s12+$0xFFFFFFD0]  }
0x1d2: {  	v8 =	vld [tilespmem:s12+$0xFFFFFFE0]  }
0x1d3: {  	v9 =	vld [tilespmem:s12+$0xFFFFFFF0]  }
0x1d4: {  	v10 =	vld [tilespmem:s12+$0x0]  }
0x1d5: {  	v14 =	vld [tilespmem:s12+$0x10]  }
0x1d6: {  	s3 =	simm.s32 $0x0;
	v17 =	vld [tilespmem:s12+$0xFFFFFFC0]  }
0x1d7: {  	v7 =	vld [tilespmem:s3+$0x5470]  }
0x1d8: {  	v20 =	vld [tilespmem:s3+$0x5280];
	v0 =	vbroadcast v3, $0x0  }
0x1d9: {  	v22 =	vld [tilespmem:s3+$0x5300];
	v1 =	vbroadcast v3, $0x3;
	v2 =	vbroadcast v3, $0x1  }
0x1da: {  	v26 =	vld [tilespmem:s3+$0x5400];
	v3 =	vbroadcast v3, $0x2;
	v6 =	vmul.f32 v4, v0  }
0x1db: {  	v31 =	vld [tilespmem:s3+$0x5290];
	v11 =	vmul.f32 v4, v1;
	v12 =	vmul.f32 v5, v0  }
0x1dc: {  	v33 =	vld [tilespmem:s3+$0x5310];
	v13 =	vmul.f32 v5, v2;
	v15 =	vmul.f32 v5, v3  }
0x1dd: {  	v45 =	vld [tilespmem:s3+$0x5390];
	v16 =	vmul.f32 v5, v1;
	v18 =	vmul.f32 v8, v0  }
0x1de: {  	v46 =	vld [tilespmem:s3+$0x5410];
	v19 =	vmul.f32 v8, v2;
	v21 =	vmul.f32 v8, v3  }
0x1df: {  	v47 =	vld [tilespmem:s3+$0x52A0];
	v8 =	vmul.f32 v8, v1;
	v23 =	vmul.f32 v9, v0  }
0x1e0: {  	v48 =	vld [tilespmem:s3+$0x5320];
	v44 =	vmul.f32 v9, v2;
	v27 =	vmul.f32 v10, v0  }
0x1e1: {  	v49 =	vld [tilespmem:s3+$0x53A0];
	v28 =	vmul.f32 v10, v2;
	v29 =	vmul.f32 v17, v0  }
0x1e2: {  	v50 =	vld [tilespmem:s3+$0x5420];
	v30 =	vmul.f32 v17, v2;
	v32 =	vmul.f32 v17, v3  }
0x1e3: {  	v51 =	vld [tilespmem:s3+$0x52B0];
	v17 =	vmul.f32 v17, v1;
	v34 =	vmul.f32 v10, v3;
	v7 =	vadd.f32 v7, v11  }
0x1e4: {  	v58 =	vld [tilespmem:s3+$0x5440];
	v10 =	vmul.f32 v10, v1;
	v20 =	vadd.f32 v29, v20;
	v22 =	vadd.f32 v22, v30  }
0x1e5: {  	v61 =	vld [tilespmem:s3+$0x5450];
	v35 =	vmul.f32 v14, v0;
	v17 =	vadd.f32 v26, v17;
	v12 =	vadd.f32 v12, v31  }
0x1e6: {  	v63 =	vld [tilespmem:s3+$0x52F0];
	v36 =	vmul.f32 v14, v2;
	v13 =	vadd.f32 v33, v13;
	v15 =	vadd.f32 v45, v15  }
0x1e7: {  	v37 =	vmul.f32 v14, v3;
	v16 =	vadd.f32 v46, v16;
	v18 =	vadd.f32 v18, v47  }
0x1e8: {  	v14 =	vmul.f32 v14, v1;
	v19 =	vadd.f32 v48, v19;
	v21 =	vadd.f32 v49, v21  }
0x1e9: {  	v25 =	vmul.f32 v9, v3;
	v8 =	vadd.f32 v50, v8;
	v23 =	vadd.f32 v23, v51  }
0x1ea: {  	v9 =	vmul.f32 v9, v1;
	v11 =	vld [tilespmem:s3+$0x5380];
	v10 =	vadd.f32 v58, v10;
	v14 =	vadd.f32 v61, v14  }
0x1eb: {  	v6 =	vadd.f32 v6, v63;
	v7 =	vmax.f32 v7, $0.0e+00;
	v20 =	vmax.f32 v20, $0.0e+00  }
0x1ec: {  	v53 =	vld [tilespmem:s3+$0x53B0];
	v22 =	vmax.f32 v22, $0.0e+00;
	v17 =	vmax.f32 v17, $0.0e+00;
	v12 =	vmax.f32 v12, $0.0e+00  }
0x1ed: {  	v5 =	vld [tilespmem:s12+$0x20];
	v13 =	vmax.f32 v13, $0.0e+00;
	v15 =	vmax.f32 v15, $0.0e+00;
	v16 =	vmax.f32 v16, $0.0e+00  }
0x1ee: {  	v18 =	vmax.f32 v18, $0.0e+00;
	v19 =	vmax.f32 v19, $0.0e+00;
	v7 =	vmin.f32 v7, $1.000000000e+00  }
0x1ef: {  	v52 =	vld [tilespmem:s3+$0x5330];
	v21 =	vmax.f32 v21, $0.0e+00;
	[tilespmem:s3+$0xD470] =	vst v7;
	v7 =	vmin.f32 v20, $1.000000000e+00;
	v11 =	vadd.f32 v11, v32  }
0x1f0: {  	v54 =	vld [tilespmem:s3+$0x5430];
	v10 =	vmax.f32 v10, $0.0e+00;
	v13 =	vmin.f32 v13, $1.000000000e+00;
	[tilespmem:s3+$0xD280] =	vst v7;
	v7 =	vmin.f32 v22, $1.000000000e+00  }
0x1f1: {  	v55 =	vld [tilespmem:s3+$0x52C0];
	[tilespmem:s3+$0xD310] =	vst v13;
	v22 =	vmax.f32 v23, $0.0e+00;
	v23 =	vadd.f32 v53, v25;
	v11 =	vmax.f32 v11, $0.0e+00  }
0x1f2: {  	v56 =	vld [tilespmem:s3+$0x5340];
	v14 =	vmax.f32 v14, $0.0e+00;
	v38 =	vmul.f32 v5, v0;
	[tilespmem:s3+$0xD300] =	vst v7;
	v7 =	vmin.f32 v11, $1.000000000e+00  }
0x1f3: {  	v13 =	vmin.f32 v15, $1.000000000e+00;
	[tilespmem:s3+$0xD380] =	vst v7;
	v7 =	vmin.f32 v17, $1.000000000e+00;
	v17 =	vmax.f32 v23, $0.0e+00;
	v23 =	vld [tilespmem:s3+$0x5350]  }
0x1f4: {  	v57 =	vld [tilespmem:s3+$0x53C0];
	v39 =	vmul.f32 v5, v2;
	v40 =	vmul.f32 v5, v3;
	v20 =	vmax.f32 v8, $0.0e+00;
	[tilespmem:s3+$0xD390] =	vst v13  }
0x1f5: {  	v8 =	vadd.f32 v52, v44;
	v13 =	vmin.f32 v16, $1.000000000e+00;
	[tilespmem:s3+$0xD400] =	vst v7;
	v7 =	vmin.f32 v12, $1.000000000e+00;
	v12 =	vld [tilespmem:s3+$0x53D0]  }
0x1f6: {  	v41 =	vmul.f32 v5, v1;
	v5 =	vmul.f32 v4, v2;
	v15 =	vld [tilespmem:s3+$0x52E0];
	[tilespmem:s3+$0xD410] =	vst v13;
	v13 =	vmin.f32 v18, $1.000000000e+00  }
0x1f7: {  	v16 =	vld [tilespmem:s3+$0x5360];
	v59 =	vmax.f32 v8, $0.0e+00;
	v8 =	vadd.f32 v54, v9;
	[tilespmem:s3+$0xD2A0] =	vst v13;
	v13 =	vmin.f32 v19, $1.000000000e+00  }
0x1f8: {  	v4 =	vmul.f32 v4, v3;
	v11 =	vld [tilespmem:s3+$0x52D0];
	[tilespmem:s3+$0xD320] =	vst v13;
	v13 =	vmin.f32 v21, $1.000000000e+00;
	v18 =	vadd.f32 v23, v36  }
0x1f9: {  	v9 =	vadd.f32 v27, v55;
	v60 =	vmax.f32 v8, $0.0e+00;
	v8 =	vadd.f32 v56, v28;
	[tilespmem:s3+$0xD3A0] =	vst v13;
	v23 =	vld [tilespmem:s3+$0x53E0]  }
0x1fa: {  	v62 =	vld [tilespmem:s3+$0x5460];
	[tilespmem:s3+$0xD290] =	vst v7;
	v19 =	vadd.f32 v12, v37;
	v12 =	vmax.f32 v18, $0.0e+00;
	v18 =	vmin.f32 v20, $1.000000000e+00  }
0x1fb: {  	v15 =	vadd.f32 v38, v15;
	v21 =	vmin.f32 v60, $1.000000000e+00;
	[tilespmem:s3+$0xD420] =	vst v18;
	v18 =	vmin.f32 v22, $1.000000000e+00  }
0x1fc: {  	v8 =	vmax.f32 v8, $0.0e+00;
	v13 =	vmax.f32 v19, $0.0e+00;
	v19 =	vmin.f32 v59, $1.000000000e+00;
	[tilespmem:s3+$0xD2B0] =	vst v18;
	v18 =	vld [tilespmem:s3+$0x5370]  }
0x1fd: {  	v16 =	vadd.f32 v16, v39;
	v7 =	vmax.f32 v9, $0.0e+00;
	v9 =	vadd.f32 v57, v34;
	[tilespmem:s3+$0xD330] =	vst v19;
	v19 =	vld [tilespmem:s3+$0x53F0]  }
0x1fe: {  	v17 =	vmin.f32 v17, $1.000000000e+00;
	v11 =	vadd.f32 v35, v11;
	v22 =	vadd.f32 v23, v40  }
0x1ff: {  	v15 =	vmax.f32 v15, $0.0e+00;
	v16 =	vmax.f32 v16, $0.0e+00;
	v20 =	vadd.f32 v62, v41  }
0x200: {  	s10 =	simm.s32 $0xC0;
	s8 =	simm.s32 $0x0;
	s5 =	simm.s32 $0x0;
	[tilespmem:s3+$0xD3B0] =	vst v17;
	v9 =	vmax.f32 v9, $0.0e+00;
	v11 =	vmax.f32 v11, $0.0e+00;
	v17 =	vmax.f32 v22, $0.0e+00  }
.LBB2_9:
0x201: {  	v22 =	vld [tilespmem:s10+$0x30];
	s8 =	sadd.s32 $0x80, s8;
	[tilespmem:s3+$0xD430] =	vst v21;
	v7 =	vmin.f32 v7, $1.000000000e+00;
	v20 =	vmax.f32 v20, $0.0e+00;
	v5 =	vadd.f32 v18, v5;
	s5 =	sadd.s32 $0x800, s5  }
0x202: {  	s11 =	sshra.s32 s5, $0x2;
	v18 =	vld [tilespmem:s10+$0xFFFFFFD0];
	p0 =	slt.u32 s8, $0xF80;
	[tilespmem:s3+$0xD2C0] =	vst v7;
	v7 =	vmin.f32 v8, $1.000000000e+00;
	v8 =	vmax.f32 v6, $0.0e+00;
	v4 =	vadd.f32 v19, v4  }
0x203: {  	v6 =	vmin.f32 v9, $1.000000000e+00;
	v19 =	vld [tilespmem:s11+$0x5470];
	[tilespmem:s3+$0xD340] =	vst v7;
	v7 =	vmin.f32 v10, $1.000000000e+00;
	v5 =	vmax.f32 v5, $0.0e+00  }
0x204: {  	v10 =	vmin.f32 v11, $1.000000000e+00;
	v11 =	vmin.f32 v12, $1.000000000e+00;
	v9 =	vld [tilespmem:s10+$0xFFFFFFE0];
	[tilespmem:s3+$0xD3C0] =	vst v6;
	v4 =	vmax.f32 v4, $0.0e+00  }
0x205: {  	v12 =	vld [tilespmem:s10+$0xFFFFFFF0];
	[tilespmem:s3+$0xD440] =	vst v7;
	v7 =	vmin.f32 v13, $1.000000000e+00;
	v13 =	vmin.f32 v14, $1.000000000e+00;
	v14 =	vmin.f32 v15, $1.000000000e+00  }
0x206: {  	v15 =	vld [tilespmem:s10+$0x0];
	v6 =	vmul.f32 v22, v0;
	v21 =	vmul.f32 v22, v1;
	[tilespmem:s3+$0xD2D0] =	vst v10;
	v10 =	vmin.f32 v16, $1.000000000e+00  }
0x207: {  	v16 =	vmul.f32 v18, v0;
	v23 =	vmul.f32 v18, v2;
	v24 =	vld [tilespmem:s10+$0x10];
	[tilespmem:s3+$0xD350] =	vst v11;
	v11 =	vmin.f32 v17, $1.000000000e+00  }
0x208: {  	v17 =	vmul.f32 v18, v3;
	v18 =	vmul.f32 v18, v1;
	v25 =	vld [tilespmem:s10+$0x20];
	v19 =	vadd.f32 v19, v21;
	[tilespmem:s3+$0xD3D0] =	vst v7  }
0x209: {  	v7 =	vld [tilespmem:s10+$0xFFFFFFC0];
	v21 =	vmul.f32 v9, v0;
	v26 =	vmul.f32 v9, v2;
	[tilespmem:s3+$0xD450] =	vst v13;
	v13 =	vmin.f32 v20, $1.000000000e+00  }
0x20a: {  	v27 =	vmul.f32 v9, v3;
	v9 =	vmul.f32 v9, v1;
	v20 =	vld [tilespmem:s11+$0x5280];
	v19 =	vmax.f32 v19, $0.0e+00;
	[tilespmem:s3+$0xD2E0] =	vst v14  }
0x20b: {  	v28 =	vmul.f32 v12, v0;
	v29 =	vmul.f32 v12, v2;
	v14 =	vld [tilespmem:s11+$0x5300];
	v19 =	vmin.f32 v19, $1.000000000e+00;
	[tilespmem:s3+$0xD360] =	vst v10  }
0x20c: {  	v8 =	vmin.f32 v8, $1.000000000e+00;
	v30 =	vmul.f32 v12, v3;
	v12 =	vmul.f32 v12, v1;
	v10 =	vld [tilespmem:s11+$0x5380];
	[tilespmem:s11+$0xD470] =	vst v19  }
0x20d: {  	v5 =	vmin.f32 v5, $1.000000000e+00;
	v31 =	vmul.f32 v15, v0;
	v32 =	vmul.f32 v15, v2;
	v19 =	vld [tilespmem:s11+$0x5400];
	[tilespmem:s3+$0xD3E0] =	vst v11  }
0x20e: {  	v4 =	vmin.f32 v4, $1.000000000e+00;
	v11 =	vmul.f32 v7, v0;
	v33 =	vmul.f32 v7, v2;
	v34 =	vld [tilespmem:s11+$0x5290];
	[tilespmem:s3+$0xD460] =	vst v13  }
0x20f: {  	v13 =	vmul.f32 v7, v3;
	v7 =	vmul.f32 v7, v1;
	v35 =	vld [tilespmem:s11+$0x5310];
	[tilespmem:s3+$0xD2F0] =	vst v8  }
0x210: {  	v8 =	vadd.f32 v11, v20;
	v11 =	vld [tilespmem:s11+$0x5390];
	v20 =	vmul.f32 v15, v3;
	v15 =	vmul.f32 v15, v1;
	[tilespmem:s3+$0xD370] =	vst v5  }
0x211: {  	v36 =	vmul.f32 v24, v0;
	v37 =	vmul.f32 v24, v2;
	v14 =	vadd.f32 v14, v33;
	v33 =	vld [tilespmem:s11+$0x5410];
	[tilespmem:s3+$0xD3F0] =	vst v4;
	s3 =	smov.u32 s11  }
0x212: {  	v38 =	vmul.f32 v24, v3;
	v24 =	vmul.f32 v24, v1;
	v10 =	vadd.f32 v10, v13;
	v13 =	vld [tilespmem:s3+$0x52A0]  }
0x213: {  	v39 =	vmul.f32 v25, v0;
	v40 =	vmul.f32 v25, v2;
	v7 =	vadd.f32 v19, v7;
	v19 =	vld [tilespmem:s3+$0x5320]  }
0x214: {  	v41 =	vmul.f32 v25, v3;
	v25 =	vmul.f32 v25, v1;
	v16 =	vadd.f32 v16, v34;
	v34 =	vld [tilespmem:s3+$0x53A0]  }
0x215: {  	v5 =	vmul.f32 v22, v2;
	v4 =	vmul.f32 v22, v3;
	v23 =	vadd.f32 v35, v23;
	v35 =	vld [tilespmem:s3+$0x5420]  }
0x216: {  	v8 =	vmax.f32 v8, $0.0e+00;
	v11 =	vadd.f32 v11, v17;
	v17 =	vadd.f32 v33, v18;
	v18 =	vld [tilespmem:s3+$0x52B0]  }
0x217: {  	v14 =	vmax.f32 v14, $0.0e+00;
	v10 =	vmax.f32 v10, $0.0e+00;
	v13 =	vadd.f32 v21, v13;
	v21 =	vld [tilespmem:s3+$0x5330]  }
0x218: {  	v7 =	vmax.f32 v7, $0.0e+00;
	v16 =	vmax.f32 v16, $0.0e+00;
	v19 =	vadd.f32 v19, v26;
	v22 =	vld [tilespmem:s3+$0x53B0]  }
0x219: {  	v23 =	vmax.f32 v23, $0.0e+00;
	v11 =	vmax.f32 v11, $0.0e+00;
	v26 =	vadd.f32 v34, v27;
	v27 =	vld [tilespmem:s3+$0x5430]  }
0x21a: {  	v17 =	vmax.f32 v17, $0.0e+00;
	v13 =	vmax.f32 v13, $0.0e+00;
	v9 =	vadd.f32 v35, v9;
	v33 =	vld [tilespmem:s3+$0x52C0]  }
0x21b: {  	v19 =	vmax.f32 v19, $0.0e+00;
	v26 =	vmax.f32 v26, $0.0e+00;
	v18 =	vadd.f32 v28, v18;
	v28 =	vld [tilespmem:s3+$0x5340]  }
0x21c: {  	v8 =	vmin.f32 v8, $1.000000000e+00;
	v34 =	vmax.f32 v9, $0.0e+00;
	v9 =	vadd.f32 v21, v29;
	v21 =	vld [tilespmem:s3+$0x53C0]  }
0x21d: {  	[tilespmem:s3+$0xD280] =	vst v8;
	v8 =	vmin.f32 v14, $1.000000000e+00;
	v14 =	vmax.f32 v18, $0.0e+00;
	v18 =	vadd.f32 v22, v30;
	v22 =	vld [tilespmem:s3+$0x5440]  }
0x21e: {  	[tilespmem:s3+$0xD300] =	vst v8;
	v8 =	vmin.f32 v10, $1.000000000e+00;
	v29 =	vmax.f32 v9, $0.0e+00;
	v9 =	vadd.f32 v27, v12;
	v10 =	vld [tilespmem:s3+$0x52D0]  }
0x21f: {  	v7 =	vmin.f32 v7, $1.000000000e+00;
	[tilespmem:s3+$0xD380] =	vst v8;
	v27 =	vmax.f32 v18, $0.0e+00;
	v8 =	vadd.f32 v31, v33;
	v12 =	vld [tilespmem:s3+$0x5350]  }
0x220: {  	[tilespmem:s3+$0xD400] =	vst v7;
	v7 =	vmin.f32 v16, $1.000000000e+00;
	v30 =	vmax.f32 v9, $0.0e+00;
	v9 =	vadd.f32 v28, v32;
	v16 =	vld [tilespmem:s3+$0x53D0]  }
0x221: {  	v18 =	vmin.f32 v23, $1.000000000e+00;
	[tilespmem:s3+$0xD290] =	vst v7;
	v7 =	vmax.f32 v8, $0.0e+00;
	v20 =	vadd.f32 v21, v20;
	v21 =	vld [tilespmem:s3+$0x5450]  }
0x222: {  	v11 =	vmin.f32 v11, $1.000000000e+00;
	[tilespmem:s3+$0xD310] =	vst v18;
	v8 =	vmax.f32 v9, $0.0e+00;
	v15 =	vadd.f32 v22, v15;
	v18 =	vld [tilespmem:s3+$0x52E0]  }
0x223: {  	[tilespmem:s3+$0xD390] =	vst v11;
	v11 =	vmin.f32 v17, $1.000000000e+00;
	v9 =	vmax.f32 v20, $0.0e+00;
	v17 =	vadd.f32 v36, v10;
	v20 =	vld [tilespmem:s3+$0x5360]  }
0x224: {  	[tilespmem:s3+$0xD410] =	vst v11;
	v11 =	vmin.f32 v13, $1.000000000e+00;
	v10 =	vmax.f32 v15, $0.0e+00;
	v12 =	vadd.f32 v12, v37;
	v22 =	vld [tilespmem:s3+$0x53E0]  }
0x225: {  	v13 =	vmin.f32 v19, $1.000000000e+00;
	[tilespmem:s3+$0xD2A0] =	vst v11;
	v11 =	vmax.f32 v17, $0.0e+00;
	v15 =	vadd.f32 v16, v38;
	v17 =	vld [tilespmem:s3+$0x5460]  }
0x226: {  	[tilespmem:s3+$0xD320] =	vst v13;
	v13 =	vmin.f32 v26, $1.000000000e+00;
	v12 =	vmax.f32 v12, $0.0e+00;
	v16 =	vadd.f32 v21, v24;
	v23 =	vld [tilespmem:s3+$0x52F0]  }
.Ltmp3:
0x227: {  	v19 =	vmin.f32 v34, $1.000000000e+00;
	[tilespmem:s3+$0xD3A0] =	vst v13;
	v13 =	vmax.f32 v15, $0.0e+00;
	v15 =	vadd.f32 v39, v18;
	v18 =	vld [tilespmem:s3+$0x5370];
	(pc) =	sbr.rel @p0 .LBB2_9-.Ltmp3, $4  }
0x228: {  	v21 =	vmin.f32 v14, $1.000000000e+00;
	[tilespmem:s3+$0xD420] =	vst v19;
	v14 =	vmax.f32 v16, $0.0e+00;
	v16 =	vadd.f32 v20, v40;
	v19 =	vld [tilespmem:s3+$0x53F0]  }
0x229: {  	v20 =	vmin.f32 v29, $1.000000000e+00;
	[tilespmem:s3+$0xD2B0] =	vst v21;
	v15 =	vmax.f32 v15, $0.0e+00;
	v22 =	vadd.f32 v22, v41  }
0x22a: {  	v21 =	vmin.f32 v27, $1.000000000e+00;
	[tilespmem:s3+$0xD330] =	vst v20;
	v16 =	vmax.f32 v16, $0.0e+00;
	v20 =	vadd.f32 v17, v25  }
0x22b: {  	s10 =	sadd.s32 $0x80, s10;
	[tilespmem:s3+$0xD3B0] =	vst v21;
	v21 =	vmin.f32 v30, $1.000000000e+00;
	v17 =	vmax.f32 v22, $0.0e+00;
	v6 =	vadd.f32 v6, v23  }
0x22c: {  	[tilespmem:s3+$0xD430] =	vst v21;
	v0 =	vmin.f32 v7, $1.000000000e+00  }
0x22d: {  	v53 =	vmin.f32 v8, $1.000000000e+00;
	[tilespmem:s3+$0xD2C0] =	vst v0  }
0x22e: {  	v54 =	vmin.f32 v9, $1.000000000e+00;
	[tilespmem:s3+$0xD340] =	vst v53  }
0x22f: {  	v1 =	vmin.f32 v10, $1.000000000e+00;
	[tilespmem:s3+$0xD3C0] =	vst v54  }
0x230: {  	v55 =	vmin.f32 v11, $1.000000000e+00;
	[tilespmem:s3+$0xD440] =	vst v1  }
0x231: {  	v56 =	vmin.f32 v12, $1.000000000e+00;
	[tilespmem:s3+$0xD2D0] =	vst v55  }
0x232: {  	v57 =	vmin.f32 v13, $1.000000000e+00;
	[tilespmem:s3+$0xD350] =	vst v56  }
0x233: {  	v58 =	vmin.f32 v14, $1.000000000e+00;
	[tilespmem:s3+$0xD3D0] =	vst v57  }
0x234: {  	v59 =	vmin.f32 v15, $1.000000000e+00;
	[tilespmem:s3+$0xD450] =	vst v58  }
0x235: {  	v60 =	vmin.f32 v16, $1.000000000e+00;
	[tilespmem:s3+$0xD2E0] =	vst v59  }
0x236: {  	v61 =	vmax.f32 v20, $0.0e+00;
	v2 =	vadd.f32 v18, v5;
	v3 =	vmin.f32 v17, $1.000000000e+00;
	[tilespmem:s3+$0xD360] =	vst v60  }
0x237: {  	v62 =	vmax.f32 v6, $0.0e+00;
	v4 =	vadd.f32 v19, v4;
	v0 =	vmin.f32 v61, $1.000000000e+00;
	[tilespmem:s3+$0xD3E0] =	vst v3  }
0x238: {  	s0 =	sadd.s32 $0x1, s0;
	v2 =	vmax.f32 v2, $0.0e+00;
	v1 =	vmin.f32 v62, $1.000000000e+00;
	[tilespmem:s3+$0xD460] =	vst v0  }
0x239: {  	p0 =	sne.s32 s0, $0x40;
	v63 =	vmax.f32 v4, $0.0e+00;
	v2 =	vmin.f32 v2, $1.000000000e+00;
	[tilespmem:s3+$0xD2F0] =	vst v1  }
.Ltmp4:
0x23a: {  	v0 =	vmin.f32 v63, $1.000000000e+00;
	[tilespmem:s3+$0xD370] =	vst v2;
	(pc) =	sbr.rel @p0 .LBB2_6-.Ltmp4, $4  }
0x23b: {  	s2 =	sadd.s32 s2, s15;
	[tilespmem:s3+$0xD3F0] =	vst v0  }
0x23c: {  	[hbm4b:s2+s20] =	stream.strided.scatter [tilespmem:s28], [sflag:$0x4], $0x4000, s21, s20, $0x38;
	[tilespmem:$0x11280] =	vst v63  }
0x23d: {  	s19 =	sadd.s32 s19, s16  }
0x23e: {  	[tilespmem:s23], [sflag:$0x2] =	stream.strided.gather [hbm4b:s19+s20], $0x4000, s21, s20, $0x38;
	[tilespmem:$0x11280] =	vst v63  }
0x23f: {  	_ =	swait.ge [sflag:s24], $0x4000  }
0x240: {  	[sflag:s24] =	ssyncset.done $0x0  }
0x241: {  	[sflag:s24] =	ssyncadd.s32 $0xFFFFC000  }
0x242: {  	_ =	swait.ge [sflag:s29], $0x4000  }
0x243: {  	[sflag:s29] =	ssyncset.done $0x0  }
0x244: {  	s31 =	sadd.s32 $0x1, s31;
	[sflag:s29] =	ssyncadd.s32 $0xFFFFC000  }
0x245: {  	p0 =	sne.s32 s31, s17;
	_ =	swait.ge [sflag:s26], $0x4000  }
.Ltmp5:
0x246: {  	[sflag:s26] =	ssyncset.done $0x0;
	(pc) =	sbr.rel @p0 .LBB2_1-.Ltmp5, $4  }
0x247: {  	[sflag:s26] =	ssyncadd.s32 $0xFFFFC000  }
0x248: {  	_ =	swait.ge [sflag:s30], $0x4000  }
0x249: {  	[sflag:s30] =	ssyncset.done $0x0  }
0x24a: {  	[sflag:s30] =	ssyncadd.s32 $0xFFFFC000  }
0x24b: {  	_ =	sfence.sel $0x180000  }
0x24c: {  	[bflag:$0x0] =	sbarrier.arrive $0xFFFF  }
0x24d: {  	_ =	strace $0x90000047  }
0x24e: {  	s0 =	stileid.u32;
	[bflag:$0x2] =	sbarrier.arrive $0xFFFF  }
0x24f: {  	p0 =	sne.s32 s0, $0x0;
	s0 =	rddreg [dreg:$0x4]  }
0x250: {  	s0 =	sadd.s32 @!p0 $0x100000, s0  }
0x251: {  	[sflag:s0] =	ssyncadd.tile.s32 @!p0 $0x1;
	_ =	shalt  }
.Lfunc_end2:
_tile_overlayer_lowered:
.L_overlay_start_2:
0x252: {  	(tag) =	ssettag $0x2  }
0x253: {  	s0 =	rddreg [dreg:$0x0];
	s2 =	stileid.u32  }
0x254: {  	s1 =	rddreg [dreg:$0x1];
	p0 =	sne.s32 s2, $0x0  }
0x255: {  	s3 =	rddreg [dreg:$0x2];
	[bflag:$0x3] =	sbarrier.arrive $0xFFFF;
	s2 =	simm.s32 @!p0 $0x1C05  }
0x256: {  	[timem:s3], [sflag:s2] =	dma.local @!p0 [hbm:s0], s1  }
0x257: {  	s0 =	simm.s32 @!p0 $0x5  }
0x258: {  	_ =	swait.ge @!p0 [sflag:s0], s1  }
0x259: {  	s1 =	ssub.s32 @!p0 $0x0, s1;
	[sflag:s0] =	ssyncset.done @!p0 $0x0  }
0x25a: {  	[sflag:s0] =	ssyncadd.s32 @!p0 s1  }
0x25b: {  	[bflag:$0x3] =	sbarrier.arrive $0xFFFF  }
0x25c: {  	_ =	shalt  }

</sc_bundles>
